<compile_context>
chip_gen: v7x
topology: tpu7x:2x2x1
jax: 0.10.2.dev20260603
libtpu: 0.0.44.dev20260713+nightly
codegen_flags: <defaults>
</compile_context>

<pallas_src>
import functools

import jax
import jax.numpy as jnp
from jax import lax
from jax.experimental import pallas as pl
from jax.experimental.pallas import tpu as pltpu
from jax.experimental.pallas import tpu_sc as plsc

_B, _N, _IN, _HID, _OUT, _K = 16, 1024, 768, 64, 64, 1024
_ROWS = _B * _N
_BLK = 1024
_GRID = _ROWS // _BLK

_NC, _NS = 2, 16
_NW = _NC * _NS
_RPW = _ROWS // _NW
_CH = 128
_NCH = _RPW // _CH


_KC = 256
_NKC = _K // _KC


def _tc_body(obs_ref, w1_ref, b1_ref, w2_ref, b2_ref, w3_ref, b3_ref,
             cb_ref, idx_ref, loss_ref):
    h = jnp.maximum(
        jnp.dot(obs_ref[...], w1_ref[...], preferred_element_type=jnp.float32)
        + b1_ref[...], 0.0)
    h = jnp.maximum(
        jnp.dot(h, w2_ref[...], preferred_element_type=jnp.float32)
        + b2_ref[...], 0.0)
    z = (jnp.dot(h, w3_ref[...], preferred_element_type=jnp.float32)
         + b3_ref[...])
    zm2 = -2.0 * z
    zn = jnp.sum(z * z, axis=1, keepdims=True)
    cb = cb_ref[...]
    cn = jnp.sum(cb * cb, axis=1)
    s = lax.dot_general(zm2, cb, (((1,), (1,)), ((), ())),
                        preferred_element_type=jnp.float32)
    d = (zn + s) + cn[None, :]
    idx = jnp.argmin(d, axis=1)
    dmin = jnp.min(d, axis=1)
    idx_ref[0, 0, :] = idx

    @pl.when(pl.program_id(0) == 0)
    def _():
        loss_ref[0, 0] = 0.0

    loss_ref[0, 0] += jnp.sum(dmin)


def _tc_main(obs_flat, w1, b1, w2, b2, w3, b3, codebook):
    full = lambda s: pl.BlockSpec(s, lambda i: (0,) * len(s))
    return pl.pallas_call(
        _tc_body,
        grid=(_GRID,),
        in_specs=[
            pl.BlockSpec((_BLK, _IN), lambda i: (i, 0)),
            full((_IN, _HID)), full((1, _HID)),
            full((_HID, _HID)), full((1, _HID)),
            full((_HID, _OUT)), full((1, _OUT)),
            full((_K, _OUT)),
        ],
        out_specs=[
            pl.BlockSpec((1, 1, _BLK), lambda i: (i, 0, 0)),
            pl.BlockSpec(memory_space=pltpu.SMEM),
        ],
        out_shape=[
            jax.ShapeDtypeStruct((_GRID, 1, _BLK), jnp.int32),
            jax.ShapeDtypeStruct((1, 1), jnp.float32),
        ],
    )(obs_flat, w1, b1, w2, b2, w3, b3, codebook)


@functools.cache
def _make_sc_gather():
    @functools.partial(
        pl.kernel,
        mesh=plsc.VectorSubcoreMesh(core_axis_name="c", subcore_axis_name="s"),
        compiler_params=pltpu.CompilerParams(use_tc_tiling_on_sc=False,
                                             needs_layout_passes=False),
        out_type=jax.ShapeDtypeStruct((_B, _N, _OUT), jnp.float32),
    scratch_types=[
            pltpu.VMEM((_K, _OUT), jnp.float32),
            pltpu.VMEM((_RPW,), jnp.int32),
            pltpu.VMEM((_RPW, _OUT), jnp.float32),
            pltpu.SemaphoreType.DMA,
        ],
    )
    def _sc_gather(cb_hbm, idx_hbm, out_hbm, cb_v, idx_v, rows_v, sem):
        wid = lax.axis_index("s") * _NC + lax.axis_index("c")
        base = wid * _RPW
        cb_cp = pltpu.async_copy(cb_hbm, cb_v, sem)
        pltpu.sync_copy(idx_hbm.at[pl.ds(base, _RPW)], idx_v)
        cb_cp.wait()
        lanes = lax.iota(jnp.int32, 16)

        @plsc.parallel_loop(0, _RPW // 16, unroll=2)
        def body(g):
            idxv = idx_v[pl.ds(g * 16, 16)]
            rows = g * 16 + lanes
            for j0 in range(0, _OUT, 16):
                cols = [jnp.full((16,), j0 + t, jnp.int32) for t in range(16)]
                vals = [plsc.load_gather(cb_v, [idxv, c]) for c in cols]
                for c, v in zip(cols, vals):
                    plsc.store_scatter(rows_v, [rows, c], v)
        pltpu.sync_copy(rows_v,
                        out_hbm.at[wid // 2, pl.ds((wid % 2) * _RPW, _RPW)])

    return _sc_gather


def kernel(obs, W1, b1, W2, b2, W3, b3, codebook):
    obs_flat = obs.reshape(_ROWS, _IN)
    idx3, loss_sum = _tc_main(
        obs_flat, W1, b1.reshape(1, _HID), W2, b2.reshape(1, _HID),
        W3, b3.reshape(1, _OUT), codebook)
    idx_flat = idx3.reshape(_ROWS)
    msg = _make_sc_gather()(codebook, idx_flat)
    idx_out = idx3.reshape(_B, _N)
    cmt_loss = loss_sum[0, 0] / jnp.float32(_ROWS * _OUT)
    return (msg, idx_out, cmt_loss)

# --- scband reference (transcript-rebuilt; emitter-appended) ---
"""Pipeline reference for scband-vqspeaker-30545807409756 (READ-ONLY COPY).

The authoritative reference and input builder live on the scoring server;
editing this copy changes nothing except your own understanding.
"""

import jax, jax.numpy as jnp
import numpy as np

B, N, IN_DIM, HID, OUT_DIM, K = 16, 1024, 768, 64, 64, 1024
COMMIT_W = 1.0

def _xavier(key, shape, gain):
    fan_in, fan_out = shape[0], shape[1]
    a = gain * np.sqrt(6.0 / (fan_in + fan_out))
    return jax.random.uniform(key, shape, jnp.float32, -a, a)

def setup_inputs(seed: int = 0) -> dict:
    key = jax.random.key(seed)
    ks = jax.random.split(key, 8)
    gain = np.sqrt(2.0)  # relu gain
    obs = jax.random.normal(ks[0], (B, N, IN_DIM), jnp.float32)
    W1 = _xavier(ks[1], (IN_DIM, HID), gain)
    b1 = jnp.full((HID,), 0.01, jnp.float32)
    W2 = _xavier(ks[2], (HID, HID), gain)
    b2 = jnp.full((HID,), 0.01, jnp.float32)
    W3 = _xavier(ks[3], (HID, OUT_DIM), gain)
    b3 = jnp.full((OUT_DIM,), 0.01, jnp.float32)
    codebook = jax.random.normal(ks[4], (K, OUT_DIM), jnp.float32)
    return {"obs": obs, "W1": W1, "b1": b1, "W2": W2, "b2": b2, "W3": W3, "b3": b3, "codebook": codebook}

def reference(obs, W1, b1, W2, b2, W3, b3, codebook):
    # MLPNetwork (frozen=True only calls eval(); no dropout/BN so identical math)
    h = jax.nn.relu(obs @ W1 + b1)
    h = jax.nn.relu(h @ W2 + b2)
    z = h @ W3 + b3  # [B, N, OUT_DIM]
    flat = z.reshape(-1, OUT_DIM)
    # squared L2 distances to codebook
    d = (jnp.sum(flat * flat, axis=-1, keepdims=True)
         - 2.0 * flat @ codebook.T
         + jnp.sum(codebook * codebook, axis=-1)[None, :])
    idx = jnp.argmin(d, axis=-1)  # [B*N]
    quantized = jnp.take(codebook, idx, axis=0)
    # commitment loss: mse(quantized.detach(), z) * commitment_weight
    cmt_loss = jnp.mean((jax.lax.stop_gradient(quantized) - flat) ** 2) * COMMIT_W
    # straight-through estimator
    q_st = flat + jax.lax.stop_gradient(quantized - flat)
    msg = q_st.reshape(B, N, OUT_DIM)
    idx_out = idx.reshape(B, N)
    return (msg, idx_out, cmt_loss)

if __name__ == "__main__":
    import jax
    _d = setup_inputs()
    print(jax.jit(kernel)(*tuple(_d.values())))

</pallas_src>

<mosaic_0001>
#map = affine_map<(d0, d1) -> (0, 0)>
#map1 = affine_map<(d0, d1) -> (0)>
#map2 = affine_map<(d0, d1) -> (0, 0, 0)>
module attributes {stable_mosaic.version = 14 : i64} {
  func.func @_sc_gather(%arg0: i32, %arg1: i32, %arg2: memref<1024x64xf32, #tpu.memory_space<hbm>>, %arg3: memref<16384xi32, #tpu.memory_space<hbm>>, %arg4: memref<16x1024x64xf32, #tpu.memory_space<hbm>>, %arg5: memref<1024x64xf32, #tpu.memory_space<vmem>>, %arg6: memref<512xi32, #tpu.memory_space<vmem>>, %arg7: memref<512x64xf32, #tpu.memory_space<vmem>>, %arg8: memref<!tpu.dma_semaphore, #tpu.memory_space<semaphore_mem>>) attributes {dimension_semantics = [#tpu.dimension_semantics<core_parallel>, #tpu.dimension_semantics<subcore_parallel>], iteration_bounds = array<i64: 2, 16>, scalar_prefetch = 0 : i64, scratch_operands = 4 : i64, tpu.core_type = #tpu.core_type<sc_vector_subcore>, window_params = [{transform_indices = #map}, {transform_indices = #map1}, {transform_indices = #map2}]} {
    %mul3A = arith.constant 2 : i32
    %mul3A_0 = arith.muli %arg1, %mul3A : i32
    %add3A = arith.addi %mul3A_0, %arg0 : i32
    %mul3A_1 = arith.constant 512 : i32
    %mul3A_2 = arith.muli %add3A, %mul3A_1 : i32
    tpu.enqueue_dma source(%arg2 : memref<1024x64xf32, #tpu.memory_space<hbm>>) target(%arg5 : memref<1024x64xf32, #tpu.memory_space<vmem>>) target_semaphore(%arg8 : memref<!tpu.dma_semaphore, #tpu.memory_space<semaphore_mem>>)
    "tpu.region"() ({
      %run_scoped3A = tpu.sem_alloc : memref<!tpu.dma_semaphore, #tpu.memory_space<semaphore_mem>>
      %dma_start3A = tpu.memref_slice %arg3[%mul3A_2] : memref<16384xi32, #tpu.memory_space<hbm>> -> memref<512xi32, #tpu.memory_space<hbm>>
      %dma_start3A_37 = tpu.memref_slice %arg3[%mul3A_2] : memref<16384xi32, #tpu.memory_space<hbm>> -> memref<512xi32, #tpu.memory_space<hbm>>
      tpu.enqueue_dma source(%dma_start3A_37 : memref<512xi32, #tpu.memory_space<hbm>>) target(%arg6 : memref<512xi32, #tpu.memory_space<vmem>>) target_semaphore(%run_scoped3A : memref<!tpu.dma_semaphore, #tpu.memory_space<semaphore_mem>>)
      %dma_wait3A = tpu.memref_slice %arg3[%mul3A_2] : memref<16384xi32, #tpu.memory_space<hbm>> -> memref<512xi32, #tpu.memory_space<hbm>>
      %dma_wait3A_38 = tpu.memref_slice %arg3[%mul3A_2] : memref<16384xi32, #tpu.memory_space<hbm>> -> memref<512xi32, #tpu.memory_space<hbm>>
      tpu.wait_dma2 semaphore(%run_scoped3A : memref<!tpu.dma_semaphore, #tpu.memory_space<semaphore_mem>>) src(%dma_wait3A_38 : memref<512xi32, #tpu.memory_space<hbm>>) dst(%arg6 : memref<512xi32, #tpu.memory_space<vmem>>)
      tpu.yield
    }) : () -> ()
    tpu.wait_dma2 semaphore(%arg8 : memref<!tpu.dma_semaphore, #tpu.memory_space<semaphore_mem>>) src(%arg2 : memref<1024x64xf32, #tpu.memory_space<hbm>>) dst(%arg5 : memref<1024x64xf32, #tpu.memory_space<vmem>>)
    %iota3A = tpu.iota {dimensions = array<i32: 0>} : vector<16xi32>
    %parallel_loop3A = arith.constant 0 : i32
    %parallel_loop3A_3 = arith.constant 32 : i32
    %parallel_loop3A_4 = arith.constant 1 : i32
    scf.for %parallel_loop3A_37 = %parallel_loop3A to %parallel_loop3A_3 step %parallel_loop3A_4  : i32 {
      %parallel_loop3A_38 = arith.constant 16 : i32
      %parallel_loop3A_39 = arith.muli %parallel_loop3A_37, %parallel_loop3A_38 : i32
      %parallel_loop3A_40 = arith.index_cast %parallel_loop3A_39 : i32 to index
      %parallel_loop3A_41 = tpu.vector_load %arg6[%parallel_loop3A_40] {strides = array<i32>} : memref<512xi32, #tpu.memory_space<vmem>>, vector<16xi32>,
      %parallel_loop3A_42 = arith.constant 16 : i32
      %parallel_loop3A_43 = arith.muli %parallel_loop3A_37, %parallel_loop3A_42 : i32
      %parallel_loop3A_44 = vector.broadcast %parallel_loop3A_43 : i32 to vector<16xi32>
      %parallel_loop3A_45 = arith.addi %parallel_loop3A_44, %iota3A : vector<16xi32>
      %parallel_loop3A_46 = arith.constant 0 : i32
      %parallel_loop3A_47 = vector.broadcast %parallel_loop3A_46 : i32 to vector<16xi32>
      %parallel_loop3A_48 = arith.constant 1 : i32
      %parallel_loop3A_49 = vector.broadcast %parallel_loop3A_48 : i32 to vector<16xi32>
      %parallel_loop3A_50 = arith.constant 2 : i32
      %parallel_loop3A_51 = vector.broadcast %parallel_loop3A_50 : i32 to vector<16xi32>
      %parallel_loop3A_52 = arith.constant 3 : i32
      %parallel_loop3A_53 = vector.broadcast %parallel_loop3A_52 : i32 to vector<16xi32>
      %parallel_loop3A_54 = arith.constant 4 : i32
      %parallel_loop3A_55 = vector.broadcast %parallel_loop3A_54 : i32 to vector<16xi32>
      %parallel_loop3A_56 = arith.constant 5 : i32
      %parallel_loop3A_57 = vector.broadcast %parallel_loop3A_56 : i32 to vector<16xi32>
      %parallel_loop3A_58 = arith.constant 6 : i32
      %parallel_loop3A_59 = vector.broadcast %parallel_loop3A_58 : i32 to vector<16xi32>
      %parallel_loop3A_60 = arith.constant 7 : i32
      %parallel_loop3A_61 = vector.broadcast %parallel_loop3A_60 : i32 to vector<16xi32>
      %parallel_loop3A_62 = arith.constant 8 : i32
      %parallel_loop3A_63 = vector.broadcast %parallel_loop3A_62 : i32 to vector<16xi32>
      %parallel_loop3A_64 = arith.constant 9 : i32
      %parallel_loop3A_65 = vector.broadcast %parallel_loop3A_64 : i32 to vector<16xi32>
      %parallel_loop3A_66 = arith.constant 10 : i32
      %parallel_loop3A_67 = vector.broadcast %parallel_loop3A_66 : i32 to vector<16xi32>
      %parallel_loop3A_68 = arith.constant 11 : i32
      %parallel_loop3A_69 = vector.broadcast %parallel_loop3A_68 : i32 to vector<16xi32>
      %parallel_loop3A_70 = arith.constant 12 : i32
      %parallel_loop3A_71 = vector.broadcast %parallel_loop3A_70 : i32 to vector<16xi32>
      %parallel_loop3A_72 = arith.constant 13 : i32
      %parallel_loop3A_73 = vector.broadcast %parallel_loop3A_72 : i32 to vector<16xi32>
      %parallel_loop3A_74 = arith.constant 14 : i32
      %parallel_loop3A_75 = vector.broadcast %parallel_loop3A_74 : i32 to vector<16xi32>
      %parallel_loop3A_76 = arith.constant 15 : i32
      %parallel_loop3A_77 = vector.broadcast %parallel_loop3A_76 : i32 to vector<16xi32>
      %parallel_loop3A_78 = tpu.vector_load_idx %arg5[%parallel_loop3A_41, %parallel_loop3A_47] : memref<1024x64xf32, #tpu.memory_space<vmem>>[vector<16xi32>, vector<16xi32>], vector<16xf32>,
      %parallel_loop3A_79 = tpu.vector_load_idx %arg5[%parallel_loop3A_41, %parallel_loop3A_49] : memref<1024x64xf32, #tpu.memory_space<vmem>>[vector<16xi32>, vector<16xi32>], vector<16xf32>,
      %parallel_loop3A_80 = tpu.vector_load_idx %arg5[%parallel_loop3A_41, %parallel_loop3A_51] : memref<1024x64xf32, #tpu.memory_space<vmem>>[vector<16xi32>, vector<16xi32>], vector<16xf32>,
      %parallel_loop3A_81 = tpu.vector_load_idx %arg5[%parallel_loop3A_41, %parallel_loop3A_53] : memref<1024x64xf32, #tpu.memory_space<vmem>>[vector<16xi32>, vector<16xi32>], vector<16xf32>,
      %parallel_loop3A_82 = tpu.vector_load_idx %arg5[%parallel_loop3A_41, %parallel_loop3A_55] : memref<1024x64xf32, #tpu.memory_space<vmem>>[vector<16xi32>, vector<16xi32>], vector<16xf32>,
      %parallel_loop3A_83 = tpu.vector_load_idx %arg5[%parallel_loop3A_41, %parallel_loop3A_57] : memref<1024x64xf32, #tpu.memory_space<vmem>>[vector<16xi32>, vector<16xi32>], vector<16xf32>,
      %parallel_loop3A_84 = tpu.vector_load_idx %arg5[%parallel_loop3A_41, %parallel_loop3A_59] : memref<1024x64xf32, #tpu.memory_space<vmem>>[vector<16xi32>, vector<16xi32>], vector<16xf32>,
      %parallel_loop3A_85 = tpu.vector_load_idx %arg5[%parallel_loop3A_41, %parallel_loop3A_61] : memref<1024x64xf32, #tpu.memory_space<vmem>>[vector<16xi32>, vector<16xi32>], vector<16xf32>,
      %parallel_loop3A_86 = tpu.vector_load_idx %arg5[%parallel_loop3A_41, %parallel_loop3A_63] : memref<1024x64xf32, #tpu.memory_space<vmem>>[vector<16xi32>, vector<16xi32>], vector<16xf32>,
      %parallel_loop3A_87 = tpu.vector_load_idx %arg5[%parallel_loop3A_41, %parallel_loop3A_65] : memref<1024x64xf32, #tpu.memory_space<vmem>>[vector<16xi32>, vector<16xi32>], vector<16xf32>,
      %parallel_loop3A_88 = tpu.vector_load_idx %arg5[%parallel_loop3A_41, %parallel_loop3A_67] : memref<1024x64xf32, #tpu.memory_space<vmem>>[vector<16xi32>, vector<16xi32>], vector<16xf32>,
      %parallel_loop3A_89 = tpu.vector_load_idx %arg5[%parallel_loop3A_41, %parallel_loop3A_69] : memref<1024x64xf32, #tpu.memory_space<vmem>>[vector<16xi32>, vector<16xi32>], vector<16xf32>,
      %parallel_loop3A_90 = tpu.vector_load_idx %arg5[%parallel_loop3A_41, %parallel_loop3A_71] : memref<1024x64xf32, #tpu.memory_space<vmem>>[vector<16xi32>, vector<16xi32>], vector<16xf32>,
      %parallel_loop3A_91 = tpu.vector_load_idx %arg5[%parallel_loop3A_41, %parallel_loop3A_73] : memref<1024x64xf32, #tpu.memory_space<vmem>>[vector<16xi32>, vector<16xi32>], vector<16xf32>,
      %parallel_loop3A_92 = tpu.vector_load_idx %arg5[%parallel_loop3A_41, %parallel_loop3A_75] : memref<1024x64xf32, #tpu.memory_space<vmem>>[vector<16xi32>, vector<16xi32>], vector<16xf32>,
      %parallel_loop3A_93 = tpu.vector_load_idx %arg5[%parallel_loop3A_41, %parallel_loop3A_77] : memref<1024x64xf32, #tpu.memory_space<vmem>>[vector<16xi32>, vector<16xi32>], vector<16xf32>,
      tpu.vector_store_idx %arg7[%parallel_loop3A_45, %parallel_loop3A_47], %parallel_loop3A_78 : memref<512x64xf32, #tpu.memory_space<vmem>>[vector<16xi32>, vector<16xi32>], vector<16xf32>,
      tpu.vector_store_idx %arg7[%parallel_loop3A_45, %parallel_loop3A_49], %parallel_loop3A_79 : memref<512x64xf32, #tpu.memory_space<vmem>>[vector<16xi32>, vector<16xi32>], vector<16xf32>,
      tpu.vector_store_idx %arg7[%parallel_loop3A_45, %parallel_loop3A_51], %parallel_loop3A_80 : memref<512x64xf32, #tpu.memory_space<vmem>>[vector<16xi32>, vector<16xi32>], vector<16xf32>,
      tpu.vector_store_idx %arg7[%parallel_loop3A_45, %parallel_loop3A_53], %parallel_loop3A_81 : memref<512x64xf32, #tpu.memory_space<vmem>>[vector<16xi32>, vector<16xi32>], vector<16xf32>,
      tpu.vector_store_idx %arg7[%parallel_loop3A_45, %parallel_loop3A_55], %parallel_loop3A_82 : memref<512x64xf32, #tpu.memory_space<vmem>>[vector<16xi32>, vector<16xi32>], vector<16xf32>,
      tpu.vector_store_idx %arg7[%parallel_loop3A_45, %parallel_loop3A_57], %parallel_loop3A_83 : memref<512x64xf32, #tpu.memory_space<vmem>>[vector<16xi32>, vector<16xi32>], vector<16xf32>,
      tpu.vector_store_idx %arg7[%parallel_loop3A_45, %parallel_loop3A_59], %parallel_loop3A_84 : memref<512x64xf32, #tpu.memory_space<vmem>>[vector<16xi32>, vector<16xi32>], vector<16xf32>,
      tpu.vector_store_idx %arg7[%parallel_loop3A_45, %parallel_loop3A_61], %parallel_loop3A_85 : memref<512x64xf32, #tpu.memory_space<vmem>>[vector<16xi32>, vector<16xi32>], vector<16xf32>,
      tpu.vector_store_idx %arg7[%parallel_loop3A_45, %parallel_loop3A_63], %parallel_loop3A_86 : memref<512x64xf32, #tpu.memory_space<vmem>>[vector<16xi32>, vector<16xi32>], vector<16xf32>,
      tpu.vector_store_idx %arg7[%parallel_loop3A_45, %parallel_loop3A_65], %parallel_loop3A_87 : memref<512x64xf32, #tpu.memory_space<vmem>>[vector<16xi32>, vector<16xi32>], vector<16xf32>,
      tpu.vector_store_idx %arg7[%parallel_loop3A_45, %parallel_loop3A_67], %parallel_loop3A_88 : memref<512x64xf32, #tpu.memory_space<vmem>>[vector<16xi32>, vector<16xi32>], vector<16xf32>,
      tpu.vector_store_idx %arg7[%parallel_loop3A_45, %parallel_loop3A_69], %parallel_loop3A_89 : memref<512x64xf32, #tpu.memory_space<vmem>>[vector<16xi32>, vector<16xi32>], vector<16xf32>,
      tpu.vector_store_idx %arg7[%parallel_loop3A_45, %parallel_loop3A_71], %parallel_loop3A_90 : memref<512x64xf32, #tpu.memory_space<vmem>>[vector<16xi32>, vector<16xi32>], vector<16xf32>,
      tpu.vector_store_idx %arg7[%parallel_loop3A_45, %parallel_loop3A_73], %parallel_loop3A_91 : memref<512x64xf32, #tpu.memory_space<vmem>>[vector<16xi32>, vector<16xi32>], vector<16xf32>,
      tpu.vector_store_idx %arg7[%parallel_loop3A_45, %parallel_loop3A_75], %parallel_loop3A_92 : memref<512x64xf32, #tpu.memory_space<vmem>>[vector<16xi32>, vector<16xi32>], vector<16xf32>,
      tpu.vector_store_idx %arg7[%parallel_loop3A_45, %parallel_loop3A_77], %parallel_loop3A_93 : memref<512x64xf32, #tpu.memory_space<vmem>>[vector<16xi32>, vector<16xi32>], vector<16xf32>,
      %parallel_loop3A_94 = arith.constant 16 : i32
      %parallel_loop3A_95 = vector.broadcast %parallel_loop3A_94 : i32 to vector<16xi32>
      %parallel_loop3A_96 = arith.constant 17 : i32
      %parallel_loop3A_97 = vector.broadcast %parallel_loop3A_96 : i32 to vector<16xi32>
      %parallel_loop3A_98 = arith.constant 18 : i32
      %parallel_loop3A_99 = vector.broadcast %parallel_loop3A_98 : i32 to vector<16xi32>
      %parallel_loop3A_100 = arith.constant 19 : i32
      %parallel_loop3A_101 = vector.broadcast %parallel_loop3A_100 : i32 to vector<16xi32>
      %parallel_loop3A_102 = arith.constant 20 : i32
      %parallel_loop3A_103 = vector.broadcast %parallel_loop3A_102 : i32 to vector<16xi32>
      %parallel_loop3A_104 = arith.constant 21 : i32
      %parallel_loop3A_105 = vector.broadcast %parallel_loop3A_104 : i32 to vector<16xi32>
      %parallel_loop3A_106 = arith.constant 22 : i32
      %parallel_loop3A_107 = vector.broadcast %parallel_loop3A_106 : i32 to vector<16xi32>
      %parallel_loop3A_108 = arith.constant 23 : i32
      %parallel_loop3A_109 = vector.broadcast %parallel_loop3A_108 : i32 to vector<16xi32>
      %parallel_loop3A_110 = arith.constant 24 : i32
      %parallel_loop3A_111 = vector.broadcast %parallel_loop3A_110 : i32 to vector<16xi32>
      %parallel_loop3A_112 = arith.constant 25 : i32
      %parallel_loop3A_113 = vector.broadcast %parallel_loop3A_112 : i32 to vector<16xi32>
      %parallel_loop3A_114 = arith.constant 26 : i32
      %parallel_loop3A_115 = vector.broadcast %parallel_loop3A_114 : i32 to vector<16xi32>
      %parallel_loop3A_116 = arith.constant 27 : i32
      %parallel_loop3A_117 = vector.broadcast %parallel_loop3A_116 : i32 to vector<16xi32>
      %parallel_loop3A_118 = arith.constant 28 : i32
      %parallel_loop3A_119 = vector.broadcast %parallel_loop3A_118 : i32 to vector<16xi32>
      %parallel_loop3A_120 = arith.constant 29 : i32
      %parallel_loop3A_121 = vector.broadcast %parallel_loop3A_120 : i32 to vector<16xi32>
      %parallel_loop3A_122 = arith.constant 30 : i32
      %parallel_loop3A_123 = vector.broadcast %parallel_loop3A_122 : i32 to vector<16xi32>
      %parallel_loop3A_124 = arith.constant 31 : i32
      %parallel_loop3A_125 = vector.broadcast %parallel_loop3A_124 : i32 to vector<16xi32>
      %parallel_loop3A_126 = tpu.vector_load_idx %arg5[%parallel_loop3A_41, %parallel_loop3A_95] : memref<1024x64xf32, #tpu.memory_space<vmem>>[vector<16xi32>, vector<16xi32>], vector<16xf32>,
      %parallel_loop3A_127 = tpu.vector_load_idx %arg5[%parallel_loop3A_41, %parallel_loop3A_97] : memref<1024x64xf32, #tpu.memory_space<vmem>>[vector<16xi32>, vector<16xi32>], vector<16xf32>,
      %parallel_loop3A_128 = tpu.vector_load_idx %arg5[%parallel_loop3A_41, %parallel_loop3A_99] : memref<1024x64xf32, #tpu.memory_space<vmem>>[vector<16xi32>, vector<16xi32>], vector<16xf32>,
      %parallel_loop3A_129 = tpu.vector_load_idx %arg5[%parallel_loop3A_41, %parallel_loop3A_101] : memref<1024x64xf32, #tpu.memory_space<vmem>>[vector<16xi32>, vector<16xi32>], vector<16xf32>,
      %parallel_loop3A_130 = tpu.vector_load_idx %arg5[%parallel_loop3A_41, %parallel_loop3A_103] : memref<1024x64xf32, #tpu.memory_space<vmem>>[vector<16xi32>, vector<16xi32>], vector<16xf32>,
      %parallel_loop3A_131 = tpu.vector_load_idx %arg5[%parallel_loop3A_41, %parallel_loop3A_105] : memref<1024x64xf32, #tpu.memory_space<vmem>>[vector<16xi32>, vector<16xi32>], vector<16xf32>,
      %parallel_loop3A_132 = tpu.vector_load_idx %arg5[%parallel_loop3A_41, %parallel_loop3A_107] : memref<1024x64xf32, #tpu.memory_space<vmem>>[vector<16xi32>, vector<16xi32>], vector<16xf32>,
      %parallel_loop3A_133 = tpu.vector_load_idx %arg5[%parallel_loop3A_41, %parallel_loop3A_109] : memref<1024x64xf32, #tpu.memory_space<vmem>>[vector<16xi32>, vector<16xi32>], vector<16xf32>,
      %parallel_loop3A_134 = tpu.vector_load_idx %arg5[%parallel_loop3A_41, %parallel_loop3A_111] : memref<1024x64xf32, #tpu.memory_space<vmem>>[vector<16xi32>, vector<16xi32>], vector<16xf32>,
      %parallel_loop3A_135 = tpu.vector_load_idx %arg5[%parallel_loop3A_41, %parallel_loop3A_113] : memref<1024x64xf32, #tpu.memory_space<vmem>>[vector<16xi32>, vector<16xi32>], vector<16xf32>,
      %parallel_loop3A_136 = tpu.vector_load_idx %arg5[%parallel_loop3A_41, %parallel_loop3A_115] : memref<1024x64xf32, #tpu.memory_space<vmem>>[vector<16xi32>, vector<16xi32>], vector<16xf32>,
      %parallel_loop3A_137 = tpu.vector_load_idx %arg5[%parallel_loop3A_41, %parallel_loop3A_117] : memref<1024x64xf32, #tpu.memory_space<vmem>>[vector<16xi32>, vector<16xi32>], vector<16xf32>,
      %parallel_loop3A_138 = tpu.vector_load_idx %arg5[%parallel_loop3A_41, %parallel_loop3A_119] : memref<1024x64xf32, #tpu.memory_space<vmem>>[vector<16xi32>, vector<16xi32>], vector<16xf32>,
      %parallel_loop3A_139 = tpu.vector_load_idx %arg5[%parallel_loop3A_41, %parallel_loop3A_121] : memref<1024x64xf32, #tpu.memory_space<vmem>>[vector<16xi32>, vector<16xi32>], vector<16xf32>,
      %parallel_loop3A_140 = tpu.vector_load_idx %arg5[%parallel_loop3A_41, %parallel_loop3A_123] : memref<1024x64xf32, #tpu.memory_space<vmem>>[vector<16xi32>, vector<16xi32>], vector<16xf32>,
      %parallel_loop3A_141 = tpu.vector_load_idx %arg5[%parallel_loop3A_41, %parallel_loop3A_125] : memref<1024x64xf32, #tpu.memory_space<vmem>>[vector<16xi32>, vector<16xi32>], vector<16xf32>,
      tpu.vector_store_idx %arg7[%parallel_loop3A_45, %parallel_loop3A_95], %parallel_loop3A_126 : memref<512x64xf32, #tpu.memory_space<vmem>>[vector<16xi32>, vector<16xi32>], vector<16xf32>,
      tpu.vector_store_idx %arg7[%parallel_loop3A_45, %parallel_loop3A_97], %parallel_loop3A_127 : memref<512x64xf32, #tpu.memory_space<vmem>>[vector<16xi32>, vector<16xi32>], vector<16xf32>,
      tpu.vector_store_idx %arg7[%parallel_loop3A_45, %parallel_loop3A_99], %parallel_loop3A_128 : memref<512x64xf32, #tpu.memory_space<vmem>>[vector<16xi32>, vector<16xi32>], vector<16xf32>,
      tpu.vector_store_idx %arg7[%parallel_loop3A_45, %parallel_loop3A_101], %parallel_loop3A_129 : memref<512x64xf32, #tpu.memory_space<vmem>>[vector<16xi32>, vector<16xi32>], vector<16xf32>,
      tpu.vector_store_idx %arg7[%parallel_loop3A_45, %parallel_loop3A_103], %parallel_loop3A_130 : memref<512x64xf32, #tpu.memory_space<vmem>>[vector<16xi32>, vector<16xi32>], vector<16xf32>,
      tpu.vector_store_idx %arg7[%parallel_loop3A_45, %parallel_loop3A_105], %parallel_loop3A_131 : memref<512x64xf32, #tpu.memory_space<vmem>>[vector<16xi32>, vector<16xi32>], vector<16xf32>,
      tpu.vector_store_idx %arg7[%parallel_loop3A_45, %parallel_loop3A_107], %parallel_loop3A_132 : memref<512x64xf32, #tpu.memory_space<vmem>>[vector<16xi32>, vector<16xi32>], vector<16xf32>,
      tpu.vector_store_idx %arg7[%parallel_loop3A_45, %parallel_loop3A_109], %parallel_loop3A_133 : memref<512x64xf32, #tpu.memory_space<vmem>>[vector<16xi32>, vector<16xi32>], vector<16xf32>,
      tpu.vector_store_idx %arg7[%parallel_loop3A_45, %parallel_loop3A_111], %parallel_loop3A_134 : memref<512x64xf32, #tpu.memory_space<vmem>>[vector<16xi32>, vector<16xi32>], vector<16xf32>,
      tpu.vector_store_idx %arg7[%parallel_loop3A_45, %parallel_loop3A_113], %parallel_loop3A_135 : memref<512x64xf32, #tpu.memory_space<vmem>>[vector<16xi32>, vector<16xi32>], vector<16xf32>,
      tpu.vector_store_idx %arg7[%parallel_loop3A_45, %parallel_loop3A_115], %parallel_loop3A_136 : memref<512x64xf32, #tpu.memory_space<vmem>>[vector<16xi32>, vector<16xi32>], vector<16xf32>,
      tpu.vector_store_idx %arg7[%parallel_loop3A_45, %parallel_loop3A_117], %parallel_loop3A_137 : memref<512x64xf32, #tpu.memory_space<vmem>>[vector<16xi32>, vector<16xi32>], vector<16xf32>,
      tpu.vector_store_idx %arg7[%parallel_loop3A_45, %parallel_loop3A_119], %parallel_loop3A_138 : memref<512x64xf32, #tpu.memory_space<vmem>>[vector<16xi32>, vector<16xi32>], vector<16xf32>,
      tpu.vector_store_idx %arg7[%parallel_loop3A_45, %parallel_loop3A_121], %parallel_loop3A_139 : memref<512x64xf32, #tpu.memory_space<vmem>>[vector<16xi32>, vector<16xi32>], vector<16xf32>,
      tpu.vector_store_idx %arg7[%parallel_loop3A_45, %parallel_loop3A_123], %parallel_loop3A_140 : memref<512x64xf32, #tpu.memory_space<vmem>>[vector<16xi32>, vector<16xi32>], vector<16xf32>,
      tpu.vector_store_idx %arg7[%parallel_loop3A_45, %parallel_loop3A_125], %parallel_loop3A_141 : memref<512x64xf32, #tpu.memory_space<vmem>>[vector<16xi32>, vector<16xi32>], vector<16xf32>,
      %parallel_loop3A_142 = arith.constant 32 : i32
      %parallel_loop3A_143 = vector.broadcast %parallel_loop3A_142 : i32 to vector<16xi32>
      %parallel_loop3A_144 = arith.constant 33 : i32
      %parallel_loop3A_145 = vector.broadcast %parallel_loop3A_144 : i32 to vector<16xi32>
      %parallel_loop3A_146 = arith.constant 34 : i32
      %parallel_loop3A_147 = vector.broadcast %parallel_loop3A_146 : i32 to vector<16xi32>
      %parallel_loop3A_148 = arith.constant 35 : i32
      %parallel_loop3A_149 = vector.broadcast %parallel_loop3A_148 : i32 to vector<16xi32>
      %parallel_loop3A_150 = arith.constant 36 : i32
      %parallel_loop3A_151 = vector.broadcast %parallel_loop3A_150 : i32 to vector<16xi32>
      %parallel_loop3A_152 = arith.constant 37 : i32
      %parallel_loop3A_153 = vector.broadcast %parallel_loop3A_152 : i32 to vector<16xi32>
      %parallel_loop3A_154 = arith.constant 38 : i32
      %parallel_loop3A_155 = vector.broadcast %parallel_loop3A_154 : i32 to vector<16xi32>
      %parallel_loop3A_156 = arith.constant 39 : i32
      %parallel_loop3A_157 = vector.broadcast %parallel_loop3A_156 : i32 to vector<16xi32>
      %parallel_loop3A_158 = arith.constant 40 : i32
      %parallel_loop3A_159 = vector.broadcast %parallel_loop3A_158 : i32 to vector<16xi32>
      %parallel_loop3A_160 = arith.constant 41 : i32
      %parallel_loop3A_161 = vector.broadcast %parallel_loop3A_160 : i32 to vector<16xi32>
      %parallel_loop3A_162 = arith.constant 42 : i32
      %parallel_loop3A_163 = vector.broadcast %parallel_loop3A_162 : i32 to vector<16xi32>
      %parallel_loop3A_164 = arith.constant 43 : i32
      %parallel_loop3A_165 = vector.broadcast %parallel_loop3A_164 : i32 to vector<16xi32>
      %parallel_loop3A_166 = arith.constant 44 : i32
      %parallel_loop3A_167 = vector.broadcast %parallel_loop3A_166 : i32 to vector<16xi32>
      %parallel_loop3A_168 = arith.constant 45 : i32
      %parallel_loop3A_169 = vector.broadcast %parallel_loop3A_168 : i32 to vector<16xi32>
      %parallel_loop3A_170 = arith.constant 46 : i32
      %parallel_loop3A_171 = vector.broadcast %parallel_loop3A_170 : i32 to vector<16xi32>
      %parallel_loop3A_172 = arith.constant 47 : i32
      %parallel_loop3A_173 = vector.broadcast %parallel_loop3A_172 : i32 to vector<16xi32>
      %parallel_loop3A_174 = tpu.vector_load_idx %arg5[%parallel_loop3A_41, %parallel_loop3A_143] : memref<1024x64xf32, #tpu.memory_space<vmem>>[vector<16xi32>, vector<16xi32>], vector<16xf32>,
      %parallel_loop3A_175 = tpu.vector_load_idx %arg5[%parallel_loop3A_41, %parallel_loop3A_145] : memref<1024x64xf32, #tpu.memory_space<vmem>>[vector<16xi32>, vector<16xi32>], vector<16xf32>,
      %parallel_loop3A_176 = tpu.vector_load_idx %arg5[%parallel_loop3A_41, %parallel_loop3A_147] : memref<1024x64xf32, #tpu.memory_space<vmem>>[vector<16xi32>, vector<16xi32>], vector<16xf32>,
      %parallel_loop3A_177 = tpu.vector_load_idx %arg5[%parallel_loop3A_41, %parallel_loop3A_149] : memref<1024x64xf32, #tpu.memory_space<vmem>>[vector<16xi32>, vector<16xi32>], vector<16xf32>,
      %parallel_loop3A_178 = tpu.vector_load_idx %arg5[%parallel_loop3A_41, %parallel_loop3A_151] : memref<1024x64xf32, #tpu.memory_space<vmem>>[vector<16xi32>, vector<16xi32>], vector<16xf32>,
      %parallel_loop3A_179 = tpu.vector_load_idx %arg5[%parallel_loop3A_41, %parallel_loop3A_153] : memref<1024x64xf32, #tpu.memory_space<vmem>>[vector<16xi32>, vector<16xi32>], vector<16xf32>,
      %parallel_loop3A_180 = tpu.vector_load_idx %arg5[%parallel_loop3A_41, %parallel_loop3A_155] : memref<1024x64xf32, #tpu.memory_space<vmem>>[vector<16xi32>, vector<16xi32>], vector<16xf32>,
      %parallel_loop3A_181 = tpu.vector_load_idx %arg5[%parallel_loop3A_41, %parallel_loop3A_157] : memref<1024x64xf32, #tpu.memory_space<vmem>>[vector<16xi32>, vector<16xi32>], vector<16xf32>,
      %parallel_loop3A_182 = tpu.vector_load_idx %arg5[%parallel_loop3A_41, %parallel_loop3A_159] : memref<1024x64xf32, #tpu.memory_space<vmem>>[vector<16xi32>, vector<16xi32>], vector<16xf32>,
      %parallel_loop3A_183 = tpu.vector_load_idx %arg5[%parallel_loop3A_41, %parallel_loop3A_161] : memref<1024x64xf32, #tpu.memory_space<vmem>>[vector<16xi32>, vector<16xi32>], vector<16xf32>,
      %parallel_loop3A_184 = tpu.vector_load_idx %arg5[%parallel_loop3A_41, %parallel_loop3A_163] : memref<1024x64xf32, #tpu.memory_space<vmem>>[vector<16xi32>, vector<16xi32>], vector<16xf32>,
      %parallel_loop3A_185 = tpu.vector_load_idx %arg5[%parallel_loop3A_41, %parallel_loop3A_165] : memref<1024x64xf32, #tpu.memory_space<vmem>>[vector<16xi32>, vector<16xi32>], vector<16xf32>,
      %parallel_loop3A_186 = tpu.vector_load_idx %arg5[%parallel_loop3A_41, %parallel_loop3A_167] : memref<1024x64xf32, #tpu.memory_space<vmem>>[vector<16xi32>, vector<16xi32>], vector<16xf32>,
      %parallel_loop3A_187 = tpu.vector_load_idx %arg5[%parallel_loop3A_41, %parallel_loop3A_169] : memref<1024x64xf32, #tpu.memory_space<vmem>>[vector<16xi32>, vector<16xi32>], vector<16xf32>,
      %parallel_loop3A_188 = tpu.vector_load_idx %arg5[%parallel_loop3A_41, %parallel_loop3A_171] : memref<1024x64xf32, #tpu.memory_space<vmem>>[vector<16xi32>, vector<16xi32>], vector<16xf32>,
      %parallel_loop3A_189 = tpu.vector_load_idx %arg5[%parallel_loop3A_41, %parallel_loop3A_173] : memref<1024x64xf32, #tpu.memory_space<vmem>>[vector<16xi32>, vector<16xi32>], vector<16xf32>,
      tpu.vector_store_idx %arg7[%parallel_loop3A_45, %parallel_loop3A_143], %parallel_loop3A_174 : memref<512x64xf32, #tpu.memory_space<vmem>>[vector<16xi32>, vector<16xi32>], vector<16xf32>,
      tpu.vector_store_idx %arg7[%parallel_loop3A_45, %parallel_loop3A_145], %parallel_loop3A_175 : memref<512x64xf32, #tpu.memory_space<vmem>>[vector<16xi32>, vector<16xi32>], vector<16xf32>,
      tpu.vector_store_idx %arg7[%parallel_loop3A_45, %parallel_loop3A_147], %parallel_loop3A_176 : memref<512x64xf32, #tpu.memory_space<vmem>>[vector<16xi32>, vector<16xi32>], vector<16xf32>,
      tpu.vector_store_idx %arg7[%parallel_loop3A_45, %parallel_loop3A_149], %parallel_loop3A_177 : memref<512x64xf32, #tpu.memory_space<vmem>>[vector<16xi32>, vector<16xi32>], vector<16xf32>,
      tpu.vector_store_idx %arg7[%parallel_loop3A_45, %parallel_loop3A_151], %parallel_loop3A_178 : memref<512x64xf32, #tpu.memory_space<vmem>>[vector<16xi32>, vector<16xi32>], vector<16xf32>,
      tpu.vector_store_idx %arg7[%parallel_loop3A_45, %parallel_loop3A_153], %parallel_loop3A_179 : memref<512x64xf32, #tpu.memory_space<vmem>>[vector<16xi32>, vector<16xi32>], vector<16xf32>,
      tpu.vector_store_idx %arg7[%parallel_loop3A_45, %parallel_loop3A_155], %parallel_loop3A_180 : memref<512x64xf32, #tpu.memory_space<vmem>>[vector<16xi32>, vector<16xi32>], vector<16xf32>,
      tpu.vector_store_idx %arg7[%parallel_loop3A_45, %parallel_loop3A_157], %parallel_loop3A_181 : memref<512x64xf32, #tpu.memory_space<vmem>>[vector<16xi32>, vector<16xi32>], vector<16xf32>,
      tpu.vector_store_idx %arg7[%parallel_loop3A_45, %parallel_loop3A_159], %parallel_loop3A_182 : memref<512x64xf32, #tpu.memory_space<vmem>>[vector<16xi32>, vector<16xi32>], vector<16xf32>,
      tpu.vector_store_idx %arg7[%parallel_loop3A_45, %parallel_loop3A_161], %parallel_loop3A_183 : memref<512x64xf32, #tpu.memory_space<vmem>>[vector<16xi32>, vector<16xi32>], vector<16xf32>,
      tpu.vector_store_idx %arg7[%parallel_loop3A_45, %parallel_loop3A_163], %parallel_loop3A_184 : memref<512x64xf32, #tpu.memory_space<vmem>>[vector<16xi32>, vector<16xi32>], vector<16xf32>,
      tpu.vector_store_idx %arg7[%parallel_loop3A_45, %parallel_loop3A_165], %parallel_loop3A_185 : memref<512x64xf32, #tpu.memory_space<vmem>>[vector<16xi32>, vector<16xi32>], vector<16xf32>,
      tpu.vector_store_idx %arg7[%parallel_loop3A_45, %parallel_loop3A_167], %parallel_loop3A_186 : memref<512x64xf32, #tpu.memory_space<vmem>>[vector<16xi32>, vector<16xi32>], vector<16xf32>,
      tpu.vector_store_idx %arg7[%parallel_loop3A_45, %parallel_loop3A_169], %parallel_loop3A_187 : memref<512x64xf32, #tpu.memory_space<vmem>>[vector<16xi32>, vector<16xi32>], vector<16xf32>,
      tpu.vector_store_idx %arg7[%parallel_loop3A_45, %parallel_loop3A_171], %parallel_loop3A_188 : memref<512x64xf32, #tpu.memory_space<vmem>>[vector<16xi32>, vector<16xi32>], vector<16xf32>,
      tpu.vector_store_idx %arg7[%parallel_loop3A_45, %parallel_loop3A_173], %parallel_loop3A_189 : memref<512x64xf32, #tpu.memory_space<vmem>>[vector<16xi32>, vector<16xi32>], vector<16xf32>,
      %parallel_loop3A_190 = arith.constant 48 : i32
      %parallel_loop3A_191 = vector.broadcast %parallel_loop3A_190 : i32 to vector<16xi32>
      %parallel_loop3A_192 = arith.constant 49 : i32
      %parallel_loop3A_193 = vector.broadcast %parallel_loop3A_192 : i32 to vector<16xi32>
      %parallel_loop3A_194 = arith.constant 50 : i32
      %parallel_loop3A_195 = vector.broadcast %parallel_loop3A_194 : i32 to vector<16xi32>
      %parallel_loop3A_196 = arith.constant 51 : i32
      %parallel_loop3A_197 = vector.broadcast %parallel_loop3A_196 : i32 to vector<16xi32>
      %parallel_loop3A_198 = arith.constant 52 : i32
      %parallel_loop3A_199 = vector.broadcast %parallel_loop3A_198 : i32 to vector<16xi32>
      %parallel_loop3A_200 = arith.constant 53 : i32
      %parallel_loop3A_201 = vector.broadcast %parallel_loop3A_200 : i32 to vector<16xi32>
      %parallel_loop3A_202 = arith.constant 54 : i32
      %parallel_loop3A_203 = vector.broadcast %parallel_loop3A_202 : i32 to vector<16xi32>
      %parallel_loop3A_204 = arith.constant 55 : i32
      %parallel_loop3A_205 = vector.broadcast %parallel_loop3A_204 : i32 to vector<16xi32>
      %parallel_loop3A_206 = arith.constant 56 : i32
      %parallel_loop3A_207 = vector.broadcast %parallel_loop3A_206 : i32 to vector<16xi32>
      %parallel_loop3A_208 = arith.constant 57 : i32
      %parallel_loop3A_209 = vector.broadcast %parallel_loop3A_208 : i32 to vector<16xi32>
      %parallel_loop3A_210 = arith.constant 58 : i32
      %parallel_loop3A_211 = vector.broadcast %parallel_loop3A_210 : i32 to vector<16xi32>
      %parallel_loop3A_212 = arith.constant 59 : i32
      %parallel_loop3A_213 = vector.broadcast %parallel_loop3A_212 : i32 to vector<16xi32>
      %parallel_loop3A_214 = arith.constant 60 : i32
      %parallel_loop3A_215 = vector.broadcast %parallel_loop3A_214 : i32 to vector<16xi32>
      %parallel_loop3A_216 = arith.constant 61 : i32
      %parallel_loop3A_217 = vector.broadcast %parallel_loop3A_216 : i32 to vector<16xi32>
      %parallel_loop3A_218 = arith.constant 62 : i32
      %parallel_loop3A_219 = vector.broadcast %parallel_loop3A_218 : i32 to vector<16xi32>
      %parallel_loop3A_220 = arith.constant 63 : i32
      %parallel_loop3A_221 = vector.broadcast %parallel_loop3A_220 : i32 to vector<16xi32>
      %parallel_loop3A_222 = tpu.vector_load_idx %arg5[%parallel_loop3A_41, %parallel_loop3A_191] : memref<1024x64xf32, #tpu.memory_space<vmem>>[vector<16xi32>, vector<16xi32>], vector<16xf32>,
      %parallel_loop3A_223 = tpu.vector_load_idx %arg5[%parallel_loop3A_41, %parallel_loop3A_193] : memref<1024x64xf32, #tpu.memory_space<vmem>>[vector<16xi32>, vector<16xi32>], vector<16xf32>,
      %parallel_loop3A_224 = tpu.vector_load_idx %arg5[%parallel_loop3A_41, %parallel_loop3A_195] : memref<1024x64xf32, #tpu.memory_space<vmem>>[vector<16xi32>, vector<16xi32>], vector<16xf32>,
      %parallel_loop3A_225 = tpu.vector_load_idx %arg5[%parallel_loop3A_41, %parallel_loop3A_197] : memref<1024x64xf32, #tpu.memory_space<vmem>>[vector<16xi32>, vector<16xi32>], vector<16xf32>,
      %parallel_loop3A_226 = tpu.vector_load_idx %arg5[%parallel_loop3A_41, %parallel_loop3A_199] : memref<1024x64xf32, #tpu.memory_space<vmem>>[vector<16xi32>, vector<16xi32>], vector<16xf32>,
      %parallel_loop3A_227 = tpu.vector_load_idx %arg5[%parallel_loop3A_41, %parallel_loop3A_201] : memref<1024x64xf32, #tpu.memory_space<vmem>>[vector<16xi32>, vector<16xi32>], vector<16xf32>,
      %parallel_loop3A_228 = tpu.vector_load_idx %arg5[%parallel_loop3A_41, %parallel_loop3A_203] : memref<1024x64xf32, #tpu.memory_space<vmem>>[vector<16xi32>, vector<16xi32>], vector<16xf32>,
      %parallel_loop3A_229 = tpu.vector_load_idx %arg5[%parallel_loop3A_41, %parallel_loop3A_205] : memref<1024x64xf32, #tpu.memory_space<vmem>>[vector<16xi32>, vector<16xi32>], vector<16xf32>,
      %parallel_loop3A_230 = tpu.vector_load_idx %arg5[%parallel_loop3A_41, %parallel_loop3A_207] : memref<1024x64xf32, #tpu.memory_space<vmem>>[vector<16xi32>, vector<16xi32>], vector<16xf32>,
      %parallel_loop3A_231 = tpu.vector_load_idx %arg5[%parallel_loop3A_41, %parallel_loop3A_209] : memref<1024x64xf32, #tpu.memory_space<vmem>>[vector<16xi32>, vector<16xi32>], vector<16xf32>,
      %parallel_loop3A_232 = tpu.vector_load_idx %arg5[%parallel_loop3A_41, %parallel_loop3A_211] : memref<1024x64xf32, #tpu.memory_space<vmem>>[vector<16xi32>, vector<16xi32>], vector<16xf32>,
      %parallel_loop3A_233 = tpu.vector_load_idx %arg5[%parallel_loop3A_41, %parallel_loop3A_213] : memref<1024x64xf32, #tpu.memory_space<vmem>>[vector<16xi32>, vector<16xi32>], vector<16xf32>,
      %parallel_loop3A_234 = tpu.vector_load_idx %arg5[%parallel_loop3A_41, %parallel_loop3A_215] : memref<1024x64xf32, #tpu.memory_space<vmem>>[vector<16xi32>, vector<16xi32>], vector<16xf32>,
      %parallel_loop3A_235 = tpu.vector_load_idx %arg5[%parallel_loop3A_41, %parallel_loop3A_217] : memref<1024x64xf32, #tpu.memory_space<vmem>>[vector<16xi32>, vector<16xi32>], vector<16xf32>,
      %parallel_loop3A_236 = tpu.vector_load_idx %arg5[%parallel_loop3A_41, %parallel_loop3A_219] : memref<1024x64xf32, #tpu.memory_space<vmem>>[vector<16xi32>, vector<16xi32>], vector<16xf32>,
      %parallel_loop3A_237 = tpu.vector_load_idx %arg5[%parallel_loop3A_41, %parallel_loop3A_221] : memref<1024x64xf32, #tpu.memory_space<vmem>>[vector<16xi32>, vector<16xi32>], vector<16xf32>,
      tpu.vector_store_idx %arg7[%parallel_loop3A_45, %parallel_loop3A_191], %parallel_loop3A_222 : memref<512x64xf32, #tpu.memory_space<vmem>>[vector<16xi32>, vector<16xi32>], vector<16xf32>,
      tpu.vector_store_idx %arg7[%parallel_loop3A_45, %parallel_loop3A_193], %parallel_loop3A_223 : memref<512x64xf32, #tpu.memory_space<vmem>>[vector<16xi32>, vector<16xi32>], vector<16xf32>,
      tpu.vector_store_idx %arg7[%parallel_loop3A_45, %parallel_loop3A_195], %parallel_loop3A_224 : memref<512x64xf32, #tpu.memory_space<vmem>>[vector<16xi32>, vector<16xi32>], vector<16xf32>,
      tpu.vector_store_idx %arg7[%parallel_loop3A_45, %parallel_loop3A_197], %parallel_loop3A_225 : memref<512x64xf32, #tpu.memory_space<vmem>>[vector<16xi32>, vector<16xi32>], vector<16xf32>,
      tpu.vector_store_idx %arg7[%parallel_loop3A_45, %parallel_loop3A_199], %parallel_loop3A_226 : memref<512x64xf32, #tpu.memory_space<vmem>>[vector<16xi32>, vector<16xi32>], vector<16xf32>,
      tpu.vector_store_idx %arg7[%parallel_loop3A_45, %parallel_loop3A_201], %parallel_loop3A_227 : memref<512x64xf32, #tpu.memory_space<vmem>>[vector<16xi32>, vector<16xi32>], vector<16xf32>,
      tpu.vector_store_idx %arg7[%parallel_loop3A_45, %parallel_loop3A_203], %parallel_loop3A_228 : memref<512x64xf32, #tpu.memory_space<vmem>>[vector<16xi32>, vector<16xi32>], vector<16xf32>,
      tpu.vector_store_idx %arg7[%parallel_loop3A_45, %parallel_loop3A_205], %parallel_loop3A_229 : memref<512x64xf32, #tpu.memory_space<vmem>>[vector<16xi32>, vector<16xi32>], vector<16xf32>,
      tpu.vector_store_idx %arg7[%parallel_loop3A_45, %parallel_loop3A_207], %parallel_loop3A_230 : memref<512x64xf32, #tpu.memory_space<vmem>>[vector<16xi32>, vector<16xi32>], vector<16xf32>,
      tpu.vector_store_idx %arg7[%parallel_loop3A_45, %parallel_loop3A_209], %parallel_loop3A_231 : memref<512x64xf32, #tpu.memory_space<vmem>>[vector<16xi32>, vector<16xi32>], vector<16xf32>,
      tpu.vector_store_idx %arg7[%parallel_loop3A_45, %parallel_loop3A_211], %parallel_loop3A_232 : memref<512x64xf32, #tpu.memory_space<vmem>>[vector<16xi32>, vector<16xi32>], vector<16xf32>,
      tpu.vector_store_idx %arg7[%parallel_loop3A_45, %parallel_loop3A_213], %parallel_loop3A_233 : memref<512x64xf32, #tpu.memory_space<vmem>>[vector<16xi32>, vector<16xi32>], vector<16xf32>,
      tpu.vector_store_idx %arg7[%parallel_loop3A_45, %parallel_loop3A_215], %parallel_loop3A_234 : memref<512x64xf32, #tpu.memory_space<vmem>>[vector<16xi32>, vector<16xi32>], vector<16xf32>,
      tpu.vector_store_idx %arg7[%parallel_loop3A_45, %parallel_loop3A_217], %parallel_loop3A_235 : memref<512x64xf32, #tpu.memory_space<vmem>>[vector<16xi32>, vector<16xi32>], vector<16xf32>,
      tpu.vector_store_idx %arg7[%parallel_loop3A_45, %parallel_loop3A_219], %parallel_loop3A_236 : memref<512x64xf32, #tpu.memory_space<vmem>>[vector<16xi32>, vector<16xi32>], vector<16xf32>,
      tpu.vector_store_idx %arg7[%parallel_loop3A_45, %parallel_loop3A_221], %parallel_loop3A_237 : memref<512x64xf32, #tpu.memory_space<vmem>>[vector<16xi32>, vector<16xi32>], vector<16xf32>,
    } {sc.loop_unroll_factor = 2 : i64, sc.parallel_access}
    %jit3A = arith.constant 2 : i32
    %div3A = arith.divsi %add3A, %jit3A : i32
    %sign3A = arith.constant 0 : i32
    %sign3A_5 = arith.cmpi sgt, %add3A, %sign3A : i32
    %sign3A_6 = arith.extui %sign3A_5 : i1 to i32
    %sign3A_7 = arith.constant 0 : i32
    %sign3A_8 = arith.cmpi slt, %add3A, %sign3A_7 : i32
    %sign3A_9 = arith.extui %sign3A_8 : i1 to i32
    %sign3A_10 = arith.subi %sign3A_6, %sign3A_9 : i32
    %sign3A_11 = arith.constant 0 : i32
    %sign3A_12 = arith.cmpi sgt, %jit3A, %sign3A_11 : i32
    %sign3A_13 = arith.extui %sign3A_12 : i1 to i32
    %sign3A_14 = arith.constant 0 : i32
    %sign3A_15 = arith.cmpi slt, %jit3A, %sign3A_14 : i32
    %sign3A_16 = arith.extui %sign3A_15 : i1 to i32
    %sign3A_17 = arith.subi %sign3A_13, %sign3A_16 : i32
    %ne3A = arith.cmpi ne, %sign3A_10, %sign3A_17 : i32
    %rem3A = arith.remsi %add3A, %jit3A : i32
    %ne3A_18 = arith.constant 0 : i32
    %ne3A_19 = arith.cmpi ne, %rem3A, %ne3A_18 : i32
    %and3A = arith.andi %ne3A, %ne3A_19 : i1
    %sub3A = arith.constant 1 : i32
    %sub3A_20 = arith.subi %div3A, %sub3A : i32
    %select_n3A = arith.select %and3A, %sub3A_20, %div3A : i32
    %jit3A_21 = arith.constant 2 : i32
    %eq3A = arith.constant 0 : i32
    %eq3A_22 = arith.cmpi eq, %jit3A_21, %eq3A : i32
    %jit3A_23 = arith.constant 1 : i32
    %select_n3A_24 = arith.select %eq3A_22, %jit3A_23, %jit3A_21 : i32
    %rem3A_25 = arith.remsi %add3A, %select_n3A_24 : i32
    %ne3A_26 = arith.constant 0 : i32
    %ne3A_27 = arith.cmpi ne, %rem3A_25, %ne3A_26 : i32
    %lt3A = arith.constant 0 : i32
    %lt3A_28 = arith.cmpi slt, %rem3A_25, %lt3A : i32
    %lt3A_29 = arith.constant 0 : i32
    %lt3A_30 = arith.cmpi slt, %select_n3A_24, %lt3A_29 : i32
    %ne3A_31 = arith.xori %lt3A_28, %lt3A_30 : i1
    %and3A_32 = arith.andi %ne3A_31, %ne3A_27 : i1
    %add3A_33 = arith.addi %rem3A_25, %select_n3A_24 : i32
    %select_n3A_34 = arith.select %and3A_32, %add3A_33, %rem3A_25 : i32
    %mul3A_35 = arith.constant 512 : i32
    %mul3A_36 = arith.muli %select_n3A_34, %mul3A_35 : i32
    "tpu.region"() ({
      %run_scoped3A = tpu.sem_alloc : memref<!tpu.dma_semaphore, #tpu.memory_space<semaphore_mem>>
      %dma_start3A = arith.constant 0 : i32
      %dma_start3A_37 = tpu.memref_slice %arg4[%select_n3A, %mul3A_36, %dma_start3A] : memref<16x1024x64xf32, #tpu.memory_space<hbm>> -> memref<1x512x64xf32, #tpu.memory_space<hbm>>
      %dma_start3A_38 = tpu.memref_squeeze %dma_start3A_37 : memref<1x512x64xf32, #tpu.memory_space<hbm>> -> memref<512x64xf32, #tpu.memory_space<hbm>>
      %dma_start3A_39 = arith.constant 0 : i32
      %dma_start3A_40 = tpu.memref_slice %arg4[%select_n3A, %mul3A_36, %dma_start3A_39] : memref<16x1024x64xf32, #tpu.memory_space<hbm>> -> memref<1x512x64xf32, #tpu.memory_space<hbm>>
      %dma_start3A_41 = tpu.memref_squeeze %dma_start3A_40 : memref<1x512x64xf32, #tpu.memory_space<hbm>> -> memref<512x64xf32, #tpu.memory_space<hbm>>
      tpu.enqueue_dma source(%arg7 : memref<512x64xf32, #tpu.memory_space<vmem>>) target(%dma_start3A_41 : memref<512x64xf32, #tpu.memory_space<hbm>>) target_semaphore(%run_scoped3A : memref<!tpu.dma_semaphore, #tpu.memory_space<semaphore_mem>>)
      %dma_wait3A = arith.constant 0 : i32
      %dma_wait3A_42 = tpu.memref_slice %arg4[%select_n3A, %mul3A_36, %dma_wait3A] : memref<16x1024x64xf32, #tpu.memory_space<hbm>> -> memref<1x512x64xf32, #tpu.memory_space<hbm>>
      %dma_wait3A_43 = tpu.memref_squeeze %dma_wait3A_42 : memref<1x512x64xf32, #tpu.memory_space<hbm>> -> memref<512x64xf32, #tpu.memory_space<hbm>>
      %dma_wait3A_44 = arith.constant 0 : i32
      %dma_wait3A_45 = tpu.memref_slice %arg4[%select_n3A, %mul3A_36, %dma_wait3A_44] : memref<16x1024x64xf32, #tpu.memory_space<hbm>> -> memref<1x512x64xf32, #tpu.memory_space<hbm>>
      %dma_wait3A_46 = tpu.memref_squeeze %dma_wait3A_45 : memref<1x512x64xf32, #tpu.memory_space<hbm>> -> memref<512x64xf32, #tpu.memory_space<hbm>>
      tpu.wait_dma2 semaphore(%run_scoped3A : memref<!tpu.dma_semaphore, #tpu.memory_space<semaphore_mem>>) src(%arg7 : memref<512x64xf32, #tpu.memory_space<vmem>>) dst(%dma_wait3A_46 : memref<512x64xf32, #tpu.memory_space<hbm>>)
      tpu.yield
    }) : () -> ()
    return
  }
}

module attributes {stable_mosaic.version = 14 : i64} {
  func.func @_tc_body(%arg0: i32, %arg1: memref<1024x768xf32, #tpu.memory_space<vmem>>, %arg2: memref<768x64xf32, #tpu.memory_space<vmem>>, %arg3: memref<1x64xf32, #tpu.memory_space<vmem>>, %arg4: memref<64x64xf32, #tpu.memory_space<vmem>>, %arg5: memref<1x64xf32, #tpu.memory_space<vmem>>, %arg6: memref<64x64xf32, #tpu.memory_space<vmem>>, %arg7: memref<1x64xf32, #tpu.memory_space<vmem>>, %arg8: memref<1024x64xf32, #tpu.memory_space<vmem>>, %arg9: memref<1x1x1024xi32, #tpu.memory_space<vmem>>, %arg10: memref<1x1xf32, #tpu.memory_space<smem>>) attributes {dimension_semantics = [#tpu.dimension_semantics<arbitrary>], iteration_bounds = array<i64: 16>, scalar_prefetch = 0 : i64, scratch_operands = 0 : i64, tpu.core_type = #tpu.core_type<tc>, window_params = [{transform_indices = @transform_0, window_bounds = array<i64: 1024, 768>}, {pipeline_mode = #tpu.pipeline_mode<synchronous>, transform_indices = @transform_1, window_bounds = array<i64: 768, 64>}, {pipeline_mode = #tpu.pipeline_mode<synchronous>, transform_indices = @transform_2, window_bounds = array<i64: 1, 64>}, {pipeline_mode = #tpu.pipeline_mode<synchronous>, transform_indices = @transform_3, window_bounds = array<i64: 64, 64>}, {pipeline_mode = #tpu.pipeline_mode<synchronous>, transform_indices = @transform_4, window_bounds = array<i64: 1, 64>}, {pipeline_mode = #tpu.pipeline_mode<synchronous>, transform_indices = @transform_5, window_bounds = array<i64: 64, 64>}, {pipeline_mode = #tpu.pipeline_mode<synchronous>, transform_indices = @transform_6, window_bounds = array<i64: 1, 64>}, {pipeline_mode = #tpu.pipeline_mode<synchronous>, transform_indices = @transform_7, window_bounds = array<i64: 1024, 64>}, {transform_indices = @transform_8, window_bounds = array<i64: 1, 1, 1024>}, {transform_indices = @transform_9, window_bounds = array<i64: 1, 1>}]} {
    %get3A = arith.constant 0 : index
    %get3A_0 = arith.constant 0 : index
    %get3A_1 = vector.load %arg1[%get3A, %get3A_0] : memref<1024x768xf32, #tpu.memory_space<vmem>>, vector<1024x768xf32>
    %get3A_2 = arith.constant 0 : index
    %get3A_3 = arith.constant 0 : index
    %get3A_4 = vector.load %arg2[%get3A_2, %get3A_3] : memref<768x64xf32, #tpu.memory_space<vmem>>, vector<768x64xf32>
    %dot_general3A = arith.constant dense<0.000000e+00> : vector<1024x64xf32>
    %dot_general3A_5 = tpu.matmul %get3A_1, %get3A_4, %dot_general3A {dimension_numbers = #tpu.dot_dimension_numbers<[1], [0], [0], [1], [0, 0, 1, 1], [], []>, transpose_lhs_hint = false} : vector<1024x768xf32>, vector<768x64xf32>, vector<1024x64xf32> -> vector<1024x64xf32>
    %get3A_6 = arith.constant 0 : index
    %get3A_7 = arith.constant 0 : index
    %get3A_8 = vector.load %arg3[%get3A_6, %get3A_7] : memref<1x64xf32, #tpu.memory_space<vmem>>, vector<1x64xf32>
    %add3A = vector.broadcast %get3A_8 : vector<1x64xf32> to vector<1024x64xf32>
    %add3A_9 = arith.addf %dot_general3A_5, %add3A : vector<1024x64xf32>
    %max3A = arith.constant 0.000000e+00 : f32
    %max3A_10 = vector.broadcast %max3A : f32 to vector<1024x64xf32>
    %max3A_11 = arith.maximumf %add3A_9, %max3A_10 : vector<1024x64xf32>
    %get3A_12 = arith.constant 0 : index
    %get3A_13 = arith.constant 0 : index
    %get3A_14 = vector.load %arg4[%get3A_12, %get3A_13] : memref<64x64xf32, #tpu.memory_space<vmem>>, vector<64x64xf32>
    %dot_general3A_15 = arith.constant dense<0.000000e+00> : vector<1024x64xf32>
    %dot_general3A_16 = tpu.matmul %max3A_11, %get3A_14, %dot_general3A_15 {dimension_numbers = #tpu.dot_dimension_numbers<[1], [0], [0], [1], [0, 0, 1, 1], [], []>, transpose_lhs_hint = false} : vector<1024x64xf32>, vector<64x64xf32>, vector<1024x64xf32> -> vector<1024x64xf32>
    %get3A_17 = arith.constant 0 : index
    %get3A_18 = arith.constant 0 : index
    %get3A_19 = vector.load %arg5[%get3A_17, %get3A_18] : memref<1x64xf32, #tpu.memory_space<vmem>>, vector<1x64xf32>
    %add3A_20 = vector.broadcast %get3A_19 : vector<1x64xf32> to vector<1024x64xf32>
    %add3A_21 = arith.addf %dot_general3A_16, %add3A_20 : vector<1024x64xf32>
    %max3A_22 = arith.constant 0.000000e+00 : f32
    %max3A_23 = vector.broadcast %max3A_22 : f32 to vector<1024x64xf32>
    %max3A_24 = arith.maximumf %add3A_21, %max3A_23 : vector<1024x64xf32>
    %get3A_25 = arith.constant 0 : index
    %get3A_26 = arith.constant 0 : index
    %get3A_27 = vector.load %arg6[%get3A_25, %get3A_26] : memref<64x64xf32, #tpu.memory_space<vmem>>, vector<64x64xf32>
    %dot_general3A_28 = arith.constant dense<0.000000e+00> : vector<1024x64xf32>
    %dot_general3A_29 = tpu.matmul %max3A_24, %get3A_27, %dot_general3A_28 {dimension_numbers = #tpu.dot_dimension_numbers<[1], [0], [0], [1], [0, 0, 1, 1], [], []>, transpose_lhs_hint = false} : vector<1024x64xf32>, vector<64x64xf32>, vector<1024x64xf32> -> vector<1024x64xf32>
    %get3A_30 = arith.constant 0 : index
    %get3A_31 = arith.constant 0 : index
    %get3A_32 = vector.load %arg7[%get3A_30, %get3A_31] : memref<1x64xf32, #tpu.memory_space<vmem>>, vector<1x64xf32>
    %add3A_33 = vector.broadcast %get3A_32 : vector<1x64xf32> to vector<1024x64xf32>
    %add3A_34 = arith.addf %dot_general3A_29, %add3A_33 : vector<1024x64xf32>
    %mul3A = arith.constant -2.000000e+00 : f32
    %mul3A_35 = vector.broadcast %mul3A : f32 to vector<1024x64xf32>
    %mul3A_36 = arith.mulf %mul3A_35, %add3A_34 : vector<1024x64xf32>
    %mul3A_37 = arith.mulf %add3A_34, %add3A_34 : vector<1024x64xf32>
    %reduce_sum3A = arith.constant dense<0.000000e+00> : vector<1024xf32>
    %reduce_sum3A_38 = vector.multi_reduction <add>, %mul3A_37, %reduce_sum3A [1] : vector<1024x64xf32> to vector<1024xf32>
    %broadcast_in_dim3A = vector.shape_cast %reduce_sum3A_38 : vector<1024xf32> to vector<1024x1xf32>
    %get3A_39 = arith.constant 0 : index
    %get3A_40 = arith.constant 0 : index
    %get3A_41 = vector.load %arg8[%get3A_39, %get3A_40] : memref<1024x64xf32, #tpu.memory_space<vmem>>, vector<1024x64xf32>
    %mul3A_42 = arith.mulf %get3A_41, %get3A_41 : vector<1024x64xf32>
    %reduce_sum3A_43 = arith.constant dense<0.000000e+00> : vector<1024xf32>
    %reduce_sum3A_44 = vector.multi_reduction <add>, %mul3A_42, %reduce_sum3A_43 [1] : vector<1024x64xf32> to vector<1024xf32>
    %dot_general3A_45 = arith.constant dense<0.000000e+00> : vector<1024x1024xf32>
    %dot_general3A_46 = tpu.matmul %mul3A_36, %get3A_41, %dot_general3A_45 {dimension_numbers = #tpu.dot_dimension_numbers<[1], [1], [0], [0], [0, 0, 1, 0], [], []>, transpose_lhs_hint = false} : vector<1024x64xf32>, vector<1024x64xf32>, vector<1024x1024xf32> -> vector<1024x1024xf32>
    %add3A_47 = vector.broadcast %broadcast_in_dim3A : vector<1024x1xf32> to vector<1024x1024xf32>
    %add3A_48 = arith.addf %add3A_47, %dot_general3A_46 : vector<1024x1024xf32>
    %broadcast_in_dim3A_49 = vector.shape_cast %reduce_sum3A_44 : vector<1024xf32> to vector<1x1024xf32>
    %add3A_50 = vector.broadcast %broadcast_in_dim3A_49 : vector<1x1024xf32> to vector<1024x1024xf32>
    %add3A_51 = arith.addf %add3A_48, %add3A_50 : vector<1024x1024xf32>
    %argmin3A = tpu.reduce_index %add3A_51 {axis = 1 : i32, kind = #tpu.reduction_kind<arg_min>} : vector<1024x1024xf32> -> vector<1024xi32>
    %reduce_min3A = arith.constant dense<0x7F800000> : vector<1024xf32>
    %reduce_min3A_52 = vector.multi_reduction <minimumf>, %add3A_51, %reduce_min3A [1] : vector<1024x1024xf32> to vector<1024xf32>
    %swap3A = arith.constant 0 : index
    %swap3A_53 = arith.constant 0 : index
    %swap3A_54 = arith.constant 0 : index
    %swap3A_55 = vector.load %arg9[%swap3A, %swap3A_53, %swap3A_54] : memref<1x1x1024xi32, #tpu.memory_space<vmem>>, vector<1x1x1024xi32>
    %swap3A_56 = vector.shape_cast %swap3A_55 : vector<1x1x1024xi32> to vector<1024xi32>
    %swap3A_57 = vector.shape_cast %argmin3A : vector<1024xi32> to vector<1x1x1024xi32>
    tpu.vector_store %arg9[%swap3A, %swap3A_53, %swap3A_54], %swap3A_57 {strides = array<i32>} : memref<1x1x1024xi32, #tpu.memory_space<vmem>>, vector<1x1x1024xi32>,
    %eq3A = arith.constant 0 : i32
    %eq3A_58 = arith.cmpi eq, %arg0, %eq3A : i32
    %convert_element_type3A = arith.extui %eq3A_58 : i1 to i32
    %cond3A = arith.constant 0 : i32
    %cond3A_59 = arith.cmpi ne, %convert_element_type3A, %cond3A : i32
    scf.if %cond3A_59 {
      %swap3A_72 = arith.constant 0.000000e+00 : f32
      %swap3A_73 = arith.constant 0 : index
      %swap3A_74 = arith.constant 0 : index
      %swap3A_75 = memref.load %arg10[%swap3A_73, %swap3A_74] : memref<1x1xf32, #tpu.memory_space<smem>>
      memref.store %swap3A_72, %arg10[%swap3A_73, %swap3A_74] : memref<1x1xf32, #tpu.memory_space<smem>>
    } else {
    }
    %get3A_60 = arith.constant 0 : index
    %get3A_61 = arith.constant 0 : index
    %get3A_62 = memref.load %arg10[%get3A_60, %get3A_61] : memref<1x1xf32, #tpu.memory_space<smem>>
    %reduce_sum3A_63 = vector.shape_cast %reduce_min3A_52 : vector<1024xf32> to vector<1x1024xf32>
    %reduce_sum3A_64 = arith.constant dense<0.000000e+00> : vector<1xf32>
    %reduce_sum3A_65 = vector.multi_reduction <add>, %reduce_sum3A_63, %reduce_sum3A_64 [1] : vector<1x1024xf32> to vector<1xf32>
    %reduce_sum3A_66 = vector.shape_cast %reduce_sum3A_65 : vector<1xf32> to vector<1x1xf32>
    %reduce_sum3A_67 = vector.extract %reduce_sum3A_66[0, 0] : f32 from vector<1x1xf32>
    %add3A_68 = arith.addf %get3A_62, %reduce_sum3A_67 : f32
    %swap3A_69 = arith.constant 0 : index
    %swap3A_70 = arith.constant 0 : index
    %swap3A_71 = memref.load %arg10[%swap3A_69, %swap3A_70] : memref<1x1xf32, #tpu.memory_space<smem>>
    memref.store %add3A_68, %arg10[%swap3A_69, %swap3A_70] : memref<1x1xf32, #tpu.memory_space<smem>>
    return
  }
  func.func @transform_0(%arg0: i32) -> (i32, i32) {
    %c0_i32 = arith.constant 0 : i32
    %c0_i32_0 = arith.constant 0 : i32
    return %arg0, %c0_i32 : i32, i32
  }
  func.func @transform_1(%arg0: i32) -> (i32, i32) {
    %c0_i32 = arith.constant 0 : i32
    %c0_i32_0 = arith.constant 0 : i32
    %c0_i32_1 = arith.constant 0 : i32
    return %c0_i32, %c0_i32_0 : i32, i32
  }
  func.func @transform_2(%arg0: i32) -> (i32, i32) {
    %c0_i32 = arith.constant 0 : i32
    %c0_i32_0 = arith.constant 0 : i32
    %c0_i32_1 = arith.constant 0 : i32
    return %c0_i32, %c0_i32_0 : i32, i32
  }
  func.func @transform_3(%arg0: i32) -> (i32, i32) {
    %c0_i32 = arith.constant 0 : i32
    %c0_i32_0 = arith.constant 0 : i32
    %c0_i32_1 = arith.constant 0 : i32
    return %c0_i32, %c0_i32_0 : i32, i32
  }
  func.func @transform_4(%arg0: i32) -> (i32, i32) {
    %c0_i32 = arith.constant 0 : i32
    %c0_i32_0 = arith.constant 0 : i32
    %c0_i32_1 = arith.constant 0 : i32
    return %c0_i32, %c0_i32_0 : i32, i32
  }
  func.func @transform_5(%arg0: i32) -> (i32, i32) {
    %c0_i32 = arith.constant 0 : i32
    %c0_i32_0 = arith.constant 0 : i32
    %c0_i32_1 = arith.constant 0 : i32
    return %c0_i32, %c0_i32_0 : i32, i32
  }
  func.func @transform_6(%arg0: i32) -> (i32, i32) {
    %c0_i32 = arith.constant 0 : i32
    %c0_i32_0 = arith.constant 0 : i32
    %c0_i32_1 = arith.constant 0 : i32
    return %c0_i32, %c0_i32_0 : i32, i32
  }
  func.func @transform_7(%arg0: i32) -> (i32, i32) {
    %c0_i32 = arith.constant 0 : i32
    %c0_i32_0 = arith.constant 0 : i32
    %c0_i32_1 = arith.constant 0 : i32
    return %c0_i32, %c0_i32_0 : i32, i32
  }
  func.func @transform_8(%arg0: i32) -> (i32, i32, i32) {
    %c0_i32 = arith.constant 0 : i32
    %c0_i32_0 = arith.constant 0 : i32
    %c0_i32_1 = arith.constant 0 : i32
    return %arg0, %c0_i32, %c0_i32_0 : i32, i32, i32
  }
  func.func @transform_9(%arg0: i32) -> (i32, i32) {
    %c0_i32 = arith.constant 0 : i32
    %c0_i32_0 = arith.constant 0 : i32
    %c0_i32_1 = arith.constant 0 : i32
    return %c0_i32, %c0_i32_0 : i32, i32
  }
}

</mosaic_0001>

<sc_bundles>
// kernel: kernel.4.cloned.1.call-start
scs
__scs_entry_jumppad:
0x0: {  	(pc) =	sbr.rel $0x88, $3  }
0x1: {  	(tag) =	ssettag $0x0;
	lr =	simm.s32 $0x1  }
0x2: {  	[smem:$0x3F99] =	sst lr;
	_ =	strace $0xD0000000  }
0x3: {  	_ = 	snop  }
0x4: {  	_ = 	snop  }
0x5: {  	_ = 	snop  }
0x6: {  	_ = 	snop  }
0x7: {  	_ = 	snop  }
__scs_overlays_trampoline_lowered:
0x8: {  	[smem:$0x3FA8] =	sst s0  }
0x9: {  	[smem:$0x3FA9] =	sst s1  }
0xa: {  	[smem:$0x3FAA] =	sst s2  }
0xb: {  	[smem:$0x3FAB] =	sst s3  }
0xc: {  	[smem:$0x3FAC] =	sst s4  }
0xd: {  	[smem:$0x3FAD] =	sst s5  }
0xe: {  	[smem:$0x3FAE] =	sst s6  }
0xf: {  	[smem:$0x3FAF] =	sst s7  }
0x10: {  	[smem:$0x3FB0] =	sst s8  }
0x11: {  	[smem:$0x3FB1] =	sst s9;
	s0 =	simm.s32 @!p0 $0x0  }
0x12: {  	s1 =	sld [smem:$0x3F97];
	s0 =	simm.s32 @p0 $0x1  }
0x13: {  	[smem:$0x3FB2] =	sst s0;
	s0 =	simm.s32 @!p1 $0x0  }
0x14: {  	s2 =	sld [smem:$0x3F96];
	s0 =	simm.s32 @p1 $0x1  }
0x15: {  	[smem:$0x3FB3] =	sst s0;
	s0 =	simm.s32 @!p2 $0x0  }
0x16: {  	s3 =	sld [smem:$0x3FDB];
	s0 =	simm.s32 @p2 $0x1  }
0x17: {  	s4 =	simm.s32 $0x1BF5;
	[smem:$0x3FB5] =	sst s0  }
0x18: {  	s0 =	sld [smem:$0x3F98];
	_ =	swait.ge [sflag:s4], $0x0  }
0x19: {  	s7 =	sld [smem:$0x3F99]  }
0x1a: {  	s8 =	sadd.s32 $0xFFFFE003, lr  }
0x1b: {  	s9 =	sadd.s32 $0xFFFFFEF7, lr;
	s5 =	simm.s32 $0xFFFFFFFF;
	p2 =	slt.u32 s8, $0xFFFFF086  }
0x1c: {  	p1 =	slt.u32 s9, $0xF7A;
	s5 =	simm.s32 @!p2 $0x0  }
0x1d: {  	s5 =	simm.s32 @p1 $0x1;
	p0 =	seq.s32 s7, s2  }
0x1e: {  	s7 =	smul.u32 @!p0 $0xF7A, s2;
	p2 =	seq.s32 @!p0 s5, $0x0  }
0x1f: {  	s9 =	smul.u32 $0xF7A, s1;
	s8 =	simm.s32 @!p0 $0x1BF5;
	p2 =	por !p2, p0  }
0x20: {  	[sflag:s8] =	ssyncset.s32 @!p0 $0xFFFFF086;
	s6 =	sadd.s32 @!p0 s3, s7;
	s7 =	simm.s32 @!p0 $0x108  }
0x21: {  	s3 =	sadd.s32 s3, s9;
	s6 =	sadd.s32 @!p0 $0x88, s6;
	s7 =	simm.s32 @p2 $0x1082  }
0x22: {  	[simem:s7], [sflag:s8] =	dma.local @!p0 [hbm:s6], $0xF7A  }
0x23: {  	s9 =	sor.u32 $0xD0000000, s2;
	s6 =	simm.s32 $0x108;
	_ =	swait.ge @!p0 [sflag:s8], $0x0  }
0x24: {  	s3 =	sadd.s32 $0x88, s3;
	s6 =	simm.s32 @!p1 $0x1082;
	[sflag:s4] =	ssyncset.s32 $0xFFFFF086  }
0x25: {  	[simem:s6], [sflag:s4] =	dma.local [hbm:s3], $0xF7A  }
0x26: {  	[smem:$0x3F99] =	sst s1;
	(tag) =	ssettag s2;
	_ =	strace s9  }
0x27: {  	s1 =	sld [smem:$0x3FA9]  }
0x28: {  	s2 =	sld [smem:$0x3FAA]  }
0x29: {  	s4 =	sld [smem:$0x3FAC]  }
0x2a: {  	p0 =	seq.s32 s5, $0x0;
	s5 =	sld [smem:$0x3FAD]  }
0x2b: {  	s6 =	sld [smem:$0x3FAE]  }
0x2c: {  	s7 =	sld [smem:$0x3FAF]  }
0x2d: {  	s3 =	simm.s32 $0x108;
	s8 =	sld [smem:$0x3FB0]  }
0x2e: {  	s3 =	simm.s32 @!p0 $0x1082;
	s9 =	sld [smem:$0x3FB1]  }
0x2f: {  	lr =	sadd.s32 s0, s3;
	s0 =	sld [smem:$0x3FA8]  }
0x30: {  	s3 =	sld [smem:$0x3FAB]  }
0x31: {  	[smem:$0x3FB4] =	sst s10  }
0x32: {  	s10 =	sld [smem:$0x3FB2];
	_ =	sdelay $0x3  }
0x33: {  	p0 =	seq.s32 s10, $0x1;
	s10 =	sld [smem:$0x3FB4];
	_ =	sdelay $0x3  }
0x34: {  	[smem:$0x3FB4] =	sst s10  }
0x35: {  	s10 =	sld [smem:$0x3FB3];
	_ =	sdelay $0x3  }
0x36: {  	p1 =	seq.s32 s10, $0x1;
	s10 =	sld [smem:$0x3FB4];
	_ =	sdelay $0x3  }
0x37: {  	[smem:$0x3FB4] =	sst s10  }
0x38: {  	s10 =	sld [smem:$0x3FB5]  }
0x39: {  	_ = 	snop;
	(pc) =	sbr.ind lr, $3  }
0x3a: {  	_ = 	snop  }
0x3b: {  	_ = 	snop  }
0x3c: {  	p2 =	seq.s32 s10, $0x1;
	s10 =	sld [smem:$0x3FB4]  }
0x3d: {  	_ =	shalt  }
0x3e: {  	_ =	shalt  }
0x3f: {  	_ =	shalt  }
0x40: {  	_ =	shalt  }
0x41: {  	_ =	shalt  }
0x42: {  	_ =	shalt  }
0x43: {  	_ =	shalt  }
0x44: {  	_ =	shalt  }
0x45: {  	_ =	shalt  }
0x46: {  	_ =	shalt  }
0x47: {  	_ =	shalt  }
0x48: {  	_ =	shalt  }
0x49: {  	_ =	shalt  }
0x4a: {  	_ =	shalt  }
0x4b: {  	_ =	shalt  }
0x4c: {  	_ =	shalt  }
0x4d: {  	_ =	shalt  }
0x4e: {  	_ =	shalt  }
0x4f: {  	_ =	shalt  }
0x50: {  	_ =	shalt  }
0x51: {  	_ =	shalt  }
0x52: {  	_ =	shalt  }
0x53: {  	_ =	shalt  }
0x54: {  	_ =	shalt  }
0x55: {  	_ =	shalt  }
0x56: {  	_ =	shalt  }
0x57: {  	_ =	shalt  }
0x58: {  	_ =	shalt  }
0x59: {  	_ =	shalt  }
0x5a: {  	_ =	shalt  }
0x5b: {  	_ =	shalt  }
0x5c: {  	_ =	shalt  }
0x5d: {  	_ =	shalt  }
0x5e: {  	_ =	shalt  }
0x5f: {  	_ =	shalt  }
0x60: {  	_ =	shalt  }
0x61: {  	_ =	shalt  }
0x62: {  	_ =	shalt  }
0x63: {  	_ =	shalt  }
0x64: {  	_ =	shalt  }
0x65: {  	_ =	shalt  }
0x66: {  	_ =	shalt  }
0x67: {  	_ =	shalt  }
0x68: {  	_ =	shalt  }
0x69: {  	_ =	shalt  }
0x6a: {  	_ =	shalt  }
0x6b: {  	_ =	shalt  }
0x6c: {  	_ =	shalt  }
0x6d: {  	_ =	shalt  }
0x6e: {  	_ =	shalt  }
0x6f: {  	_ =	shalt  }
0x70: {  	_ =	shalt  }
0x71: {  	_ =	shalt  }
0x72: {  	_ =	shalt  }
0x73: {  	_ =	shalt  }
0x74: {  	_ =	shalt  }
0x75: {  	_ =	shalt  }
0x76: {  	_ =	shalt  }
0x77: {  	_ =	shalt  }
0x78: {  	_ =	shalt  }
0x79: {  	_ =	shalt  }
0x7a: {  	_ =	shalt  }
0x7b: {  	_ =	shalt  }
0x7c: {  	_ =	shalt  }
0x7d: {  	_ =	shalt  }
0x7e: {  	_ =	shalt  }
0x7f: {  	_ =	shalt  }
0x80: {  	_ =	shalt  }
0x81: {  	_ =	shalt  }
0x82: {  	_ =	shalt  }
0x83: {  	_ =	shalt  }
0x84: {  	_ =	shalt  }
0x85: {  	_ =	shalt  }
0x86: {  	_ =	shalt  }
0x87: {  	_ =	shalt  }
.Lfunc_end0:
.L_simem_size_0:
called_computation_lowered:
.L_overlay_start_0:
0x88: {  	s2 =	sld [smem:$0x3FD9]  }
0x89: {  	s3 =	sld [smem:$0x3FFE];
	_ =	sdelay $0x1  }
0x8a: {  	s1 =	srdreg.scid  }
0x8b: {  	s0 =	sand.u32 $0x1, s1  }
0x8c: {  	s14 =	sshll.u32 s0, $0xA;
	s2 =	sadd.s32 s3, s2  }
0x8d: {  	s2 =	sadd.s32 s2, s14  }
0x8e: {  	[smem:$0x3FC0] =	sst s2  }
0x8f: {  	_ = 	snop  }
0x90: {  	s2 =	sld [smem:$0x3FD0];
	_ =	sdelay $0x2  }
0x91: {  	s15 =	simm.s32 $0xA;
	s4 =	simm.s32 $0x10  }
0x92: {  	[smem:s4], [sflag:s15] =	dma.local [hbm:s2], $0x1  }
0x93: {  	_ =	swait.eq [sflag:s15], $0x1  }
0x94: {  	[sflag:s15] =	ssyncset.done $0x0  }
0x95: {  	[sflag:s15] =	ssyncadd.s32 $0xFFFFFFFF  }
0x96: {  	s16 =	sld [smem:$0x10];
	(tm) =	ssettm $0x1  }
0x97: {  	s17 =	sld [smem:$0x3FFB];
	_ =	sdelay $0x3  }
0x98: {  	_ =	strace s17  }
0x99: {  	s3 =	sld [smem:$0x3FFC];
	_ =	sdelay $0x3  }
0x9a: {  	_ =	strace s3  }
0x9b: {  	s3 =	sld [smem:$0x3FFD];
	_ =	sdelay $0x3  }
0x9c: {  	_ =	strace s3  }
0x9d: {  	_ =	strace $0x8FFFFFFF  }
0x9e: {  	s18 =	sld [smem:$0x3FDB];
	_ =	sdelay $0x1  }
0x9f: {  	s19 =	simm.s32 $_scs_section_size  }
0xa0: {  	s5 =	simm.s32 $_size__tile_overlayer_lowered;
	s6 =	simm.s32 $_tile_overlayer_lowered  }
0xa1: {  	s22 =	simm.s32 $0x1BFF;
	s21 =	sshll.u32 s6, $0x1;
	s3 =	sadd.s32 s19, s18  }
0xa2: {  	s7 =	simm.s32 $0x0;
	s20 =	sshll.u32 s5, $0x1;
	s5 =	sadd.s32 s21, s3  }
0xa3: {  	[timem:s7], [sflag:s22] =	dma.local [hbm:s5], s20  }
0xa4: {  	_ =	swait.ge [sflag:s22], s20  }
0xa5: {  	s4 =	ssub.s32 $0x0, s20;
	[sflag:s22] =	ssyncset.done $0x0  }
0xa6: {  	[sflag:s22] =	ssyncadd.s32 s4;
	_ =	sdelay $0x1  }
0xa7: {  	s23 =	simm.s32 $0x1B8B  }
0xa8: {  	_ =	swait.ge [sflag:s23], $0x1  }
0xa9: {  	[sflag:s23] =	ssyncset.done $0x0  }
0xaa: {  	s25 =	simm.s32 $0x1B8E;
	s24 =	sld [smem:$0x3FFE];
	[sflag:s23] =	ssyncadd.s32 $0xFFFFFFFF  }
0xab: {  	s26 =	simm.s32 $execute0_lowered;
	[smem:$0x3FD2] =	sst s25  }
0xac: {  	s5 =	sshll.u32 s26, $0x1;
	_ =	strace $0x80000046;
	[dreg:$0x1] =	wrdreg $0xFFFFFFFF  }
0xad: {  	s28 =	simm.s32 $_size_execute0_lowered;
	s3 =	sadd.s32 s3, s5;
	[dreg:$0x0] =	wrdreg $0x0  }
0xae: {  	s5 =	sshll.u32 s28, $0x1;
	[dreg:$0x2] =	wrdreg s3  }
0xaf: {  	[dreg:$0x3] =	wrdreg s5  }
0xb0: {  	[dreg:$0x4] =	wrdreg $0xC0  }
0xb1: {  	_ =	task [dreg:s7], $0x5FFFF  }
0xb2: {  	[dreg:$0x1] =	wrdreg $0xFFFFFFFF  }
0xb3: {  	[dreg:$0x0] =	wrdreg $0x60  }
0xb4: {  	[dreg:$0x2] =	wrdreg s24  }
0xb5: {  	[dreg:$0x3] =	wrdreg s16  }
0xb6: {  	[dreg:$0x4] =	wrdreg $0x9  }
0xb7: {  	_ =	task.clear_ibuf [dreg:s7], $0x5FFFF;
	_ =	strace $0x90000046  }
0xb8: {  	s29 =	simm.s32 $0x9;
	_ =	strace $0x80000048  }
0xb9: {  	_ =	swait.ge [sflag:s29], $0x1  }
0xba: {  	[sflag:s29] =	ssyncadd.s32 $0xFFFFFFFF  }
0xbb: {  	_ =	strace $0x90000048  }
0xbc: {  	_ =	sfence  }
0xbd: {  	s30 =	sld [smem:$0x0];
	_ =	sdelay $0x2  }
0xbe: {  	s31 =	sshll.u32 s1, $0xD;
	s1 =	sshrl.u32 s1, $0x2  }
0xbf: {  	s3 =	sand.u32 $0x4000, s31;
	s1 =	sadd.s32 s1, s30  }
0xc0: {  	s0 =	sor.u32 s3, s0;
	s1 =	sshll.u32 s1, $0x11  }
0xc1: {  	s0 =	sor.u32 s1, s0  }
0xc2: {  	s0 =	sadd.s32 $0x8F2B, s0  }
0xc3: {  	[sflag:s0] =	ssyncadd.remote.s32 $0x1  }
0xc4: {  	_ =	sfence.sel $0xFFFF  }
0xc5: {  	[dreg:$0x0] =	wrdreg $0xFFFFFFFF;
	(pc) =	sbr.abs _section_cstart, $3  }
0xc6: {  	[dreg:$0x1] =	wrdreg $0xFFFFFFFF  }
0xc7: {  	_ =	task.clear_ibuf [dreg:s7], $0x2FFFF;
	_ =	strace $0x9FFFFFFF  }
0xc8: {  	(tm) =	ssettm $0x7FFFFFFF  }
0xc9: {  	_ =	shalt  }
tec
execute0_lowered:
.L_overlay_start_1:
0x0: {  	(tag) =	ssettag $0x1  }
0x1: {  	s1 =	srdreg.scid  }
0x2: {  	s0 =	stileid.u32;
	s5 =	rddreg [dreg:$0x0]  }
0x3: {  	s7 =	rddreg [dreg:$0x1];
	s4 =	sand.u32 $0x1, s1;
	s30 =	sshll.u32 s0, $0x1  }
0x4: {  	s2 =	simm.s32 $0x0;
	s8 =	simm.s32 $0x1;
	s6 =	sor.u32 s4, s30  }
0x5: {  	s1 =	rddreg [dreg:$0x2];
	p1 =	seq.s32 s4, $0x1;
	p0 =	seq.s32 s6, $0x0  }
0x6: {  	s11 =	simm.s32 $0x0;
	[smem:$0x7FF] =	sst s2;
	p0 =	por !p0, !p1  }
0x7: {  	s3 =	sadd.s32 $0x1400, s5;
	_ =	strace $0x80000047;
	p0 =	por !p0, !p0  }
0x8: {  	s9 =	ssub.s32 $0x2, s4;
	s4 =	sshll.u32 s4, $0xF;
	s8 =	simm.s32 @!p0 $0x0  }
0x9: {  	s6 =	sshll.u32 s6, $0x6;
	s10 =	sshrl.u32 s9, $0x1;
	s8 =	ssub.s32 s0, s8  }
0xa: {  	v0 =	vlaneseq.u32;
	s5 =	sadd.s32 s6, s5;
	s9 =	ssub.s32 s9, s10;
	s8 =	sshll.u32 s8, $0x10  }
0xb: {  	v18 =	vmul.u32 $0x40, v0;
	s10 =	simm.s32 $0x10200;
	s31 =	sor.u32 s4, s8;
	s4 =	sadd.s32 $0x3400, s5  }
0xc: {  	s5 =	simm.s32 $0x1;
	s8 =	simm.s32 $0x10000;
	s6 =	sshrl.u32 s31, $0x3  }
0xd: {  	[tilespmem:$0x1FFF0] =	vst v18;
	s6 =	sadd.s32 s7, s6;
	s7 =	smax.u32 s9, $0x1;
	s9 =	simm.s32 $0x2  }
.LBB2_1:
0xe: {  	[tilespmem:s2], [sflag:$0x1] =	stream.linear.gather [hbm4b:s3+s2], $0x10000, $0x38;
	[tilespmem:$0x18200] =	vst v63  }
0xf: {  	_ = 	snop  }
0x10: {  	[tilespmem:s8], [sflag:$0x2] =	stream.linear.gather [hbm4b:s4+s2], $0x200, $0x38;
	[tilespmem:$0x18200] =	vst v63  }
0x11: {  	_ =	swait.ge [sflag:s9], $0x200  }
0x12: {  	[sflag:s9] =	ssyncset.done $0x0  }
0x13: {  	[sflag:s9] =	ssyncadd.s32 $0xFFFFFE00  }
0x14: {  	_ =	swait.ge [sflag:s5], $0x10000  }
0x15: {  	[sflag:s5] =	ssyncset.done $0x0  }
0x16: {  	s12 =	simm.s32 $0x10010;
	[sflag:s5] =	ssyncadd.s32 $0xFFFF0000  }
0x17: {  	v0 =	vld [tilespmem:s12+$0x0];
	_ =	sdelay $0x4  }
0x18: {  	v2 =	vshll.u32 v0, $0x6  }
0x19: {  	v0 =	vor.u32 $0x1, v2  }
0x1a: {  	v1 =	vor.u32 $0x2, v2  }
0x1b: {  	v3 =	vor.u32 $0x3, v2  }
0x1c: {  	v4 =	vor.u32 $0x4, v2  }
0x1d: {  	v6 =	vor.u32 $0x5, v2;
	v5 =	vld.idx.msk [tilespmem:v2+s2+$0x0], $0xffff  }
0x1e: {  	v7 =	vor.u32 $0x6, v2;
	v0 =	vld.idx.msk [tilespmem:v0+s2+$0x0], $0xffff  }
0x1f: {  	v8 =	vor.u32 $0x7, v2;
	v1 =	vld.idx.msk [tilespmem:v1+s2+$0x0], $0xffff  }
0x20: {  	v9 =	vld.idx.msk [tilespmem:v3+s2+$0x0], $0xffff;
	v3 =	vor.u32 $0x8, v2  }
0x21: {  	v10 =	vor.u32 $0x9, v2;
	v4 =	vld.idx.msk [tilespmem:v4+s2+$0x0], $0xffff  }
0x22: {  	v11 =	vor.u32 $0xA, v2;
	v6 =	vld.idx.msk [tilespmem:v6+s2+$0x0], $0xffff  }
0x23: {  	v12 =	vor.u32 $0xB, v2;
	v7 =	vld.idx.msk [tilespmem:v7+s2+$0x0], $0xffff  }
0x24: {  	s13 =	simm.s32 $0x10;
	v13 =	vor.u32 $0xC, v2;
	v8 =	vld.idx.msk [tilespmem:v8+s2+$0x0], $0xffff  }
0x25: {  	v15 =	vor.u32 $0xD, v2;
	v14 =	vld.idx.msk [tilespmem:v3+s2+$0x0], $0xffff;
	v3 =	vmov s13  }
0x26: {  	v16 =	vor.u32 $0xE, v2;
	v10 =	vld.idx.msk [tilespmem:v10+s2+$0x0], $0xffff;
	v3 =	vshll.u32 v3, $0x6  }
0x27: {  	v17 =	vor.u32 $0xF, v2;
	v11 =	vld.idx.msk [tilespmem:v11+s2+$0x0], $0xffff;
	v3 =	vor.u32 v18, v3  }
0x28: {  	v30 =	vmov v18;
	v12 =	vld.idx.msk [tilespmem:v12+s2+$0x0], $0xffff;
	v18 =	vor.u32 $0x1, v3  }
0x29: {  	v13 =	vld.idx.msk [tilespmem:v13+s2+$0x0], $0xffff;
	v19 =	vor.u32 $0x2, v3  }
0x2a: {  	v15 =	vld.idx.msk [tilespmem:v15+s2+$0x0], $0xffff;
	v20 =	vor.u32 $0x3, v3  }
0x2b: {  	v16 =	vld.idx.msk [tilespmem:v16+s2+$0x0], $0xffff;
	v21 =	vor.u32 $0x4, v3  }
0x2c: {  	v17 =	vld.idx.msk [tilespmem:v17+s2+$0x0], $0xffff;
	[tilespmem:v3+s10+$0x0] =	vst.idx.msk $0xffff, v5;
	v5 =	vor.u32 $0x5, v3  }
0x2d: {  	[tilespmem:v18+s10+$0x0] =	vst.idx.msk $0xffff, v0;
	v0 =	vor.u32 $0x6, v3  }
0x2e: {  	[tilespmem:v19+s10+$0x0] =	vst.idx.msk $0xffff, v1;
	v1 =	vor.u32 $0x7, v3  }
0x2f: {  	[tilespmem:v20+s10+$0x0] =	vst.idx.msk $0xffff, v9;
	v9 =	vor.u32 $0x8, v3  }
0x30: {  	[tilespmem:v21+s10+$0x0] =	vst.idx.msk $0xffff, v4;
	v4 =	vor.u32 $0x9, v3  }
0x31: {  	[tilespmem:v5+s10+$0x0] =	vst.idx.msk $0xffff, v6;
	v5 =	vor.u32 $0xA, v3  }
0x32: {  	[tilespmem:v0+s10+$0x0] =	vst.idx.msk $0xffff, v7;
	v0 =	vor.u32 $0xB, v3  }
0x33: {  	[tilespmem:v1+s10+$0x0] =	vst.idx.msk $0xffff, v8;
	v1 =	vor.u32 $0xC, v3  }
0x34: {  	v6 =	vor.u32 $0xD, v3;
	[tilespmem:v9+s10+$0x0] =	vst.idx.msk $0xffff, v14  }
0x35: {  	[tilespmem:v4+s10+$0x0] =	vst.idx.msk $0xffff, v10;
	v4 =	vor.u32 $0xE, v3  }
0x36: {  	[tilespmem:v5+s10+$0x0] =	vst.idx.msk $0xffff, v11;
	v5 =	vor.u32 $0xF, v3  }
0x37: {  	[tilespmem:v0+s10+$0x0] =	vst.idx.msk $0xffff, v12;
	v0 =	vor.u32 $0x10, v2  }
0x38: {  	v9 =	vor.u32 $0x16, v2;
	[tilespmem:v1+s10+$0x0] =	vst.idx.msk $0xffff, v13  }
0x39: {  	v10 =	vor.u32 $0x17, v2;
	[tilespmem:v6+s10+$0x0] =	vst.idx.msk $0xffff, v15  }
0x3a: {  	v11 =	vor.u32 $0x18, v2;
	[tilespmem:v4+s10+$0x0] =	vst.idx.msk $0xffff, v16  }
0x3b: {  	v7 =	vld [tilespmem:s12+$0xFFFFFFF0];
	v12 =	vor.u32 $0x19, v2;
	[tilespmem:v5+s10+$0x0] =	vst.idx.msk $0xffff, v17  }
0x3c: {  	v18 =	vor.u32 $0x1E, v2;
	v8 =	vld.idx.msk [tilespmem:v0+s2+$0x0], $0xffff  }
0x3d: {  	v1 =	vor.u32 $0x11, v2;
	v9 =	vld.idx.msk [tilespmem:v9+s2+$0x0], $0xffff  }
0x3e: {  	v6 =	vor.u32 $0x12, v2;
	v10 =	vld.idx.msk [tilespmem:v10+s2+$0x0], $0xffff  }
0x3f: {  	v15 =	vor.u32 $0x1B, v2;
	v11 =	vld.idx.msk [tilespmem:v11+s2+$0x0], $0xffff  }
0x40: {  	v0 =	vor.u32 $0x15, v2;
	v12 =	vld.idx.msk [tilespmem:v12+s2+$0x0], $0xffff  }
0x41: {  	v14 =	vor.u32 $0x1A, v2;
	v18 =	vld.idx.msk [tilespmem:v18+s2+$0x0], $0xffff  }
0x42: {  	v4 =	vor.u32 $0x13, v2;
	v1 =	vld.idx.msk [tilespmem:v1+s2+$0x0], $0xffff  }
0x43: {  	v16 =	vor.u32 $0x1C, v2;
	v6 =	vld.idx.msk [tilespmem:v6+s2+$0x0], $0xffff  }
0x44: {  	v5 =	vor.u32 $0x14, v2;
	v15 =	vld.idx.msk [tilespmem:v15+s2+$0x0], $0xffff  }
0x45: {  	v17 =	vor.u32 $0x1D, v2;
	v13 =	vld.idx.msk [tilespmem:v0+s2+$0x0], $0xffff  }
0x46: {  	v0 =	vshll.u32 v7, $0x6;
	v7 =	vld.idx.msk [tilespmem:v14+s2+$0x0], $0xffff;
	v14 =	vor.u32 $0x1F, v2  }
0x47: {  	v20 =	vor.u32 $0x10, v3;
	v4 =	vld.idx.msk [tilespmem:v4+s2+$0x0], $0xffff;
	v19 =	vor.u32 $0x1, v0  }
0x48: {  	v22 =	vor.u32 $0x11, v3;
	v16 =	vld.idx.msk [tilespmem:v16+s2+$0x0], $0xffff;
	v21 =	vor.u32 $0x2, v0  }
0x49: {  	v24 =	vor.u32 $0x12, v3;
	v5 =	vld.idx.msk [tilespmem:v5+s2+$0x0], $0xffff;
	v23 =	vor.u32 $0x3, v0  }
0x4a: {  	v26 =	vor.u32 $0x13, v3;
	v17 =	vld.idx.msk [tilespmem:v17+s2+$0x0], $0xffff;
	v25 =	vor.u32 $0x4, v0  }
0x4b: {  	v28 =	vor.u32 $0x14, v3;
	v27 =	vor.u32 $0x5, v0;
	v14 =	vld.idx.msk [tilespmem:v14+s2+$0x0], $0xffff  }
0x4c: {  	v29 =	vor.u32 $0x6, v0;
	[tilespmem:v20+s10+$0x0] =	vst.idx.msk $0xffff, v8;
	v8 =	vor.u32 $0x15, v3;
	v19 =	vld.idx.msk [tilespmem:v19+s2+$0x0], $0xffff  }
0x4d: {  	v20 =	vor.u32 $0x7, v0;
	v21 =	vld.idx.msk [tilespmem:v21+s2+$0x0], $0xffff;
	[tilespmem:v22+s10+$0x0] =	vst.idx.msk $0xffff, v1;
	v1 =	vor.u32 $0x16, v3  }
0x4e: {  	v22 =	vor.u32 $0x8, v0;
	v23 =	vld.idx.msk [tilespmem:v23+s2+$0x0], $0xffff;
	[tilespmem:v24+s10+$0x0] =	vst.idx.msk $0xffff, v6;
	v6 =	vor.u32 $0x17, v3  }
0x4f: {  	v25 =	vld.idx.msk [tilespmem:v25+s2+$0x0], $0xffff;
	v24 =	vor.u32 $0x9, v0;
	[tilespmem:v26+s10+$0x0] =	vst.idx.msk $0xffff, v4;
	v4 =	vor.u32 $0x18, v3  }
0x50: {  	v27 =	vld.idx.msk [tilespmem:v27+s2+$0x0], $0xffff;
	v26 =	vor.u32 $0xA, v0;
	[tilespmem:v28+s10+$0x0] =	vst.idx.msk $0xffff, v5;
	v5 =	vor.u32 $0x19, v3  }
0x51: {  	v29 =	vld.idx.msk [tilespmem:v29+s2+$0x0], $0xffff;
	v28 =	vor.u32 $0xB, v0;
	[tilespmem:v8+s10+$0x0] =	vst.idx.msk $0xffff, v13;
	v8 =	vor.u32 $0x1A, v3  }
0x52: {  	v13 =	vor.u32 $0xC, v0;
	v20 =	vld.idx.msk [tilespmem:v20+s2+$0x0], $0xffff;
	[tilespmem:v1+s10+$0x0] =	vst.idx.msk $0xffff, v9;
	v1 =	vor.u32 $0x1B, v3  }
0x53: {  	v9 =	vor.u32 $0xD, v0;
	v22 =	vld.idx.msk [tilespmem:v22+s2+$0x0], $0xffff;
	[tilespmem:v6+s10+$0x0] =	vst.idx.msk $0xffff, v10;
	v6 =	vor.u32 $0x1C, v3  }
0x54: {  	v24 =	vld.idx.msk [tilespmem:v24+s2+$0x0], $0xffff;
	[tilespmem:v4+s10+$0x0] =	vst.idx.msk $0xffff, v11;
	v4 =	vor.u32 $0x1D, v3  }
0x55: {  	v10 =	vor.u32 $0xE, v0;
	v26 =	vld.idx.msk [tilespmem:v26+s2+$0x0], $0xffff;
	[tilespmem:v5+s10+$0x0] =	vst.idx.msk $0xffff, v12;
	v5 =	vor.u32 $0x1E, v3  }
0x56: {  	v11 =	vor.u32 $0xF, v0;
	v12 =	vld.idx.msk [tilespmem:v28+s2+$0x0], $0xffff;
	[tilespmem:v8+s10+$0x0] =	vst.idx.msk $0xffff, v7;
	v7 =	vor.u32 $0x1F, v3  }
0x57: {  	s25 =	simm.s32 $0x0;
	v8 =	vld.idx.msk [tilespmem:v13+s2+$0x0], $0xffff;
	v13 =	vor.u32 $0x20, v2;
	[tilespmem:v1+s10+$0x0] =	vst.idx.msk $0xffff, v15  }
0x58: {  	v9 =	vld.idx.msk [tilespmem:v9+s2+$0x0], $0xffff;
	v1 =	vmov s25;
	[tilespmem:v6+s10+$0x0] =	vst.idx.msk $0xffff, v16;
	v6 =	vor.u32 $0x21, v2  }
0x59: {  	v15 =	vld.idx.msk [tilespmem:v0+s2+$0x0], $0xffff;
	v1 =	vshll.u32 v1, $0x6;
	[tilespmem:v4+s10+$0x0] =	vst.idx.msk $0xffff, v17;
	v4 =	vor.u32 $0x22, v2  }
0x5a: {  	v10 =	vld.idx.msk [tilespmem:v10+s2+$0x0], $0xffff;
	v1 =	vor.u32 v30, v1;
	[tilespmem:v5+s10+$0x0] =	vst.idx.msk $0xffff, v18;
	v5 =	vor.u32 $0x23, v2  }
0x5b: {  	v11 =	vld.idx.msk [tilespmem:v11+s2+$0x0], $0xffff;
	v17 =	vor.u32 $0x26, v2;
	v16 =	vor.u32 $0x1, v1;
	[tilespmem:v7+s10+$0x0] =	vst.idx.msk $0xffff, v14  }
0x5c: {  	v7 =	vor.u32 $0x24, v2;
	v13 =	vld.idx.msk [tilespmem:v13+s2+$0x0], $0xffff  }
0x5d: {  	v18 =	vor.u32 $0x2, v1;
	v14 =	vor.u32 $0x25, v2;
	v6 =	vld.idx.msk [tilespmem:v6+s2+$0x0], $0xffff  }
0x5e: {  	v39 =	vmov v30;
	v28 =	vor.u32 $0x27, v2;
	v30 =	vor.u32 $0x3, v1;
	v4 =	vld.idx.msk [tilespmem:v4+s2+$0x0], $0xffff  }
0x5f: {  	v31 =	vor.u32 $0x28, v2;
	v32 =	vor.u32 $0x4, v1;
	[tilespmem:v1+s10+$0x0] =	vst.idx.msk $0xffff, v15;
	v5 =	vld.idx.msk [tilespmem:v5+s2+$0x0], $0xffff  }
0x60: {  	v33 =	vor.u32 $0x29, v2;
	v34 =	vor.u32 $0x5, v1;
	[tilespmem:v16+s10+$0x0] =	vst.idx.msk $0xffff, v19;
	v16 =	vld.idx.msk [tilespmem:v17+s2+$0x0], $0xffff  }
0x61: {  	v35 =	vor.u32 $0x6, v1;
	v15 =	vor.u32 $0x2A, v2;
	v7 =	vld.idx.msk [tilespmem:v7+s2+$0x0], $0xffff  }
0x62: {  	v17 =	vor.u32 $0x2B, v2;
	v19 =	vor.u32 $0x7, v1;
	v14 =	vld.idx.msk [tilespmem:v14+s2+$0x0], $0xffff;
	[tilespmem:v18+s10+$0x0] =	vst.idx.msk $0xffff, v21  }
0x63: {  	v18 =	vld.idx.msk [tilespmem:v28+s2+$0x0], $0xffff;
	v21 =	vor.u32 $0x2C, v2;
	v28 =	vor.u32 $0x8, v1;
	[tilespmem:v30+s10+$0x0] =	vst.idx.msk $0xffff, v23  }
0x64: {  	v23 =	vld.idx.msk [tilespmem:v31+s2+$0x0], $0xffff;
	v30 =	vor.u32 $0x2D, v2;
	v31 =	vor.u32 $0x9, v1;
	[tilespmem:v32+s10+$0x0] =	vst.idx.msk $0xffff, v25  }
0x65: {  	v58 =	vor.u32 $0x2E, v2;
	v59 =	vor.u32 $0xA, v1;
	v25 =	vld.idx.msk [tilespmem:v33+s2+$0x0], $0xffff;
	[tilespmem:v34+s10+$0x0] =	vst.idx.msk $0xffff, v27  }
0x66: {  	v15 =	vld.idx.msk [tilespmem:v15+s2+$0x0], $0xffff;
	v27 =	vor.u32 $0x2F, v2;
	[tilespmem:v35+s10+$0x0] =	vst.idx.msk $0xffff, v29;
	v29 =	vor.u32 $0x20, v3  }
0x67: {  	v17 =	vld.idx.msk [tilespmem:v17+s2+$0x0], $0xffff;
	[tilespmem:v19+s10+$0x0] =	vst.idx.msk $0xffff, v20;
	v19 =	vor.u32 $0x21, v3  }
0x68: {  	v20 =	vld.idx.msk [tilespmem:v21+s2+$0x0], $0xffff;
	v21 =	vor.u32 $0x22, v3;
	[tilespmem:v28+s10+$0x0] =	vst.idx.msk $0xffff, v22  }
0x69: {  	v22 =	vld.idx.msk [tilespmem:v30+s2+$0x0], $0xffff;
	[tilespmem:v31+s10+$0x0] =	vst.idx.msk $0xffff, v24;
	v24 =	vor.u32 $0x23, v3  }
0x6a: {  	v28 =	vld.idx.msk [tilespmem:v58+s2+$0x0], $0xffff;
	[tilespmem:v59+s10+$0x0] =	vst.idx.msk $0xffff, v26;
	v26 =	vor.u32 $0x24, v3  }
0x6b: {  	v27 =	vld.idx.msk [tilespmem:v27+s2+$0x0], $0xffff;
	[tilespmem:v29+s10+$0x0] =	vst.idx.msk $0xffff, v13;
	v13 =	vor.u32 $0x25, v3  }
0x6c: {  	[tilespmem:v19+s10+$0x0] =	vst.idx.msk $0xffff, v6;
	v6 =	vor.u32 $0x26, v3  }
0x6d: {  	[tilespmem:v21+s10+$0x0] =	vst.idx.msk $0xffff, v4;
	v4 =	vor.u32 $0x27, v3  }
0x6e: {  	[tilespmem:v24+s10+$0x0] =	vst.idx.msk $0xffff, v5;
	v5 =	vor.u32 $0x28, v3  }
0x6f: {  	[tilespmem:v26+s10+$0x0] =	vst.idx.msk $0xffff, v7;
	v7 =	vor.u32 $0x29, v3  }
0x70: {  	[tilespmem:v13+s10+$0x0] =	vst.idx.msk $0xffff, v14;
	v13 =	vor.u32 $0x2A, v3  }
0x71: {  	v14 =	vor.u32 $0xB, v1;
	[tilespmem:v6+s10+$0x0] =	vst.idx.msk $0xffff, v16  }
0x72: {  	v6 =	vor.u32 $0x2B, v3;
	[tilespmem:v4+s10+$0x0] =	vst.idx.msk $0xffff, v18  }
0x73: {  	v4 =	vor.u32 $0x2C, v3;
	[tilespmem:v5+s10+$0x0] =	vst.idx.msk $0xffff, v23  }
0x74: {  	v5 =	vor.u32 $0x2D, v3;
	[tilespmem:v7+s10+$0x0] =	vst.idx.msk $0xffff, v25  }
0x75: {  	v7 =	vor.u32 $0x2E, v3;
	[tilespmem:v13+s10+$0x0] =	vst.idx.msk $0xffff, v15  }
0x76: {  	v13 =	vor.u32 $0x2F, v3;
	[tilespmem:v14+s10+$0x0] =	vst.idx.msk $0xffff, v12  }
0x77: {  	v15 =	vor.u32 $0xC, v1;
	[tilespmem:v6+s10+$0x0] =	vst.idx.msk $0xffff, v17;
	v6 =	vor.u32 $0x30, v2  }
0x78: {  	v16 =	vor.u32 $0xD, v1;
	[tilespmem:v4+s10+$0x0] =	vst.idx.msk $0xffff, v20;
	v4 =	vor.u32 $0x31, v2  }
0x79: {  	v17 =	vor.u32 $0xE, v1;
	[tilespmem:v5+s10+$0x0] =	vst.idx.msk $0xffff, v22;
	v5 =	vor.u32 $0x32, v2  }
0x7a: {  	s26 =	simm.s32 $0x10030;
	v22 =	vor.u32 $0xF, v1;
	[tilespmem:v7+s10+$0x0] =	vst.idx.msk $0xffff, v28  }
0x7b: {  	v51 =	vld [tilespmem:s26+$0xFFFFFFF0];
	v7 =	vor.u32 $0x33, v2;
	[tilespmem:v13+s10+$0x0] =	vst.idx.msk $0xffff, v27  }
0x7c: {  	v13 =	vor.u32 $0x34, v2;
	[tilespmem:v15+s10+$0x0] =	vst.idx.msk $0xffff, v8;
	v21 =	vld.idx.msk [tilespmem:v6+s2+$0x0], $0xffff  }
0x7d: {  	v6 =	vor.u32 $0x35, v2;
	[tilespmem:v16+s10+$0x0] =	vst.idx.msk $0xffff, v9;
	v20 =	vld.idx.msk [tilespmem:v4+s2+$0x0], $0xffff  }
0x7e: {  	v4 =	vor.u32 $0x36, v2;
	[tilespmem:v17+s10+$0x0] =	vst.idx.msk $0xffff, v10;
	v19 =	vld.idx.msk [tilespmem:v5+s2+$0x0], $0xffff  }
0x7f: {  	v5 =	vor.u32 $0x37, v2;
	[tilespmem:v22+s10+$0x0] =	vst.idx.msk $0xffff, v11;
	v22 =	vld [tilespmem:s26+$0x0]  }
0x80: {  	v8 =	vor.u32 $0x39, v2;
	v18 =	vld.idx.msk [tilespmem:v7+s2+$0x0], $0xffff  }
0x81: {  	v9 =	vor.u32 $0x3B, v2;
	v17 =	vld.idx.msk [tilespmem:v13+s2+$0x0], $0xffff  }
0x82: {  	v7 =	vor.u32 $0x38, v2;
	v16 =	vld.idx.msk [tilespmem:v6+s2+$0x0], $0xffff  }
0x83: {  	v6 =	vor.u32 $0x3A, v2;
	v15 =	vld.idx.msk [tilespmem:v4+s2+$0x0], $0xffff  }
0x84: {  	v4 =	vld.idx.msk [tilespmem:v5+s2+$0x0], $0xffff;
	v5 =	vor.u32 $0x3C, v2  }
0x85: {  	v24 =	vor.u32 $0x10, v0;
	v13 =	vld.idx.msk [tilespmem:v8+s2+$0x0], $0xffff  }
0x86: {  	v11 =	vld.idx.msk [tilespmem:v9+s2+$0x0], $0xffff;
	v9 =	vshll.u32 v22, $0x6  }
0x87: {  	v23 =	vor.u32 $0x3E, v2;
	v14 =	vld.idx.msk [tilespmem:v7+s2+$0x0], $0xffff;
	v7 =	vor.u32 $0x3D, v2;
	v2 =	vor.u32 $0x3F, v2  }
0x88: {  	v12 =	vld.idx.msk [tilespmem:v6+s2+$0x0], $0xffff  }
0x89: {  	v10 =	vld.idx.msk [tilespmem:v5+s2+$0x0], $0xffff  }
0x8a: {  	v22 =	vor.u32 $0x1, v9;
	v5 =	vld.idx.msk [tilespmem:v24+s2+$0x0], $0xffff  }
0x8b: {  	v26 =	vor.u32 $0x5, v9;
	v25 =	vld.idx.msk [tilespmem:v9+s2+$0x0], $0xffff  }
0x8c: {  	v6 =	vld.idx.msk [tilespmem:v2+s2+$0x0], $0xffff;
	v2 =	vor.u32 $0x3, v9  }
0x8d: {  	v27 =	vor.u32 $0x6, v9;
	v8 =	vld.idx.msk [tilespmem:v7+s2+$0x0], $0xffff  }
0x8e: {  	v28 =	vor.u32 $0x7, v9;
	v7 =	vld.idx.msk [tilespmem:v23+s2+$0x0], $0xffff  }
0x8f: {  	v30 =	vor.u32 $0x9, v9;
	v22 =	vld.idx.msk [tilespmem:v22+s2+$0x0], $0xffff  }
0x90: {  	v31 =	vor.u32 $0xA, v9;
	v26 =	vld.idx.msk [tilespmem:v26+s2+$0x0], $0xffff  }
0x91: {  	v29 =	vld.idx.msk [tilespmem:v2+s2+$0x0], $0xffff;
	v2 =	vor.u32 $0x8, v9  }
0x92: {  	v60 =	vor.u32 $0xB, v9;
	v27 =	vld.idx.msk [tilespmem:v27+s2+$0x0], $0xffff  }
0x93: {  	v61 =	vor.u32 $0xC, v9;
	v28 =	vld.idx.msk [tilespmem:v28+s2+$0x0], $0xffff  }
0x94: {  	v62 =	vor.u32 $0xD, v9;
	v36 =	vld.idx.msk [tilespmem:v30+s2+$0x0], $0xffff  }
0x95: {  	s28 =	simm.s32 $0x30;
	v23 =	vor.u32 $0x2, v9;
	v37 =	vld.idx.msk [tilespmem:v31+s2+$0x0], $0xffff  }
0x96: {  	v24 =	vor.u32 $0x4, v9;
	v35 =	vld.idx.msk [tilespmem:v2+s2+$0x0], $0xffff;
	v2 =	vmov s28  }
0x97: {  	v30 =	vor.u32 $0xE, v9;
	v40 =	vld.idx.msk [tilespmem:v60+s2+$0x0], $0xffff;
	v2 =	vshll.u32 v2, $0x6  }
0x98: {  	v31 =	vor.u32 $0xF, v9;
	v41 =	vld.idx.msk [tilespmem:v61+s2+$0x0], $0xffff;
	v2 =	vor.u32 v39, v2  }
0x99: {  	v53 =	vor.u32 $0x13, v0;
	v43 =	vld.idx.msk [tilespmem:v62+s2+$0x0], $0xffff;
	v52 =	vor.u32 $0x1, v2  }
0x9a: {  	v54 =	vor.u32 $0x14, v0;
	v23 =	vld.idx.msk [tilespmem:v23+s2+$0x0], $0xffff;
	v42 =	vor.u32 $0x2, v2  }
0x9b: {  	v46 =	vor.u32 $0x15, v0;
	v24 =	vld.idx.msk [tilespmem:v24+s2+$0x0], $0xffff;
	v44 =	vor.u32 $0x3, v2  }
0x9c: {  	v38 =	vor.u32 $0x11, v0;
	v45 =	vld.idx.msk [tilespmem:v30+s2+$0x0], $0xffff;
	v47 =	vor.u32 $0x4, v2  }
0x9d: {  	v63 =	vor.u32 $0x12, v0;
	v48 =	vld.idx.msk [tilespmem:v31+s2+$0x0], $0xffff;
	v56 =	vor.u32 $0x5, v2;
	[tilespmem:v2+s10+$0x0] =	vst.idx.msk $0xffff, v25  }
0x9e: {  	v32 =	vld.idx.msk [tilespmem:v53+s2+$0x0], $0xffff;
	v62 =	vor.u32 $0x1C, v0;
	[tilespmem:v52+s10+$0x0] =	vst.idx.msk $0xffff, v22;
	v22 =	vor.u32 $0x6, v2  }
0x9f: {  	v33 =	vld.idx.msk [tilespmem:v54+s2+$0x0], $0xffff;
	v61 =	vor.u32 $0x1B, v0;
	[tilespmem:v42+s10+$0x0] =	vst.idx.msk $0xffff, v23;
	v23 =	vor.u32 $0x7, v2  }
0xa0: {  	v49 =	vor.u32 $0x16, v0;
	v34 =	vld.idx.msk [tilespmem:v46+s2+$0x0], $0xffff;
	[tilespmem:v44+s10+$0x0] =	vst.idx.msk $0xffff, v29;
	v29 =	vor.u32 $0x8, v2  }
0xa1: {  	v57 =	vor.u32 $0x18, v0;
	v30 =	vld.idx.msk [tilespmem:v38+s2+$0x0], $0xffff;
	[tilespmem:v47+s10+$0x0] =	vst.idx.msk $0xffff, v24;
	v24 =	vor.u32 $0x9, v2  }
0xa2: {  	v58 =	vor.u32 $0x19, v0;
	v31 =	vld.idx.msk [tilespmem:v63+s2+$0x0], $0xffff;
	v60 =	vor.u32 $0xA, v2;
	[tilespmem:v56+s10+$0x0] =	vst.idx.msk $0xffff, v26  }
0xa3: {  	v50 =	vor.u32 $0x17, v0;
	v38 =	vld.idx.msk [tilespmem:v62+s2+$0x0], $0xffff;
	[tilespmem:v22+s10+$0x0] =	vst.idx.msk $0xffff, v27;
	v22 =	vor.u32 $0xB, v2  }
0xa4: {  	v55 =	vmov v39;
	v59 =	vor.u32 $0x1A, v0;
	v39 =	vld.idx.msk [tilespmem:v61+s2+$0x0], $0xffff;
	[tilespmem:v23+s10+$0x0] =	vst.idx.msk $0xffff, v28;
	v23 =	vor.u32 $0xC, v2  }
0xa5: {  	v63 =	vor.u32 $0x1D, v0;
	v25 =	vld.idx.msk [tilespmem:v49+s2+$0x0], $0xffff;
	v56 =	vor.u32 $0xD, v2;
	[tilespmem:v29+s10+$0x0] =	vst.idx.msk $0xffff, v35  }
0xa6: {  	v27 =	vld.idx.msk [tilespmem:v57+s2+$0x0], $0xffff;
	v57 =	vor.u32 $0x1E, v0;
	[tilespmem:v24+s10+$0x0] =	vst.idx.msk $0xffff, v36;
	v24 =	vor.u32 $0xE, v2  }
0xa7: {  	v52 =	vor.u32 $0xF, v2;
	v28 =	vld.idx.msk [tilespmem:v58+s2+$0x0], $0xffff;
	v58 =	vor.u32 $0x1F, v0;
	[tilespmem:v60+s10+$0x0] =	vst.idx.msk $0xffff, v37  }
0xa8: {  	v26 =	vld.idx.msk [tilespmem:v50+s2+$0x0], $0xffff;
	[tilespmem:v22+s10+$0x0] =	vst.idx.msk $0xffff, v40;
	v22 =	vor.u32 $0x10, v9  }
0xa9: {  	v29 =	vld.idx.msk [tilespmem:v59+s2+$0x0], $0xffff;
	v59 =	vor.u32 $0x12, v9;
	[tilespmem:v23+s10+$0x0] =	vst.idx.msk $0xffff, v41  }
0xaa: {  	v62 =	vor.u32 $0x14, v9;
	v35 =	vld.idx.msk [tilespmem:v63+s2+$0x0], $0xffff;
	v60 =	vor.u32 $0x30, v3;
	[tilespmem:v56+s10+$0x0] =	vst.idx.msk $0xffff, v43  }
0xab: {  	v54 =	vor.u32 $0x16, v9;
	v61 =	vor.u32 $0x31, v3;
	v36 =	vld.idx.msk [tilespmem:v57+s2+$0x0], $0xffff;
	[tilespmem:v24+s10+$0x0] =	vst.idx.msk $0xffff, v45  }
0xac: {  	v23 =	vor.u32 $0x11, v9;
	v37 =	vld.idx.msk [tilespmem:v58+s2+$0x0], $0xffff;
	[tilespmem:v52+s10+$0x0] =	vst.idx.msk $0xffff, v48  }
0xad: {  	v63 =	vor.u32 $0x32, v3;
	v57 =	vor.u32 $0x17, v9;
	v22 =	vld.idx.msk [tilespmem:v22+s2+$0x0], $0xffff  }
0xae: {  	v53 =	vor.u32 $0x33, v3;
	v58 =	vor.u32 $0x18, v9;
	v40 =	vld.idx.msk [tilespmem:v59+s2+$0x0], $0xffff  }
0xaf: {  	v56 =	vor.u32 $0x34, v3;
	v24 =	vor.u32 $0x13, v9;
	[tilespmem:v60+s10+$0x0] =	vst.idx.msk $0xffff, v21;
	v42 =	vld.idx.msk [tilespmem:v62+s2+$0x0], $0xffff  }
0xb0: {  	v52 =	vor.u32 $0x15, v9;
	v21 =	vor.u32 $0x35, v3;
	[tilespmem:v61+s10+$0x0] =	vst.idx.msk $0xffff, v20;
	v61 =	vld.idx.msk [tilespmem:v54+s2+$0x0], $0xffff  }
0xb1: {  	v60 =	vor.u32 $0x1A, v9;
	v20 =	vor.u32 $0x36, v3;
	v23 =	vld.idx.msk [tilespmem:v23+s2+$0x0], $0xffff  }
0xb2: {  	v59 =	vor.u32 $0x19, v9;
	[tilespmem:v63+s10+$0x0] =	vst.idx.msk $0xffff, v19;
	v19 =	vor.u32 $0x37, v3;
	v63 =	vld.idx.msk [tilespmem:v57+s2+$0x0], $0xffff  }
0xb3: {  	v62 =	vor.u32 $0x1B, v9;
	v41 =	vld.idx.msk [tilespmem:v58+s2+$0x0], $0xffff;
	[tilespmem:v53+s10+$0x0] =	vst.idx.msk $0xffff, v18;
	v18 =	vor.u32 $0x38, v3  }
0xb4: {  	v54 =	vor.u32 $0x1C, v9;
	v24 =	vld.idx.msk [tilespmem:v24+s2+$0x0], $0xffff;
	[tilespmem:v56+s10+$0x0] =	vst.idx.msk $0xffff, v17;
	v17 =	vor.u32 $0x39, v3  }
0xb5: {  	v56 =	vor.u32 $0x1F, v9;
	v44 =	vld.idx.msk [tilespmem:v52+s2+$0x0], $0xffff;
	[tilespmem:v21+s10+$0x0] =	vst.idx.msk $0xffff, v16;
	v16 =	vor.u32 $0x3A, v3  }
0xb6: {  	v21 =	vor.u32 $0x1D, v9;
	v45 =	vld.idx.msk [tilespmem:v60+s2+$0x0], $0xffff;
	[tilespmem:v20+s10+$0x0] =	vst.idx.msk $0xffff, v15;
	v15 =	vor.u32 $0x3B, v3  }
0xb7: {  	v43 =	vld.idx.msk [tilespmem:v59+s2+$0x0], $0xffff;
	v20 =	vor.u32 $0x1E, v9;
	[tilespmem:v19+s10+$0x0] =	vst.idx.msk $0xffff, v4;
	v19 =	vor.u32 $0x3C, v3;
	v4 =	vshll.u32 v51, $0x6  }
0xb8: {  	v47 =	vld.idx.msk [tilespmem:v62+s2+$0x0], $0xffff;
	[tilespmem:v18+s10+$0x0] =	vst.idx.msk $0xffff, v14;
	v14 =	vor.u32 $0x1, v4;
	v18 =	vor.u32 $0x10, v2  }
0xb9: {  	v49 =	vld.idx.msk [tilespmem:v54+s2+$0x0], $0xffff;
	[tilespmem:v17+s10+$0x0] =	vst.idx.msk $0xffff, v13;
	v13 =	vor.u32 $0x2, v4;
	v17 =	vor.u32 $0x11, v2  }
0xba: {  	v57 =	vor.u32 $0x12, v2;
	v50 =	vld.idx.msk [tilespmem:v56+s2+$0x0], $0xffff;
	[tilespmem:v16+s10+$0x0] =	vst.idx.msk $0xffff, v12;
	v12 =	vor.u32 $0x3, v4  }
0xbb: {  	v52 =	vld.idx.msk [tilespmem:v21+s2+$0x0], $0xffff;
	v21 =	vor.u32 $0x13, v2;
	[tilespmem:v15+s10+$0x0] =	vst.idx.msk $0xffff, v11;
	v11 =	vor.u32 $0x4, v4  }
0xbc: {  	v53 =	vld.idx.msk [tilespmem:v20+s2+$0x0], $0xffff;
	v20 =	vor.u32 $0x14, v2;
	[tilespmem:v19+s10+$0x0] =	vst.idx.msk $0xffff, v10;
	v10 =	vor.u32 $0x5, v4  }
0xbd: {  	v54 =	vor.u32 $0x6, v4;
	v15 =	vld.idx.msk [tilespmem:v14+s2+$0x0], $0xffff;
	[tilespmem:v18+s10+$0x0] =	vst.idx.msk $0xffff, v22;
	v14 =	vor.u32 $0x15, v2  }
0xbe: {  	v16 =	vld.idx.msk [tilespmem:v13+s2+$0x0], $0xffff;
	[tilespmem:v17+s10+$0x0] =	vst.idx.msk $0xffff, v23;
	v13 =	vor.u32 $0x16, v2  }
0xbf: {  	v22 =	vor.u32 $0x7, v4;
	v17 =	vld.idx.msk [tilespmem:v12+s2+$0x0], $0xffff;
	[tilespmem:v57+s10+$0x0] =	vst.idx.msk $0xffff, v40;
	v12 =	vor.u32 $0x17, v2  }
0xc0: {  	v23 =	vor.u32 $0x8, v4;
	v18 =	vld.idx.msk [tilespmem:v11+s2+$0x0], $0xffff;
	[tilespmem:v21+s10+$0x0] =	vst.idx.msk $0xffff, v24;
	v11 =	vor.u32 $0x18, v2  }
0xc1: {  	v58 =	vor.u32 $0x9, v4;
	v19 =	vld.idx.msk [tilespmem:v10+s2+$0x0], $0xffff;
	[tilespmem:v20+s10+$0x0] =	vst.idx.msk $0xffff, v42;
	v10 =	vor.u32 $0x19, v2  }
0xc2: {  	v60 =	vor.u32 $0xC, v4;
	v20 =	vld.idx.msk [tilespmem:v54+s2+$0x0], $0xffff;
	[tilespmem:v14+s10+$0x0] =	vst.idx.msk $0xffff, v44;
	v14 =	vor.u32 $0x1A, v2  }
0xc3: {  	v59 =	vor.u32 $0xB, v4;
	v42 =	vld.idx.msk [tilespmem:v4+s2+$0x0], $0xffff;
	[tilespmem:v13+s10+$0x0] =	vst.idx.msk $0xffff, v61;
	v13 =	vor.u32 $0x1B, v2  }
0xc4: {  	v46 =	vor.u32 $0xD, v4;
	v21 =	vld.idx.msk [tilespmem:v22+s2+$0x0], $0xffff;
	v61 =	vor.u32 $0x1C, v2;
	[tilespmem:v12+s10+$0x0] =	vst.idx.msk $0xffff, v63  }
0xc5: {  	v62 =	vor.u32 $0x1D, v2;
	v24 =	vor.u32 $0xA, v4;
	v22 =	vld.idx.msk [tilespmem:v23+s2+$0x0], $0xffff;
	[tilespmem:v11+s10+$0x0] =	vst.idx.msk $0xffff, v41  }
0xc6: {  	v57 =	vor.u32 $0x1E, v2;
	v23 =	vld.idx.msk [tilespmem:v58+s2+$0x0], $0xffff;
	v63 =	vor.u32 $0xF, v4;
	[tilespmem:v10+s10+$0x0] =	vst.idx.msk $0xffff, v43  }
0xc7: {  	v51 =	vor.u32 $0xE, v4;
	v58 =	vor.u32 $0x1F, v2;
	v11 =	vld.idx.msk [tilespmem:v60+s2+$0x0], $0xffff;
	[tilespmem:v14+s10+$0x0] =	vst.idx.msk $0xffff, v45  }
0xc8: {  	v60 =	vor.u32 $0x20, v9;
	v10 =	vld.idx.msk [tilespmem:v59+s2+$0x0], $0xffff;
	v59 =	vor.u32 $0x10, v1;
	[tilespmem:v13+s10+$0x0] =	vst.idx.msk $0xffff, v47  }
0xc9: {  	v12 =	vld.idx.msk [tilespmem:v46+s2+$0x0], $0xffff;
	v47 =	vor.u32 $0x11, v1;
	[tilespmem:v61+s10+$0x0] =	vst.idx.msk $0xffff, v49;
	v61 =	vor.u32 $0x21, v9  }
0xca: {  	v48 =	vor.u32 $0x12, v1;
	v24 =	vld.idx.msk [tilespmem:v24+s2+$0x0], $0xffff;
	[tilespmem:v62+s10+$0x0] =	vst.idx.msk $0xffff, v52;
	v62 =	vor.u32 $0x22, v9  }
0xcb: {  	v49 =	vor.u32 $0x13, v1;
	v14 =	vld.idx.msk [tilespmem:v63+s2+$0x0], $0xffff;
	v63 =	vor.u32 $0x23, v9;
	[tilespmem:v57+s10+$0x0] =	vst.idx.msk $0xffff, v53  }
0xcc: {  	v56 =	vor.u32 $0x14, v1;
	v13 =	vld.idx.msk [tilespmem:v51+s2+$0x0], $0xffff;
	v57 =	vor.u32 $0x24, v9;
	[tilespmem:v58+s10+$0x0] =	vst.idx.msk $0xffff, v50  }
0xcd: {  	[tilespmem:v59+s10+$0x0] =	vst.idx.msk $0xffff, v5;
	v59 =	vor.u32 $0x25, v9;
	v58 =	vor.u32 $0x15, v1;
	v5 =	vld.idx.msk [tilespmem:v60+s2+$0x0], $0xffff  }
0xce: {  	v60 =	vor.u32 $0x16, v1;
	[tilespmem:v47+s10+$0x0] =	vst.idx.msk $0xffff, v30;
	v30 =	vor.u32 $0x26, v9;
	v46 =	vld.idx.msk [tilespmem:v61+s2+$0x0], $0xffff  }
0xcf: {  	v61 =	vor.u32 $0x17, v1;
	[tilespmem:v48+s10+$0x0] =	vst.idx.msk $0xffff, v31;
	v31 =	vld.idx.msk [tilespmem:v62+s2+$0x0], $0xffff;
	v62 =	vor.u32 $0x27, v9  }
0xd0: {  	v48 =	vor.u32 $0x18, v1;
	[tilespmem:v49+s10+$0x0] =	vst.idx.msk $0xffff, v32;
	v32 =	vld.idx.msk [tilespmem:v63+s2+$0x0], $0xffff;
	v63 =	vor.u32 $0x28, v9  }
0xd1: {  	v54 =	vor.u32 $0x19, v1;
	[tilespmem:v56+s10+$0x0] =	vst.idx.msk $0xffff, v33;
	v33 =	vld.idx.msk [tilespmem:v57+s2+$0x0], $0xffff;
	v56 =	vor.u32 $0x29, v9  }
0xd2: {  	v57 =	vor.u32 $0x1A, v1;
	[tilespmem:v58+s10+$0x0] =	vst.idx.msk $0xffff, v34;
	v34 =	vld.idx.msk [tilespmem:v59+s2+$0x0], $0xffff;
	v58 =	vor.u32 $0x2A, v9  }
0xd3: {  	v59 =	vor.u32 $0x1B, v1;
	[tilespmem:v60+s10+$0x0] =	vst.idx.msk $0xffff, v25;
	v25 =	vld.idx.msk [tilespmem:v30+s2+$0x0], $0xffff;
	v30 =	vor.u32 $0x2B, v9  }
0xd4: {  	v60 =	vor.u32 $0x1C, v1;
	[tilespmem:v61+s10+$0x0] =	vst.idx.msk $0xffff, v26;
	v61 =	vor.u32 $0x2C, v9;
	v26 =	vld.idx.msk [tilespmem:v62+s2+$0x0], $0xffff  }
0xd5: {  	v62 =	vor.u32 $0x1D, v1;
	[tilespmem:v48+s10+$0x0] =	vst.idx.msk $0xffff, v27;
	v41 =	vld.idx.msk [tilespmem:v63+s2+$0x0], $0xffff;
	v27 =	vor.u32 $0x2D, v9  }
0xd6: {  	v63 =	vor.u32 $0x1E, v1;
	[tilespmem:v54+s10+$0x0] =	vst.idx.msk $0xffff, v28;
	v49 =	vld.idx.msk [tilespmem:v56+s2+$0x0], $0xffff;
	v28 =	vor.u32 $0x2E, v9  }
0xd7: {  	v56 =	vor.u32 $0x1F, v1;
	[tilespmem:v57+s10+$0x0] =	vst.idx.msk $0xffff, v29;
	v52 =	vld.idx.msk [tilespmem:v58+s2+$0x0], $0xffff;
	v29 =	vor.u32 $0x2F, v9  }
0xd8: {  	v44 =	vor.u32 $0x20, v0;
	v57 =	vor.u32 $0x20, v2;
	[tilespmem:v59+s10+$0x0] =	vst.idx.msk $0xffff, v39;
	v50 =	vld.idx.msk [tilespmem:v30+s2+$0x0], $0xffff  }
0xd9: {  	v58 =	vor.u32 $0x21, v0;
	v59 =	vor.u32 $0x21, v2;
	[tilespmem:v60+s10+$0x0] =	vst.idx.msk $0xffff, v38;
	v51 =	vld.idx.msk [tilespmem:v61+s2+$0x0], $0xffff  }
0xda: {  	v60 =	vor.u32 $0x22, v0;
	v61 =	vor.u32 $0x22, v2;
	[tilespmem:v62+s10+$0x0] =	vst.idx.msk $0xffff, v35;
	v53 =	vld.idx.msk [tilespmem:v27+s2+$0x0], $0xffff  }
0xdb: {  	v27 =	vor.u32 $0x23, v0;
	v62 =	vor.u32 $0x23, v2;
	[tilespmem:v63+s10+$0x0] =	vst.idx.msk $0xffff, v36;
	v48 =	vld.idx.msk [tilespmem:v28+s2+$0x0], $0xffff  }
0xdc: {  	v28 =	vor.u32 $0x24, v0;
	v63 =	vor.u32 $0x24, v2;
	[tilespmem:v56+s10+$0x0] =	vst.idx.msk $0xffff, v37;
	v54 =	vld.idx.msk [tilespmem:v29+s2+$0x0], $0xffff  }
0xdd: {  	v29 =	vor.u32 $0x25, v0;
	[tilespmem:v57+s10+$0x0] =	vst.idx.msk $0xffff, v5;
	v5 =	vor.u32 $0x25, v2;
	v30 =	vld.idx.msk [tilespmem:v44+s2+$0x0], $0xffff  }
0xde: {  	v57 =	vor.u32 $0x26, v0;
	v45 =	vld.idx.msk [tilespmem:v58+s2+$0x0], $0xffff;
	[tilespmem:v59+s10+$0x0] =	vst.idx.msk $0xffff, v46;
	v58 =	vor.u32 $0x26, v2  }
0xdf: {  	v59 =	vor.u32 $0x27, v0;
	v46 =	vld.idx.msk [tilespmem:v60+s2+$0x0], $0xffff;
	[tilespmem:v61+s10+$0x0] =	vst.idx.msk $0xffff, v31;
	v31 =	vor.u32 $0x27, v2  }
0xe0: {  	v27 =	vld.idx.msk [tilespmem:v27+s2+$0x0], $0xffff;
	[tilespmem:v62+s10+$0x0] =	vst.idx.msk $0xffff, v32;
	v32 =	vor.u32 $0x28, v2  }
0xe1: {  	v60 =	vor.u32 $0x29, v0;
	v61 =	vor.u32 $0x29, v2;
	v47 =	vld.idx.msk [tilespmem:v28+s2+$0x0], $0xffff;
	[tilespmem:v63+s10+$0x0] =	vst.idx.msk $0xffff, v33  }
0xe2: {  	v62 =	vor.u32 $0x2A, v0;
	v28 =	vld.idx.msk [tilespmem:v29+s2+$0x0], $0xffff;
	[tilespmem:v5+s10+$0x0] =	vst.idx.msk $0xffff, v34;
	v5 =	vor.u32 $0x2A, v2  }
0xe3: {  	v63 =	vor.u32 $0x2B, v2;
	v29 =	vld.idx.msk [tilespmem:v57+s2+$0x0], $0xffff;
	[tilespmem:v58+s10+$0x0] =	vst.idx.msk $0xffff, v25  }
0xe4: {  	v56 =	vld.idx.msk [tilespmem:v59+s2+$0x0], $0xffff;
	[tilespmem:v31+s10+$0x0] =	vst.idx.msk $0xffff, v26;
	v26 =	vor.u32 $0x2C, v2  }
0xe5: {  	s29 =	simm.s32 $0x20;
	[tilespmem:v32+s10+$0x0] =	vst.idx.msk $0xffff, v41;
	v32 =	vor.u32 $0x2D, v2  }
0xe6: {  	v59 =	vmov s29;
	v31 =	vor.u32 $0x2D, v0;
	v43 =	vld.idx.msk [tilespmem:v60+s2+$0x0], $0xffff;
	v60 =	vor.u32 $0x2E, v2;
	[tilespmem:v61+s10+$0x0] =	vst.idx.msk $0xffff, v49  }
0xe7: {  	v34 =	vor.u32 $0x2B, v0;
	v41 =	vshll.u32 v59, $0x6;
	v44 =	vld.idx.msk [tilespmem:v62+s2+$0x0], $0xffff;
	v62 =	vor.u32 $0x2F, v2;
	[tilespmem:v5+s10+$0x0] =	vst.idx.msk $0xffff, v52  }
0xe8: {  	v61 =	vor.u32 $0x2F, v0;
	v5 =	vor.u32 v55, v41;
	[tilespmem:v63+s10+$0x0] =	vst.idx.msk $0xffff, v50  }
0xe9: {  	v63 =	vor.u32 $0x30, v9;
	v57 =	vor.u32 $0x1, v5;
	[tilespmem:v26+s10+$0x0] =	vst.idx.msk $0xffff, v51  }
0xea: {  	v35 =	vor.u32 $0x28, v0;
	v58 =	vor.u32 $0x2, v5;
	[tilespmem:v32+s10+$0x0] =	vst.idx.msk $0xffff, v53  }
0xeb: {  	v38 =	vld.idx.msk [tilespmem:v31+s2+$0x0], $0xffff;
	v31 =	vor.u32 $0x32, v9;
	v32 =	vor.u32 $0x3, v5;
	[tilespmem:v60+s10+$0x0] =	vst.idx.msk $0xffff, v48  }
0xec: {  	v59 =	vor.u32 $0x33, v9;
	v41 =	vld.idx.msk [tilespmem:v34+s2+$0x0], $0xffff;
	v60 =	vor.u32 $0x4, v5;
	[tilespmem:v62+s10+$0x0] =	vst.idx.msk $0xffff, v54  }
0xed: {  	v53 =	vor.u32 $0x5, v5;
	v34 =	vld.idx.msk [tilespmem:v61+s2+$0x0], $0xffff;
	v61 =	vor.u32 $0x34, v9;
	[tilespmem:v5+s10+$0x0] =	vst.idx.msk $0xffff, v42  }
0xee: {  	v62 =	vor.u32 $0x35, v9;
	v52 =	vld.idx.msk [tilespmem:v63+s2+$0x0], $0xffff;
	v63 =	vor.u32 $0x6, v5;
	[tilespmem:v57+s10+$0x0] =	vst.idx.msk $0xffff, v15  }
0xef: {  	v33 =	vld.idx.msk [tilespmem:v35+s2+$0x0], $0xffff;
	v26 =	vor.u32 $0x31, v9;
	v57 =	vor.u32 $0x7, v5;
	[tilespmem:v58+s10+$0x0] =	vst.idx.msk $0xffff, v16  }
0xf0: {  	v50 =	vld.idx.msk [tilespmem:v31+s2+$0x0], $0xffff;
	v31 =	vor.u32 $0x37, v9;
	v58 =	vor.u32 $0x8, v5;
	[tilespmem:v32+s10+$0x0] =	vst.idx.msk $0xffff, v17  }
0xf1: {  	v49 =	vld.idx.msk [tilespmem:v59+s2+$0x0], $0xffff;
	v59 =	vor.u32 $0x9, v5;
	[tilespmem:v60+s10+$0x0] =	vst.idx.msk $0xffff, v18  }
0xf2: {  	v39 =	vor.u32 $0x2C, v0;
	v15 =	vld.idx.msk [tilespmem:v61+s2+$0x0], $0xffff;
	v61 =	vor.u32 $0xA, v5;
	[tilespmem:v53+s10+$0x0] =	vst.idx.msk $0xffff, v19  }
0xf3: {  	v35 =	vor.u32 $0x2E, v0;
	v16 =	vld.idx.msk [tilespmem:v62+s2+$0x0], $0xffff;
	v62 =	vor.u32 $0xB, v5;
	[tilespmem:v63+s10+$0x0] =	vst.idx.msk $0xffff, v20  }
0xf4: {  	v51 =	vld.idx.msk [tilespmem:v26+s2+$0x0], $0xffff;
	v26 =	vor.u32 $0x36, v9;
	v63 =	vor.u32 $0xC, v5;
	[tilespmem:v57+s10+$0x0] =	vst.idx.msk $0xffff, v21  }
0xf5: {  	v17 =	vor.u32 $0x38, v9;
	v20 =	vld.idx.msk [tilespmem:v31+s2+$0x0], $0xffff;
	v31 =	vor.u32 $0xD, v5;
	[tilespmem:v58+s10+$0x0] =	vst.idx.msk $0xffff, v22  }
0xf6: {  	v22 =	vor.u32 $0xE, v5;
	[tilespmem:v59+s10+$0x0] =	vst.idx.msk $0xffff, v23;
	v23 =	vor.u32 $0x3E, v9  }
0xf7: {  	v40 =	vld.idx.msk [tilespmem:v39+s2+$0x0], $0xffff;
	v60 =	vor.u32 $0x39, v9;
	[tilespmem:v61+s10+$0x0] =	vst.idx.msk $0xffff, v24  }
0xf8: {  	v35 =	vld.idx.msk [tilespmem:v35+s2+$0x0], $0xffff;
	v19 =	vor.u32 $0x3A, v9;
	[tilespmem:v62+s10+$0x0] =	vst.idx.msk $0xffff, v10  }
0xf9: {  	v18 =	vld.idx.msk [tilespmem:v26+s2+$0x0], $0xffff;
	v26 =	vor.u32 $0x3B, v9;
	[tilespmem:v63+s10+$0x0] =	vst.idx.msk $0xffff, v11  }
0xfa: {  	v21 =	vor.u32 $0x3C, v9;
	v42 =	vld.idx.msk [tilespmem:v17+s2+$0x0], $0xffff;
	[tilespmem:v31+s10+$0x0] =	vst.idx.msk $0xffff, v12  }
0xfb: {  	v17 =	vor.u32 $0x3D, v9;
	[tilespmem:v22+s10+$0x0] =	vst.idx.msk $0xffff, v13;
	v13 =	vld.idx.msk [tilespmem:v23+s2+$0x0], $0xffff  }
0xfc: {  	v39 =	vld.idx.msk [tilespmem:v60+s2+$0x0], $0xffff;
	v9 =	vor.u32 $0x3F, v9  }
0xfd: {  	v19 =	vld.idx.msk [tilespmem:v19+s2+$0x0], $0xffff  }
0xfe: {  	v37 =	vld.idx.msk [tilespmem:v26+s2+$0x0], $0xffff  }
0xff: {  	v36 =	vld.idx.msk [tilespmem:v21+s2+$0x0], $0xffff  }
0x100: {  	v57 =	vor.u32 $0xF, v5;
	v17 =	vld.idx.msk [tilespmem:v17+s2+$0x0], $0xffff;
	[tilespmem:$0x1F980] =	vst v13  }
0x101: {  	v9 =	vld.idx.msk [tilespmem:v9+s2+$0x0], $0xffff  }
0x102: {  	v24 =	vor.u32 $0x3D, v3  }
0x103: {  	v12 =	vor.u32 $0x20, v1  }
0x104: {  	v10 =	vor.u32 $0x3E, v3  }
0x105: {  	v3 =	vor.u32 $0x3F, v3;
	v26 =	vor.u32 $0x11, v4;
	[tilespmem:v57+s10+$0x0] =	vst.idx.msk $0xffff, v14  }
0x106: {  	v11 =	vor.u32 $0x12, v4;
	v13 =	vor.u32 $0x21, v1;
	[tilespmem:$0x1F9A0] =	vst v9  }
0x107: {  	v22 =	vor.u32 $0x14, v4;
	v14 =	vor.u32 $0x22, v1;
	[tilespmem:v24+s10+$0x0] =	vst.idx.msk $0xffff, v8  }
0x108: {  	v60 =	vor.u32 $0x23, v1;
	v8 =	vor.u32 $0x15, v4;
	[tilespmem:v12+s10+$0x0] =	vst.idx.msk $0xffff, v30  }
0x109: {  	[tilespmem:v10+s10+$0x0] =	vst.idx.msk $0xffff, v7;
	v7 =	vor.u32 $0x24, v1  }
0x10a: {  	v31 =	vld.idx.msk [tilespmem:v26+s2+$0x0], $0xffff;
	[tilespmem:v3+s10+$0x0] =	vst.idx.msk $0xffff, v6;
	v6 =	vor.u32 $0x25, v1  }
0x10b: {  	v58 =	vor.u32 $0x10, v4;
	v26 =	vld.idx.msk [tilespmem:v11+s2+$0x0], $0xffff;
	v11 =	vor.u32 $0x26, v1;
	[tilespmem:v13+s10+$0x0] =	vst.idx.msk $0xffff, v45  }
0x10c: {  	v59 =	vor.u32 $0x13, v4;
	v23 =	vld.idx.msk [tilespmem:v22+s2+$0x0], $0xffff;
	v13 =	vor.u32 $0x27, v1;
	[tilespmem:v14+s10+$0x0] =	vst.idx.msk $0xffff, v46  }
0x10d: {  	v14 =	vor.u32 $0x1A, v4;
	[tilespmem:v60+s10+$0x0] =	vst.idx.msk $0xffff, v27;
	v22 =	vld.idx.msk [tilespmem:v8+s2+$0x0], $0xffff;
	v8 =	vor.u32 $0x28, v1  }
0x10e: {  	[tilespmem:v7+s10+$0x0] =	vst.idx.msk $0xffff, v47  }
0x10f: {  	v3 =	vor.u32 $0x16, v4;
	[tilespmem:v6+s10+$0x0] =	vst.idx.msk $0xffff, v28  }
0x110: {  	v32 =	vld.idx.msk [tilespmem:v58+s2+$0x0], $0xffff;
	v30 =	vor.u32 $0x19, v4;
	[tilespmem:v11+s10+$0x0] =	vst.idx.msk $0xffff, v29  }
0x111: {  	v24 =	vld.idx.msk [tilespmem:v59+s2+$0x0], $0xffff;
	v10 =	vor.u32 $0x17, v4;
	[tilespmem:v13+s10+$0x0] =	vst.idx.msk $0xffff, v56  }
0x112: {  	s30 =	simm.s32 $0x10050;
	v12 =	vor.u32 $0x18, v4;
	[tilespmem:v8+s10+$0x0] =	vst.idx.msk $0xffff, v33;
	v8 =	vld.idx.msk [tilespmem:v14+s2+$0x0], $0xffff  }
0x113: {  	v62 =	vor.u32 $0x29, v1;
	v61 =	vld [tilespmem:s30+$0x0]  }
0x114: {  	v27 =	vld.idx.msk [tilespmem:v3+s2+$0x0], $0xffff;
	v3 =	vor.u32 $0x2A, v1  }
0x115: {  	v63 =	vor.u32 $0x1B, v4;
	v30 =	vld.idx.msk [tilespmem:v30+s2+$0x0], $0xffff  }
0x116: {  	v7 =	vor.u32 $0x2B, v1;
	v21 =	vld.idx.msk [tilespmem:v10+s2+$0x0], $0xffff  }
0x117: {  	v6 =	vor.u32 $0x1C, v4;
	v29 =	vld.idx.msk [tilespmem:v12+s2+$0x0], $0xffff;
	[tilespmem:$0x1F830] =	vst v8  }
0x118: {  	v10 =	vor.u32 $0x2C, v1;
	[tilespmem:v62+s10+$0x0] =	vst.idx.msk $0xffff, v43  }
0x119: {  	v12 =	vor.u32 $0x1D, v4;
	v43 =	vld [tilespmem:s30+$0xFFFFFFF0];
	[tilespmem:v3+s10+$0x0] =	vst.idx.msk $0xffff, v44;
	v3 =	vor.u32 $0x33, v0  }
0x11a: {  	v48 =	vor.u32 $0x2D, v1;
	v33 =	vld.idx.msk [tilespmem:v63+s2+$0x0], $0xffff;
	[tilespmem:$0x1FAB0] =	vst v3  }
0x11b: {  	v13 =	vor.u32 $0x1E, v4;
	v3 =	vor.u32 $0x34, v0;
	[tilespmem:v7+s10+$0x0] =	vst.idx.msk $0xffff, v41  }
0x11c: {  	v11 =	vshll.u32 v61, $0x6;
	v14 =	vor.u32 $0x30, v2;
	v46 =	vld.idx.msk [tilespmem:v6+s2+$0x0], $0xffff;
	[tilespmem:$0x1FAE0] =	vst v3  }
0x11d: {  	v56 =	vor.u32 $0x1, v11;
	v3 =	vor.u32 $0x35, v0;
	[tilespmem:v10+s10+$0x0] =	vst.idx.msk $0xffff, v40  }
0x11e: {  	v58 =	vor.u32 $0x31, v2;
	v47 =	vld.idx.msk [tilespmem:v12+s2+$0x0], $0xffff;
	[tilespmem:$0x1FB10] =	vst v3  }
0x11f: {  	v44 =	vor.u32 $0x2, v11;
	v3 =	vor.u32 $0x36, v0;
	[tilespmem:v48+s10+$0x0] =	vst.idx.msk $0xffff, v38  }
0x120: {  	v59 =	vor.u32 $0x32, v2;
	v48 =	vld.idx.msk [tilespmem:v13+s2+$0x0], $0xffff;
	[tilespmem:$0x1FB40] =	vst v3  }
0x121: {  	v41 =	vor.u32 $0x3, v11;
	v3 =	vor.u32 $0x37, v0;
	[tilespmem:v14+s10+$0x0] =	vst.idx.msk $0xffff, v52  }
0x122: {  	v60 =	vor.u32 $0x33, v2;
	v56 =	vld.idx.msk [tilespmem:v56+s2+$0x0], $0xffff;
	[tilespmem:$0x1FB70] =	vst v3  }
0x123: {  	v40 =	vor.u32 $0x4, v11;
	v3 =	vor.u32 $0x38, v0;
	[tilespmem:v58+s10+$0x0] =	vst.idx.msk $0xffff, v51  }
0x124: {  	v61 =	vor.u32 $0x34, v2;
	v44 =	vld.idx.msk [tilespmem:v44+s2+$0x0], $0xffff;
	[tilespmem:$0x1FBA0] =	vst v3  }
0x125: {  	v38 =	vor.u32 $0x5, v11;
	v3 =	vor.u32 $0x39, v0;
	[tilespmem:v59+s10+$0x0] =	vst.idx.msk $0xffff, v50  }
0x126: {  	v52 =	vor.u32 $0x35, v2;
	v41 =	vld.idx.msk [tilespmem:v41+s2+$0x0], $0xffff;
	[tilespmem:$0x1FBD0] =	vst v3  }
0x127: {  	v51 =	vor.u32 $0x36, v2;
	v3 =	vor.u32 $0x3A, v0;
	[tilespmem:v60+s10+$0x0] =	vst.idx.msk $0xffff, v49  }
0x128: {  	v62 =	vor.u32 $0x6, v11;
	v40 =	vld.idx.msk [tilespmem:v40+s2+$0x0], $0xffff;
	[tilespmem:$0x1FC00] =	vst v3  }
0x129: {  	v3 =	vor.u32 $0x3B, v0;
	[tilespmem:v61+s10+$0x0] =	vst.idx.msk $0xffff, v15  }
0x12a: {  	v50 =	vor.u32 $0x37, v2;
	v38 =	vld.idx.msk [tilespmem:v38+s2+$0x0], $0xffff;
	[tilespmem:$0x1FC30] =	vst v3  }
0x12b: {  	v58 =	vor.u32 $0x7, v11;
	[tilespmem:v52+s10+$0x0] =	vst.idx.msk $0xffff, v16  }
0x12c: {  	v49 =	vor.u32 $0x38, v2;
	v3 =	vor.u32 $0x3C, v0;
	[tilespmem:v51+s10+$0x0] =	vst.idx.msk $0xffff, v18  }
0x12d: {  	v59 =	vor.u32 $0x8, v11;
	v62 =	vld.idx.msk [tilespmem:v62+s2+$0x0], $0xffff;
	[tilespmem:$0x1FC60] =	vst v3;
	v3 =	vor.u32 $0x3D, v0  }
0x12e: {  	v60 =	vor.u32 $0x9, v11;
	v61 =	vor.u32 $0x39, v2;
	[tilespmem:$0x1FC90] =	vst v3  }
0x12f: {  	v63 =	vor.u32 $0xA, v11;
	v52 =	vor.u32 $0x3A, v2;
	v3 =	vor.u32 $0x3E, v0;
	[tilespmem:v50+s10+$0x0] =	vst.idx.msk $0xffff, v20  }
0x130: {  	v25 =	vmovc v55;
	v55 =	vor.u32 $0x30, v0;
	v57 =	vor.u32 $0x32, v0;
	v6 =	vor.u32 $0xB, v11;
	v51 =	vld.idx.msk [tilespmem:v58+s2+$0x0], $0xffff;
	[tilespmem:$0x1FCC0] =	vst v3  }
0x131: {  	v45 =	vor.u32 $0x31, v0;
	v0 =	vor.u32 $0x3F, v0;
	v58 =	vor.u32 $0x3B, v2;
	[tilespmem:v49+s10+$0x0] =	vst.idx.msk $0xffff, v42  }
0x132: {  	v50 =	vld.idx.msk [tilespmem:v59+s2+$0x0], $0xffff;
	[tilespmem:$0x1FEF0] =	vst v0  }
0x133: {  	v3 =	vor.u32 $0xC, v11;
	v59 =	vor.u32 $0x3C, v2;
	v42 =	vld.idx.msk [tilespmem:v60+s2+$0x0], $0xffff;
	[tilespmem:v61+s10+$0x0] =	vst.idx.msk $0xffff, v39  }
0x134: {  	v7 =	vor.u32 $0x30, v1;
	v39 =	vld.idx.msk [tilespmem:v63+s2+$0x0], $0xffff;
	[tilespmem:v52+s10+$0x0] =	vst.idx.msk $0xffff, v19  }
0x135: {  	v6 =	vld.idx.msk [tilespmem:v6+s2+$0x0], $0xffff;
	[tilespmem:$0x1F6E0] =	vst v7  }
0x136: {  	v49 =	vor.u32 $0x3D, v2;
	v7 =	vor.u32 $0x31, v1;
	[tilespmem:v58+s10+$0x0] =	vst.idx.msk $0xffff, v37  }
0x137: {  	v60 =	vor.u32 $0xD, v11;
	[tilespmem:$0x1F6F0] =	vst v7  }
0x138: {  	[tilespmem:v59+s10+$0x0] =	vst.idx.msk $0xffff, v36;
	v63 =	vld.idx.msk [tilespmem:v3+s2+$0x0], $0xffff;
	v3 =	vor.u32 $0x32, v1  }
0x139: {  	v53 =	vor.u32 $0x2E, v1;
	v52 =	vld.idx.msk [tilespmem:v11+s2+$0x0], $0xffff;
	[tilespmem:$0x1F700] =	vst v3;
	v3 =	vor.u32 $0x33, v1  }
0x13a: {  	v61 =	vor.u32 $0xE, v11;
	[tilespmem:$0x1F710] =	vst v3  }
0x13b: {  	s12 =	simm.s32 $0x50;
	v54 =	vor.u32 $0x2F, v1;
	v3 =	vor.u32 $0x34, v1;
	[tilespmem:v49+s10+$0x0] =	vst.idx.msk $0xffff, v17  }
0x13c: {  	v0 =	vshll.u32 v43, $0x6;
	v43 =	vmov s12;
	v49 =	vld.idx.msk [tilespmem:v60+s2+$0x0], $0xffff;
	[tilespmem:$0x1F720] =	vst v3;
	v3 =	vor.u32 $0x35, v1  }
0x13d: {  	v19 =	vshll.u32 v43, $0x6;
	v43 =	vor.u32 $0xF, v11;
	[tilespmem:$0x1F730] =	vst v3  }
0x13e: {  	v19 =	vor.u32 v25, v19;
	v3 =	vor.u32 $0x36, v1;
	[tilespmem:v53+s10+$0x0] =	vst.idx.msk $0xffff, v35  }
0x13f: {  	v37 =	vor.u32 $0x1F, v4;
	v53 =	vld.idx.msk [tilespmem:v61+s2+$0x0], $0xffff;
	[tilespmem:$0x1F740] =	vst v3;
	v3 =	vor.u32 $0x37, v1  }
0x140: {  	[tilespmem:$0x1F750] =	vst v3  }
0x141: {  	v3 =	vor.u32 $0x38, v1;
	[tilespmem:v54+s10+$0x0] =	vst.idx.msk $0xffff, v34  }
0x142: {  	v54 =	vld.idx.msk [tilespmem:v43+s2+$0x0], $0xffff;
	[tilespmem:$0x1F760] =	vst v3  }
0x143: {  	v3 =	vor.u32 $0x39, v1;
	[tilespmem:v19+s10+$0x0] =	vst.idx.msk $0xffff, v52  }
0x144: {  	v36 =	vor.u32 $0x1, v19;
	v12 =	vld.idx.msk [tilespmem:v37+s2+$0x0], $0xffff;
	[tilespmem:$0x1F770] =	vst v3  }
0x145: {  	v3 =	vld.idx.msk [tilespmem:v55+s2+$0x0], $0xffff;
	_ =	sdelay $0x3  }
0x146: {  	[tilespmem:v36+s10+$0x0] =	vst.idx.msk $0xffff, v56  }
0x147: {  	[tilespmem:$0x1F780] =	vst v3;
	v3 =	vor.u32 $0x3A, v1  }
0x148: {  	v58 =	vor.u32 $0x2, v19;
	[tilespmem:$0x1F790] =	vst v3  }
0x149: {  	v3 =	vld.idx.msk [tilespmem:v45+s2+$0x0], $0xffff;
	_ =	sdelay $0x3  }
0x14a: {  	[tilespmem:v58+s10+$0x0] =	vst.idx.msk $0xffff, v44  }
0x14b: {  	[tilespmem:$0x1F7A0] =	vst v3;
	v3 =	vor.u32 $0x3B, v1  }
0x14c: {  	v35 =	vor.u32 $0x3, v19;
	[tilespmem:$0x1F7B0] =	vst v3  }
0x14d: {  	v3 =	vld.idx.msk [tilespmem:v57+s2+$0x0], $0xffff;
	_ =	sdelay $0x1  }
0x14e: {  	v61 =	vor.u32 $0x4, v19  }
0x14f: {  	v60 =	vor.u32 $0x1, v0  }
0x150: {  	v52 =	vor.u32 $0x5, v19;
	[tilespmem:v35+s10+$0x0] =	vst.idx.msk $0xffff, v41  }
0x151: {  	v37 =	vor.u32 $0x2, v0;
	[tilespmem:$0x1F7C0] =	vst v3;
	v3 =	vor.u32 $0x3C, v1  }
0x152: {  	v55 =	vor.u32 $0x6, v19;
	[tilespmem:$0x1F7D0] =	vst v3  }
0x153: {  	v3 =	vor.u32 $0x3D, v1;
	[tilespmem:v61+s10+$0x0] =	vst.idx.msk $0xffff, v40  }
0x154: {  	v44 =	vor.u32 $0x4, v0;
	v34 =	vld.idx.msk [tilespmem:v60+s2+$0x0], $0xffff;
	[tilespmem:$0x1F7E0] =	vst v3  }
0x155: {  	v3 =	vor.u32 $0x3E, v1;
	[tilespmem:v52+s10+$0x0] =	vst.idx.msk $0xffff, v38  }
0x156: {  	v56 =	vor.u32 $0x7, v19;
	v35 =	vld.idx.msk [tilespmem:v37+s2+$0x0], $0xffff;
	[tilespmem:$0x1F7F0] =	vst v3  }
0x157: {  	v1 =	vor.u32 $0x3F, v1;
	[tilespmem:v55+s10+$0x0] =	vst.idx.msk $0xffff, v62  }
0x158: {  	[tilespmem:$0x1F800] =	vst v1  }
0x159: {  	v36 =	vor.u32 $0x3, v0;
	v3 =	vld.idx.msk [tilespmem:v44+s2+$0x0], $0xffff  }
0x15a: {  	v57 =	vor.u32 $0x8, v19  }
0x15b: {  	[tilespmem:v56+s10+$0x0] =	vst.idx.msk $0xffff, v51;
	v51 =	vor.u32 $0x10, v5  }
0x15c: {  	v61 =	vor.u32 $0x9, v19  }
0x15d: {  	v58 =	vor.u32 $0xA, v19;
	v41 =	vor.u32 $0x5, v0  }
0x15e: {  	v60 =	vor.u32 $0x6, v0;
	v55 =	vor.u32 $0xB, v19;
	v45 =	vld.idx.msk [tilespmem:v36+s2+$0x0], $0xffff;
	[tilespmem:$0x1FA00] =	vst v3  }
0x15f: {  	v1 =	vor.u32 $0x8, v0;
	v56 =	vor.u32 $0xC, v19;
	[tilespmem:v57+s10+$0x0] =	vst.idx.msk $0xffff, v50  }
0x160: {  	v59 =	vor.u32 $0xD, v19;
	v52 =	vor.u32 $0x7, v0;
	[tilespmem:v51+s10+$0x0] =	vst.idx.msk $0xffff, v32  }
0x161: {  	v44 =	vor.u32 $0x9, v0;
	v50 =	vor.u32 $0x11, v5;
	[tilespmem:v61+s10+$0x0] =	vst.idx.msk $0xffff, v42  }
0x162: {  	v43 =	vor.u32 $0xB, v0;
	v37 =	vld.idx.msk [tilespmem:v41+s2+$0x0], $0xffff;
	v61 =	vor.u32 $0xE, v19;
	[tilespmem:v58+s10+$0x0] =	vst.idx.msk $0xffff, v39  }
0x163: {  	v57 =	vor.u32 $0xA, v0;
	v38 =	vld.idx.msk [tilespmem:v60+s2+$0x0], $0xffff;
	v60 =	vor.u32 $0x12, v5;
	[tilespmem:v55+s10+$0x0] =	vst.idx.msk $0xffff, v6  }
0x164: {  	v62 =	vor.u32 $0xF, v19;
	v40 =	vld.idx.msk [tilespmem:v1+s2+$0x0], $0xffff;
	v58 =	vor.u32 $0xC, v0;
	[tilespmem:v56+s10+$0x0] =	vst.idx.msk $0xffff, v63  }
0x165: {  	v39 =	vld.idx.msk [tilespmem:v52+s2+$0x0], $0xffff;
	v52 =	vor.u32 $0x13, v5;
	v55 =	vor.u32 $0x10, v11;
	[tilespmem:v59+s10+$0x0] =	vst.idx.msk $0xffff, v49  }
0x166: {  	v36 =	vor.u32 $0x12, v11;
	v41 =	vld.idx.msk [tilespmem:v44+s2+$0x0], $0xffff;
	v6 =	vor.u32 $0x14, v5;
	[tilespmem:v50+s10+$0x0] =	vst.idx.msk $0xffff, v31  }
0x167: {  	v7 =	vor.u32 $0x15, v5;
	v43 =	vld.idx.msk [tilespmem:v43+s2+$0x0], $0xffff;
	v1 =	vor.u32 $0x13, v11;
	[tilespmem:v61+s10+$0x0] =	vst.idx.msk $0xffff, v53  }
0x168: {  	v8 =	vor.u32 $0x16, v5;
	v3 =	vor.u32 $0x15, v11;
	v42 =	vld.idx.msk [tilespmem:v57+s2+$0x0], $0xffff;
	[tilespmem:v60+s10+$0x0] =	vst.idx.msk $0xffff, v26  }
0x169: {  	v56 =	vor.u32 $0x17, v5;
	v63 =	vor.u32 $0x11, v11;
	[tilespmem:v62+s10+$0x0] =	vst.idx.msk $0xffff, v54;
	v44 =	vld.idx.msk [tilespmem:v58+s2+$0x0], $0xffff  }
0x16a: {  	v57 =	vor.u32 $0x18, v5;
	v50 =	vor.u32 $0x16, v11;
	[tilespmem:v52+s10+$0x0] =	vst.idx.msk $0xffff, v24;
	v32 =	vld.idx.msk [tilespmem:v55+s2+$0x0], $0xffff  }
0x16b: {  	v59 =	vor.u32 $0x19, v5;
	v62 =	vor.u32 $0x14, v11;
	v60 =	vld.idx.msk [tilespmem:v36+s2+$0x0], $0xffff;
	[tilespmem:v6+s10+$0x0] =	vst.idx.msk $0xffff, v23  }
0x16c: {  	v9 =	vld.idx.msk [tilespmem:v1+s2+$0x0], $0xffff;
	[tilespmem:v7+s10+$0x0] =	vst.idx.msk $0xffff, v22  }
0x16d: {  	v36 =	vor.u32 $0x17, v11;
	v3 =	vld.idx.msk [tilespmem:v3+s2+$0x0], $0xffff;
	[tilespmem:v8+s10+$0x0] =	vst.idx.msk $0xffff, v27  }
0x16e: {  	v1 =	vor.u32 $0x19, v11;
	v31 =	vld.idx.msk [tilespmem:v63+s2+$0x0], $0xffff;
	[tilespmem:v56+s10+$0x0] =	vst.idx.msk $0xffff, v21  }
0x16f: {  	v63 =	vor.u32 $0x18, v11;
	v6 =	vld.idx.msk [tilespmem:v50+s2+$0x0], $0xffff;
	[tilespmem:v57+s10+$0x0] =	vst.idx.msk $0xffff, v29  }
0x170: {  	v23 =	vld.idx.msk [tilespmem:v62+s2+$0x0], $0xffff;
	[tilespmem:v59+s10+$0x0] =	vst.idx.msk $0xffff, v30  }
0x171: {  	v53 =	vor.u32 $0x1A, v5;
	v10 =	vld [tilespmem:$0x1F830]  }
0x172: {  	v22 =	vor.u32 $0x1A, v11;
	v7 =	vld.idx.msk [tilespmem:v36+s2+$0x0], $0xffff  }
0x173: {  	v30 =	vld.idx.msk [tilespmem:v1+s2+$0x0], $0xffff;
	v1 =	vor.u32 $0x30, v4  }
0x174: {  	v61 =	vor.u32 $0x1B, v5;
	v8 =	vld.idx.msk [tilespmem:v63+s2+$0x0], $0xffff;
	[tilespmem:$0x1F810] =	vst v1;
	v1 =	vor.u32 $0x31, v4  }
0x175: {  	v50 =	vor.u32 $0x1B, v11;
	[tilespmem:$0x1F820] =	vst v1  }
0x176: {  	v54 =	vor.u32 $0x1C, v5;
	[tilespmem:v53+s10+$0x0] =	vst.idx.msk $0xffff, v10;
	v10 =	vor.u32 $0x32, v4  }
0x177: {  	v56 =	vor.u32 $0x1C, v11;
	v21 =	vld.idx.msk [tilespmem:v22+s2+$0x0], $0xffff;
	[tilespmem:$0x1F840] =	vst v10;
	v10 =	vor.u32 $0x33, v4  }
0x178: {  	v58 =	vor.u32 $0x1D, v5;
	[tilespmem:$0x1F850] =	vst v10  }
0x179: {  	v29 =	vor.u32 $0x1D, v11;
	v10 =	vor.u32 $0x34, v4;
	[tilespmem:v61+s10+$0x0] =	vst.idx.msk $0xffff, v33  }
0x17a: {  	v51 =	vor.u32 $0x1E, v5;
	v1 =	vor.u32 $0x1E, v11;
	v59 =	vld.idx.msk [tilespmem:v50+s2+$0x0], $0xffff;
	[tilespmem:$0x1F860] =	vst v10  }
0x17b: {  	v13 =	vor.u32 $0x35, v4;
	[tilespmem:v54+s10+$0x0] =	vst.idx.msk $0xffff, v46  }
0x17c: {  	v10 =	vld.idx.msk [tilespmem:v56+s2+$0x0], $0xffff;
	[tilespmem:$0x1F870] =	vst v13  }
0x17d: {  	v55 =	vor.u32 $0x1F, v5;
	v13 =	vor.u32 $0x36, v4;
	[tilespmem:v58+s10+$0x0] =	vst.idx.msk $0xffff, v47  }
0x17e: {  	v22 =	vor.u32 $0x1F, v11;
	v58 =	vld.idx.msk [tilespmem:v29+s2+$0x0], $0xffff;
	[tilespmem:$0x1F880] =	vst v13  }
0x17f: {  	[tilespmem:v51+s10+$0x0] =	vst.idx.msk $0xffff, v48;
	v13 =	vld.idx.msk [tilespmem:v1+s2+$0x0], $0xffff;
	v1 =	vor.u32 $0x37, v4  }
0x180: {  	v61 =	vor.u32 $0x10, v19;
	[tilespmem:$0x1F890] =	vst v1;
	v1 =	vor.u32 $0x38, v4  }
0x181: {  	v33 =	vor.u32 $0xD, v0;
	[tilespmem:$0x1F8A0] =	vst v1  }
0x182: {  	v1 =	vor.u32 $0x39, v4;
	[tilespmem:v55+s10+$0x0] =	vst.idx.msk $0xffff, v12  }
0x183: {  	v46 =	vor.u32 $0xE, v0;
	v12 =	vld.idx.msk [tilespmem:v22+s2+$0x0], $0xffff;
	[tilespmem:$0x1F8B0] =	vst v1;
	v1 =	vor.u32 $0x3A, v4  }
0x184: {  	[tilespmem:$0x1F8C0] =	vst v1  }
0x185: {  	v1 =	vor.u32 $0x3B, v4;
	[tilespmem:v61+s10+$0x0] =	vst.idx.msk $0xffff, v32  }
0x186: {  	v50 =	vld.idx.msk [tilespmem:v33+s2+$0x0], $0xffff;
	[tilespmem:$0x1F8D0] =	vst v1;
	v1 =	vor.u32 $0x3C, v4  }
0x187: {  	v53 =	vor.u32 $0x11, v19;
	[tilespmem:$0x1F8E0] =	vst v1  }
0x188: {  	v1 =	vld.idx.msk [tilespmem:v46+s2+$0x0], $0xffff  }
0x189: {  	v14 =	vor.u32 $0x21, v4  }
0x18a: {  	v15 =	vor.u32 $0x23, v4;
	v16 =	vor.u32 $0x27, v4;
	v18 =	vor.u32 $0x29, v4  }
0x18b: {  	v28 =	vmovc v25;
	v20 =	vor.u32 $0x2A, v4;
	v25 =	vor.u32 $0x20, v4;
	v54 =	vor.u32 $0x12, v19  }
0x18c: {  	v17 =	vor.u32 $0x28, v4;
	v49 =	vor.u32 $0x2D, v4;
	v26 =	vor.u32 $0x22, v4;
	[tilespmem:v53+s10+$0x0] =	vst.idx.msk $0xffff, v31  }
0x18d: {  	v47 =	vor.u32 $0xF, v0;
	v48 =	vor.u32 $0x13, v19;
	[tilespmem:$0x1FCF0] =	vst v1;
	v1 =	vor.u32 $0x3D, v4  }
0x18e: {  	v24 =	vor.u32 $0x24, v4;
	v22 =	vor.u32 $0x14, v19;
	[tilespmem:$0x1F8F0] =	vst v1;
	v1 =	vor.u32 $0x3E, v4  }
0x18f: {  	v52 =	vor.u32 $0x25, v4;
	v27 =	vor.u32 $0x2B, v4;
	v61 =	vor.u32 $0x15, v19;
	[tilespmem:$0x1F900] =	vst v1  }
0x190: {  	v62 =	vor.u32 $0x26, v4;
	v31 =	vor.u32 $0x16, v19;
	v1 =	vor.u32 $0x3F, v4;
	[tilespmem:v54+s10+$0x0] =	vst.idx.msk $0xffff, v60  }
0x191: {  	s31 =	simm.s32 $0x40;
	v57 =	vor.u32 $0x2E, v4;
	v36 =	vor.u32 $0x2C, v4;
	v33 =	vor.u32 $0x17, v19;
	[tilespmem:$0x1F910] =	vst v1  }
0x192: {  	v63 =	vor.u32 $0x2F, v4;
	v4 =	vmov s31;
	v54 =	vld.idx.msk [tilespmem:v47+s2+$0x0], $0xffff;
	[tilespmem:v48+s10+$0x0] =	vst.idx.msk $0xffff, v9;
	v48 =	vor.u32 $0x18, v19  }
0x193: {  	v4 =	vshll.u32 v4, $0x6;
	v55 =	vld.idx.msk [tilespmem:v25+s2+$0x0], $0xffff;
	[tilespmem:v22+s10+$0x0] =	vst.idx.msk $0xffff, v23  }
0x194: {  	v29 =	vld.idx.msk [tilespmem:v14+s2+$0x0], $0xffff;
	v22 =	vor.u32 v28, v4;
	v4 =	vor.u32 $0x19, v19;
	[tilespmem:v61+s10+$0x0] =	vst.idx.msk $0xffff, v3  }
0x195: {  	v32 =	vld.idx.msk [tilespmem:v26+s2+$0x0], $0xffff;
	[tilespmem:v31+s10+$0x0] =	vst.idx.msk $0xffff, v6  }
0x196: {  	v46 =	vld.idx.msk [tilespmem:v15+s2+$0x0], $0xffff;
	v3 =	vor.u32 $0x1A, v19;
	[tilespmem:v33+s10+$0x0] =	vst.idx.msk $0xffff, v7  }
0x197: {  	v1 =	vor.u32 $0x3F, v2;
	v9 =	vor.u32 $0x3E, v2;
	v47 =	vld.idx.msk [tilespmem:v24+s2+$0x0], $0xffff;
	v2 =	vor.u32 $0x27, v5;
	[tilespmem:v48+s10+$0x0] =	vst.idx.msk $0xffff, v8  }
0x198: {  	v48 =	vld.idx.msk [tilespmem:v52+s2+$0x0], $0xffff;
	[tilespmem:$0x1FE00] =	vst v2  }
0x199: {  	v6 =	vor.u32 $0x1B, v19;
	v2 =	vor.u32 $0x29, v5;
	[tilespmem:v4+s10+$0x0] =	vst.idx.msk $0xffff, v30  }
0x19a: {  	v24 =	vld.idx.msk [tilespmem:v62+s2+$0x0], $0xffff;
	[tilespmem:$0x1FE70] =	vst v2  }
0x19b: {  	v2 =	vor.u32 $0x2A, v5;
	[tilespmem:v3+s10+$0x0] =	vst.idx.msk $0xffff, v21  }
0x19c: {  	v7 =	vor.u32 $0x1C, v19;
	v30 =	vld.idx.msk [tilespmem:v16+s2+$0x0], $0xffff;
	[tilespmem:$0x1FEA0] =	vst v2;
	v2 =	vor.u32 $0x2B, v5  }
0x19d: {  	[tilespmem:$0x1FEC0] =	vst v2  }
0x19e: {  	v2 =	vor.u32 $0x2C, v5;
	[tilespmem:v6+s10+$0x0] =	vst.idx.msk $0xffff, v59  }
0x19f: {  	v8 =	vor.u32 $0x1D, v19;
	v51 =	vld.idx.msk [tilespmem:v17+s2+$0x0], $0xffff;
	[tilespmem:$0x1FED0] =	vst v2;
	v2 =	vor.u32 $0x2D, v5  }
0x1a0: {  	[tilespmem:$0x1FEE0] =	vst v2  }
0x1a1: {  	v2 =	vor.u32 $0x2E, v5;
	[tilespmem:v7+s10+$0x0] =	vst.idx.msk $0xffff, v10  }
0x1a2: {  	v4 =	vor.u32 $0x1E, v19;
	v52 =	vld.idx.msk [tilespmem:v18+s2+$0x0], $0xffff;
	[tilespmem:$0x1F920] =	vst v2;
	v2 =	vor.u32 $0x2F, v5  }
0x1a3: {  	[tilespmem:$0x1F930] =	vst v2  }
0x1a4: {  	v3 =	vor.u32 $0x1F, v19;
	v2 =	vor.u32 $0x30, v5;
	[tilespmem:v8+s10+$0x0] =	vst.idx.msk $0xffff, v58  }
0x1a5: {  	[tilespmem:$0x1F940] =	vst v2;
	v2 =	vor.u32 $0x31, v5  }
0x1a6: {  	[tilespmem:$0x1F950] =	vst v2  }
0x1a7: {  	v2 =	vor.u32 $0x32, v5;
	v8 =	vld.idx.msk [tilespmem:v0+s2+$0x0], $0xffff;
	[tilespmem:v4+s10+$0x0] =	vst.idx.msk $0xffff, v13  }
0x1a8: {  	v58 =	vld.idx.msk [tilespmem:v20+s2+$0x0], $0xffff;
	[tilespmem:$0x1F960] =	vst v2  }
0x1a9: {  	v2 =	vor.u32 $0x33, v5;
	[tilespmem:v3+s10+$0x0] =	vst.idx.msk $0xffff, v12;
	v59 =	vld.idx.msk [tilespmem:v27+s2+$0x0], $0xffff  }
0x1aa: {  	v6 =	vor.u32 $0x20, v11;
	[tilespmem:$0x1F970] =	vst v2;
	v2 =	vld [tilespmem:$0x1F980];
	_ =	sdelay $0x4  }
0x1ab: {  	v6 =	vld.idx.msk [tilespmem:v6+s2+$0x0], $0xffff;
	[tilespmem:v9+s10+$0x0] =	vst.idx.msk $0xffff, v2;
	v2 =	vor.u32 $0x34, v5  }
0x1ac: {  	[tilespmem:$0x1F990] =	vst v2;
	v2 =	vld [tilespmem:$0x1F9A0]  }
0x1ad: {  	v7 =	vor.u32 $0x21, v11;
	_ =	sdelay $0x1  }
0x1ae: {  	v10 =	vor.u32 $0x22, v11  }
0x1af: {  	v4 =	vor.u32 $0x1, v22  }
0x1b0: {  	v13 =	vor.u32 $0x23, v11;
	[tilespmem:v1+s10+$0x0] =	vst.idx.msk $0xffff, v2;
	v2 =	vor.u32 $0x35, v5  }
0x1b1: {  	v3 =	vor.u32 $0x2, v22;
	v1 =	vld.idx.msk [tilespmem:v7+s2+$0x0], $0xffff;
	[tilespmem:$0x1F9B0] =	vst v2  }
0x1b2: {  	v12 =	vor.u32 $0x24, v11;
	v2 =	vor.u32 $0x36, v5;
	[tilespmem:v22+s10+$0x0] =	vst.idx.msk $0xffff, v8  }
0x1b3: {  	v14 =	vor.u32 $0x25, v11;
	v9 =	vor.u32 $0x3, v22;
	v8 =	vld.idx.msk [tilespmem:v10+s2+$0x0], $0xffff;
	[tilespmem:$0x1F9C0] =	vst v2  }
0x1b4: {  	v2 =	vor.u32 $0x37, v5;
	[tilespmem:v4+s10+$0x0] =	vst.idx.msk $0xffff, v34  }
0x1b5: {  	v4 =	vld.idx.msk [tilespmem:v13+s2+$0x0], $0xffff;
	[tilespmem:$0x1F9D0] =	vst v2  }
0x1b6: {  	v2 =	vor.u32 $0x38, v5;
	[tilespmem:v3+s10+$0x0] =	vst.idx.msk $0xffff, v35  }
0x1b7: {  	v3 =	vld.idx.msk [tilespmem:v12+s2+$0x0], $0xffff;
	[tilespmem:$0x1F9E0] =	vst v2  }
0x1b8: {  	v2 =	vor.u32 $0x39, v5;
	[tilespmem:v9+s10+$0x0] =	vst.idx.msk $0xffff, v45;
	v9 =	vld.idx.msk [tilespmem:v14+s2+$0x0], $0xffff  }
0x1b9: {  	v7 =	vor.u32 $0x4, v22;
	[tilespmem:$0x1F9F0] =	vst v2;
	v2 =	vld [tilespmem:$0x1FA00]  }
0x1ba: {  	v15 =	vor.u32 $0x26, v11  }
0x1bb: {  	v10 =	vor.u32 $0x5, v22  }
0x1bc: {  	v16 =	vor.u32 $0x27, v11  }
0x1bd: {  	v13 =	vor.u32 $0x6, v22  }
0x1be: {  	v17 =	vor.u32 $0x28, v11;
	[tilespmem:v7+s10+$0x0] =	vst.idx.msk $0xffff, v2;
	v2 =	vor.u32 $0x3A, v5  }
0x1bf: {  	v12 =	vor.u32 $0x7, v22;
	v7 =	vld.idx.msk [tilespmem:v15+s2+$0x0], $0xffff;
	[tilespmem:$0x1FA10] =	vst v2  }
0x1c0: {  	v18 =	vor.u32 $0x29, v11;
	v2 =	vor.u32 $0x3B, v5;
	[tilespmem:v10+s10+$0x0] =	vst.idx.msk $0xffff, v37  }
0x1c1: {  	v14 =	vor.u32 $0x8, v22;
	v10 =	vld.idx.msk [tilespmem:v16+s2+$0x0], $0xffff;
	[tilespmem:$0x1FA20] =	vst v2  }
0x1c2: {  	v56 =	vor.u32 $0x23, v5;
	v20 =	vor.u32 $0x2A, v11;
	v2 =	vor.u32 $0x3C, v5;
	[tilespmem:v13+s10+$0x0] =	vst.idx.msk $0xffff, v38  }
0x1c3: {  	v53 =	vor.u32 $0x24, v5;
	v60 =	vor.u32 $0x22, v5;
	v15 =	vor.u32 $0x9, v22;
	v13 =	vld.idx.msk [tilespmem:v17+s2+$0x0], $0xffff;
	[tilespmem:$0x1FA30] =	vst v2  }
0x1c4: {  	v25 =	vor.u32 $0x20, v5;
	v26 =	vor.u32 $0x2C, v11;
	v2 =	vor.u32 $0x3D, v5;
	[tilespmem:v12+s10+$0x0] =	vst.idx.msk $0xffff, v39  }
0x1c5: {  	v61 =	vor.u32 $0x21, v5;
	v31 =	vor.u32 $0x25, v5;
	v16 =	vor.u32 $0xA, v22;
	v12 =	vld.idx.msk [tilespmem:v18+s2+$0x0], $0xffff;
	[tilespmem:$0x1FA40] =	vst v2  }
0x1c6: {  	v27 =	vor.u32 $0x2D, v11;
	v17 =	vor.u32 $0xB, v22;
	v2 =	vor.u32 $0x3E, v5;
	[tilespmem:v14+s10+$0x0] =	vst.idx.msk $0xffff, v40  }
0x1c7: {  	v33 =	vor.u32 $0x26, v5;
	v21 =	vor.u32 $0x2B, v11;
	v18 =	vor.u32 $0xC, v22;
	v14 =	vld.idx.msk [tilespmem:v20+s2+$0x0], $0xffff;
	[tilespmem:$0x1FA50] =	vst v2  }
0x1c8: {  	v38 =	vor.u32 $0x2E, v11;
	v20 =	vor.u32 $0xD, v22;
	v2 =	vor.u32 $0x3F, v5;
	[tilespmem:v15+s10+$0x0] =	vst.idx.msk $0xffff, v41  }
0x1c9: {  	v62 =	vor.u32 $0x28, v5;
	v35 =	vor.u32 $0x2F, v11;
	v5 =	vor.u32 $0x20, v19;
	[tilespmem:$0x1FA60] =	vst v2  }
0x1ca: {  	[tilespmem:v16+s10+$0x0] =	vst.idx.msk $0xffff, v42;
	v16 =	vld.idx.msk [tilespmem:v26+s2+$0x0], $0xffff;
	v26 =	vor.u32 $0x21, v19  }
0x1cb: {  	[tilespmem:v17+s10+$0x0] =	vst.idx.msk $0xffff, v43;
	v17 =	vld.idx.msk [tilespmem:v27+s2+$0x0], $0xffff;
	v27 =	vor.u32 $0x22, v19  }
0x1cc: {  	v15 =	vld.idx.msk [tilespmem:v21+s2+$0x0], $0xffff;
	[tilespmem:v18+s10+$0x0] =	vst.idx.msk $0xffff, v44  }
0x1cd: {  	v18 =	vld.idx.msk [tilespmem:v38+s2+$0x0], $0xffff;
	[tilespmem:v20+s10+$0x0] =	vst.idx.msk $0xffff, v50  }
0x1ce: {  	v34 =	vor.u32 $0x23, v19;
	v20 =	vld.idx.msk [tilespmem:v35+s2+$0x0], $0xffff;
	[tilespmem:v5+s10+$0x0] =	vst.idx.msk $0xffff, v6  }
0x1cf: {  	v43 =	vld.idx.msk [tilespmem:v36+s2+$0x0], $0xffff;
	[tilespmem:v26+s10+$0x0] =	vst.idx.msk $0xffff, v1  }
0x1d0: {  	v44 =	vld.idx.msk [tilespmem:v49+s2+$0x0], $0xffff;
	v6 =	vor.u32 $0x1B, v0;
	[tilespmem:v27+s10+$0x0] =	vst.idx.msk $0xffff, v8  }
0x1d1: {  	v50 =	vor.u32 $0x24, v19;
	v26 =	vld.idx.msk [tilespmem:v57+s2+$0x0], $0xffff;
	[tilespmem:$0x1FA70] =	vst v6;
	v6 =	vor.u32 $0x1C, v0  }
0x1d2: {  	[tilespmem:$0x1FA80] =	vst v6  }
0x1d3: {  	[tilespmem:v34+s10+$0x0] =	vst.idx.msk $0xffff, v4;
	v4 =	vor.u32 $0x1D, v0  }
0x1d4: {  	v27 =	vld.idx.msk [tilespmem:v63+s2+$0x0], $0xffff;
	[tilespmem:$0x1FA90] =	vst v4;
	v4 =	vor.u32 $0x1E, v0  }
0x1d5: {  	[tilespmem:$0x1FAA0] =	vst v4  }
0x1d6: {  	[tilespmem:v50+s10+$0x0] =	vst.idx.msk $0xffff, v3  }
0x1d7: {  	v3 =	vld [tilespmem:$0x1FAB0];
	_ =	sdelay $0x5  }
0x1d8: {  	v5 =	vor.u32 $0x25, v19;
	_ =	sdelay $0x1  }
0x1d9: {  	v4 =	vld.idx.msk [tilespmem:v3+s2+$0x0], $0xffff;
	v3 =	vor.u32 $0x1F, v0  }
0x1da: {  	[tilespmem:$0x1FAC0] =	vst v3;
	v3 =	vor.u32 $0x20, v0  }
0x1db: {  	[tilespmem:$0x1FAD0] =	vst v3  }
0x1dc: {  	[tilespmem:v5+s10+$0x0] =	vst.idx.msk $0xffff, v9  }
0x1dd: {  	v5 =	vld [tilespmem:$0x1FAE0];
	_ =	sdelay $0x4  }
0x1de: {  	v1 =	vor.u32 $0x26, v19;
	_ =	sdelay $0x1  }
0x1df: {  	v6 =	vor.u32 $0x21, v0  }
0x1e0: {  	v5 =	vld.idx.msk [tilespmem:v5+s2+$0x0], $0xffff;
	[tilespmem:$0x1FAF0] =	vst v6;
	v6 =	vor.u32 $0x22, v0  }
0x1e1: {  	[tilespmem:$0x1FB00] =	vst v6  }
0x1e2: {  	[tilespmem:v1+s10+$0x0] =	vst.idx.msk $0xffff, v7  }
0x1e3: {  	v1 =	vld [tilespmem:$0x1FB10];
	_ =	sdelay $0x5  }
0x1e4: {  	v8 =	vor.u32 $0x27, v19;
	_ =	sdelay $0x1  }
0x1e5: {  	v6 =	vld.idx.msk [tilespmem:v1+s2+$0x0], $0xffff;
	v1 =	vor.u32 $0x23, v0  }
0x1e6: {  	[tilespmem:$0x1FB20] =	vst v1;
	v1 =	vor.u32 $0x24, v0  }
0x1e7: {  	[tilespmem:$0x1FB30] =	vst v1  }
0x1e8: {  	[tilespmem:v8+s10+$0x0] =	vst.idx.msk $0xffff, v10  }
0x1e9: {  	v7 =	vld [tilespmem:$0x1FB40];
	_ =	sdelay $0x5  }
0x1ea: {  	v63 =	vor.u32 $0x28, v19;
	_ =	sdelay $0x1  }
0x1eb: {  	v9 =	vld.idx.msk [tilespmem:v7+s2+$0x0], $0xffff;
	v7 =	vor.u32 $0x25, v0  }
0x1ec: {  	[tilespmem:$0x1FB50] =	vst v7;
	v7 =	vor.u32 $0x26, v0  }
0x1ed: {  	[tilespmem:$0x1FB60] =	vst v7  }
0x1ee: {  	[tilespmem:v63+s10+$0x0] =	vst.idx.msk $0xffff, v13  }
0x1ef: {  	v8 =	vld [tilespmem:$0x1FB70];
	_ =	sdelay $0x5  }
0x1f0: {  	v3 =	vor.u32 $0x29, v19;
	_ =	sdelay $0x1  }
0x1f1: {  	v10 =	vld.idx.msk [tilespmem:v8+s2+$0x0], $0xffff;
	v8 =	vor.u32 $0x27, v0  }
0x1f2: {  	[tilespmem:$0x1FB80] =	vst v8;
	v8 =	vor.u32 $0x28, v0  }
0x1f3: {  	[tilespmem:$0x1FB90] =	vst v8  }
0x1f4: {  	[tilespmem:v3+s10+$0x0] =	vst.idx.msk $0xffff, v12  }
0x1f5: {  	v3 =	vld [tilespmem:$0x1FBA0];
	_ =	sdelay $0x5  }
0x1f6: {  	v57 =	vor.u32 $0x2A, v19;
	_ =	sdelay $0x1  }
0x1f7: {  	v12 =	vld.idx.msk [tilespmem:v3+s2+$0x0], $0xffff;
	v3 =	vor.u32 $0x29, v0  }
0x1f8: {  	[tilespmem:$0x1FBB0] =	vst v3;
	v3 =	vor.u32 $0x2A, v0  }
0x1f9: {  	[tilespmem:$0x1FBC0] =	vst v3  }
0x1fa: {  	[tilespmem:v57+s10+$0x0] =	vst.idx.msk $0xffff, v14  }
0x1fb: {  	v3 =	vld [tilespmem:$0x1FBD0];
	_ =	sdelay $0x5  }
0x1fc: {  	v1 =	vor.u32 $0x2B, v19;
	_ =	sdelay $0x1  }
0x1fd: {  	v23 =	vld.idx.msk [tilespmem:v3+s2+$0x0], $0xffff;
	v3 =	vor.u32 $0x2B, v0  }
0x1fe: {  	[tilespmem:$0x1FBE0] =	vst v3;
	v3 =	vor.u32 $0x2C, v0  }
0x1ff: {  	[tilespmem:$0x1FBF0] =	vst v3  }
0x200: {  	[tilespmem:v1+s10+$0x0] =	vst.idx.msk $0xffff, v15  }
0x201: {  	v1 =	vld [tilespmem:$0x1FC00];
	_ =	sdelay $0x5  }
0x202: {  	v7 =	vor.u32 $0x2C, v19;
	_ =	sdelay $0x1  }
0x203: {  	v14 =	vld.idx.msk [tilespmem:v1+s2+$0x0], $0xffff;
	v1 =	vor.u32 $0x2D, v0  }
0x204: {  	[tilespmem:$0x1FC10] =	vst v1;
	v1 =	vor.u32 $0x2E, v0  }
0x205: {  	[tilespmem:$0x1FC20] =	vst v1  }
0x206: {  	[tilespmem:v7+s10+$0x0] =	vst.idx.msk $0xffff, v16  }
0x207: {  	v3 =	vld [tilespmem:$0x1FC30];
	_ =	sdelay $0x5  }
0x208: {  	v8 =	vor.u32 $0x2D, v19;
	_ =	sdelay $0x1  }
0x209: {  	v15 =	vld.idx.msk [tilespmem:v3+s2+$0x0], $0xffff;
	v3 =	vor.u32 $0x2F, v0  }
0x20a: {  	[tilespmem:$0x1FC40] =	vst v3;
	v3 =	vor.u32 $0x30, v0  }
0x20b: {  	[tilespmem:$0x1FC50] =	vst v3  }
0x20c: {  	[tilespmem:v8+s10+$0x0] =	vst.idx.msk $0xffff, v17  }
0x20d: {  	v3 =	vld [tilespmem:$0x1FC60];
	_ =	sdelay $0x5  }
0x20e: {  	v34 =	vor.u32 $0x2E, v19;
	_ =	sdelay $0x1  }
0x20f: {  	v16 =	vld.idx.msk [tilespmem:v3+s2+$0x0], $0xffff;
	v3 =	vor.u32 $0x31, v0  }
0x210: {  	[tilespmem:$0x1FC70] =	vst v3;
	v3 =	vor.u32 $0x32, v0  }
0x211: {  	[tilespmem:$0x1FC80] =	vst v3  }
0x212: {  	[tilespmem:v34+s10+$0x0] =	vst.idx.msk $0xffff, v18  }
0x213: {  	v3 =	vld [tilespmem:$0x1FC90];
	_ =	sdelay $0x5  }
0x214: {  	v63 =	vor.u32 $0x2F, v19;
	_ =	sdelay $0x1  }
0x215: {  	v18 =	vld.idx.msk [tilespmem:v3+s2+$0x0], $0xffff;
	v3 =	vor.u32 $0x33, v0  }
0x216: {  	[tilespmem:$0x1FCA0] =	vst v3;
	v3 =	vor.u32 $0x34, v0  }
0x217: {  	[tilespmem:$0x1FCB0] =	vst v3  }
0x218: {  	[tilespmem:v63+s10+$0x0] =	vst.idx.msk $0xffff, v20  }
0x219: {  	v3 =	vld [tilespmem:$0x1FCC0];
	_ =	sdelay $0x7  }
0x21a: {  	v20 =	vld.idx.msk [tilespmem:v3+s2+$0x0], $0xffff;
	v3 =	vor.u32 $0x35, v0  }
0x21b: {  	[tilespmem:$0x1FCD0] =	vst v3;
	v3 =	vor.u32 $0x36, v0  }
0x21c: {  	v28 =	vor.u32 $0xE, v22;
	v1 =	vor.u32 $0x30, v11;
	[tilespmem:$0x1FCE0] =	vst v3;
	v3 =	vld [tilespmem:$0x1FCF0];
	_ =	sdelay $0x2  }
0x21d: {  	v2 =	vor.u32 $0xF, v22  }
0x21e: {  	v57 =	vor.u32 $0x31, v11  }
0x21f: {  	v63 =	vld.idx.msk [tilespmem:v1+s2+$0x0], $0xffff;
	v1 =	vor.u32 $0x37, v0;
	[tilespmem:v28+s10+$0x0] =	vst.idx.msk $0xffff, v3  }
0x220: {  	[tilespmem:$0x1FD00] =	vst v1;
	v1 =	vor.u32 $0x38, v0  }
0x221: {  	v17 =	vor.u32 $0x32, v11;
	[tilespmem:$0x1FD10] =	vst v1  }
0x222: {  	[tilespmem:v2+s10+$0x0] =	vst.idx.msk $0xffff, v54;
	v2 =	vor.u32 $0x39, v0  }
0x223: {  	v54 =	vld.idx.msk [tilespmem:v57+s2+$0x0], $0xffff;
	[tilespmem:$0x1FD20] =	vst v2;
	v2 =	vor.u32 $0x3A, v0  }
0x224: {  	v34 =	vor.u32 $0x33, v11;
	[tilespmem:$0x1FD30] =	vst v2  }
0x225: {  	v3 =	vor.u32 $0x3B, v0;
	[tilespmem:v25+s10+$0x0] =	vst.idx.msk $0xffff, v55  }
0x226: {  	v45 =	vor.u32 $0x10, v0;
	v37 =	vor.u32 $0x17, v0;
	v17 =	vld.idx.msk [tilespmem:v17+s2+$0x0], $0xffff;
	[tilespmem:$0x1FD40] =	vst v3;
	v3 =	vor.u32 $0x3C, v0  }
0x227: {  	v39 =	vor.u32 $0x15, v0;
	v40 =	vor.u32 $0x14, v0;
	v41 =	vor.u32 $0x12, v0;
	[tilespmem:$0x1FD50] =	vst v3  }
0x228: {  	v42 =	vor.u32 $0x11, v0;
	v50 =	vor.u32 $0x34, v11;
	v7 =	vor.u32 $0x3D, v0;
	[tilespmem:v61+s10+$0x0] =	vst.idx.msk $0xffff, v29  }
0x229: {  	v21 =	vor.u32 $0x13, v0;
	v1 =	vor.u32 $0x35, v11;
	v25 =	vld.idx.msk [tilespmem:v34+s2+$0x0], $0xffff;
	[tilespmem:$0x1FD60] =	vst v7;
	v7 =	vor.u32 $0x3E, v0  }
0x22a: {  	v36 =	vor.u32 $0x19, v0;
	v38 =	vor.u32 $0x16, v0;
	v2 =	vor.u32 $0x36, v11;
	[tilespmem:$0x1FD70] =	vst v7  }
0x22b: {  	v49 =	vor.u32 $0x1A, v0;
	v35 =	vor.u32 $0x18, v0;
	v0 =	vor.u32 $0x3F, v0;
	[tilespmem:v60+s10+$0x0] =	vst.idx.msk $0xffff, v32  }
0x22c: {  	v3 =	vor.u32 $0x37, v11;
	[tilespmem:$0x1FD80] =	vst v0  }
0x22d: {  	v34 =	vld.idx.msk [tilespmem:v50+s2+$0x0], $0xffff;
	[tilespmem:v56+s10+$0x0] =	vst.idx.msk $0xffff, v46  }
0x22e: {  	v46 =	vld.idx.msk [tilespmem:v1+s2+$0x0], $0xffff;
	v1 =	vor.u32 $0x10, v22;
	[tilespmem:v53+s10+$0x0] =	vst.idx.msk $0xffff, v47  }
0x22f: {  	v47 =	vld.idx.msk [tilespmem:v2+s2+$0x0], $0xffff;
	[tilespmem:$0x1FD90] =	vst v1  }
0x230: {  	v28 =	vor.u32 $0x38, v11;
	v1 =	vor.u32 $0x11, v22;
	[tilespmem:v31+s10+$0x0] =	vst.idx.msk $0xffff, v48  }
0x231: {  	v48 =	vld.idx.msk [tilespmem:v3+s2+$0x0], $0xffff;
	[tilespmem:$0x1FDA0] =	vst v1;
	v1 =	vor.u32 $0x12, v22  }
0x232: {  	[tilespmem:$0x1FDB0] =	vst v1;
	v1 =	vor.u32 $0x13, v22  }
0x233: {  	[tilespmem:$0x1FDC0] =	vst v1  }
0x234: {  	v1 =	vor.u32 $0x14, v22;
	[tilespmem:v33+s10+$0x0] =	vst.idx.msk $0xffff, v24  }
0x235: {  	v57 =	vld.idx.msk [tilespmem:v28+s2+$0x0], $0xffff;
	[tilespmem:$0x1FDD0] =	vst v1;
	v1 =	vor.u32 $0x15, v22  }
0x236: {  	[tilespmem:$0x1FDE0] =	vst v1;
	v1 =	vor.u32 $0x16, v22  }
0x237: {  	[tilespmem:$0x1FDF0] =	vst v1;
	v1 =	vld [tilespmem:$0x1FE00];
	_ =	sdelay $0x2  }
0x238: {  	v0 =	vor.u32 $0x39, v11;
	_ =	sdelay $0x4  }
0x239: {  	v29 =	vor.u32 $0x3A, v11;
	v60 =	vld.idx.msk [tilespmem:v0+s2+$0x0], $0xffff;
	v0 =	vor.u32 $0x17, v22;
	[tilespmem:v1+s10+$0x0] =	vst.idx.msk $0xffff, v30  }
0x23a: {  	[tilespmem:$0x1FE10] =	vst v0;
	v0 =	vor.u32 $0x18, v22  }
0x23b: {  	[tilespmem:$0x1FE20] =	vst v0;
	v0 =	vor.u32 $0x19, v22  }
0x23c: {  	[tilespmem:$0x1FE30] =	vst v0  }
0x23d: {  	v0 =	vor.u32 $0x1A, v22;
	[tilespmem:v62+s10+$0x0] =	vst.idx.msk $0xffff, v51  }
0x23e: {  	v1 =	vld.idx.msk [tilespmem:v29+s2+$0x0], $0xffff;
	[tilespmem:$0x1FE40] =	vst v0;
	v0 =	vor.u32 $0x1B, v22  }
0x23f: {  	[tilespmem:$0x1FE50] =	vst v0;
	v0 =	vor.u32 $0x1C, v22  }
0x240: {  	[tilespmem:$0x1FE60] =	vst v0;
	v0 =	vld [tilespmem:$0x1FE70];
	_ =	sdelay $0x7  }
0x241: {  	[tilespmem:v0+s10+$0x0] =	vst.idx.msk $0xffff, v52  }
0x242: {  	v3 =	vld [tilespmem:$0x1FEA0]  }
0x243: {  	v32 =	vor.u32 $0x3B, v11;
	_ =	sdelay $0x1  }
0x244: {  	v55 =	vor.u32 $0x3C, v11;
	_ =	sdelay $0x1  }
0x245: {  	v0 =	vor.u32 $0x1D, v22  }
0x246: {  	v2 =	vld.idx.msk [tilespmem:v32+s2+$0x0], $0xffff;
	[tilespmem:$0x1FE80] =	vst v0;
	v0 =	vor.u32 $0x1E, v22  }
0x247: {  	[tilespmem:$0x1FE90] =	vst v0  }
0x248: {  	v28 =	vld.idx.msk [tilespmem:v55+s2+$0x0], $0xffff;
	[tilespmem:v3+s10+$0x0] =	vst.idx.msk $0xffff, v58;
	v3 =	vor.u32 $0x1F, v22  }
0x249: {  	[tilespmem:$0x1FEB0] =	vst v3;
	v3 =	vld [tilespmem:$0x1FEC0];
	_ =	sdelay $0x7  }
0x24a: {  	[tilespmem:v3+s10+$0x0] =	vst.idx.msk $0xffff, v59  }
0x24b: {  	v3 =	vld [tilespmem:$0x1FED0];
	_ =	sdelay $0x7  }
0x24c: {  	[tilespmem:v3+s10+$0x0] =	vst.idx.msk $0xffff, v43  }
0x24d: {  	v56 =	vor.u32 $0x3D, v11;
	v3 =	vld [tilespmem:$0x1FEE0]  }
0x24e: {  	v53 =	vor.u32 $0x3E, v11  }
0x24f: {  	v11 =	vor.u32 $0x3F, v11;
	v0 =	vor.u32 $0x30, v19;
	_ =	sdelay $0x2  }
0x250: {  	v29 =	vld.idx.msk [tilespmem:v56+s2+$0x0], $0xffff  }
0x251: {  	v30 =	vld.idx.msk [tilespmem:v53+s2+$0x0], $0xffff  }
0x252: {  	v43 =	vld.idx.msk [tilespmem:v11+s2+$0x0], $0xffff;
	[tilespmem:v0+s10+$0x0] =	vst.idx.msk $0xffff, v63  }
0x253: {  	[tilespmem:v3+s10+$0x0] =	vst.idx.msk $0xffff, v44  }
0x254: {  	v0 =	vld [tilespmem:$0x1FEF0];
	_ =	sdelay $0x5  }
0x255: {  	v24 =	vor.u32 $0x31, v19  }
0x256: {  	v31 =	vor.u32 $0x32, v19  }
0x257: {  	v13 =	vld.idx.msk [tilespmem:v0+s2+$0x0], $0xffff;
	v0 =	vor.u32 $0x27, v22  }
0x258: {  	v32 =	vor.u32 $0x33, v19;
	[tilespmem:$0x1FF00] =	vst v0;
	v0 =	vor.u32 $0x28, v22  }
0x259: {  	[tilespmem:$0x1FF10] =	vst v0  }
0x25a: {  	v11 =	vor.u32 $0x34, v19;
	[tilespmem:v24+s10+$0x0] =	vst.idx.msk $0xffff, v54  }
0x25b: {  	v44 =	vor.u32 $0x35, v19;
	v3 =	vor.u32 $0x2B, v22;
	v0 =	vld.idx.msk [tilespmem:v45+s2+$0x0], $0xffff;
	[tilespmem:v31+s10+$0x0] =	vst.idx.msk $0xffff, v17  }
0x25c: {  	v45 =	vor.u32 $0x36, v19;
	v31 =	vld.idx.msk [tilespmem:v42+s2+$0x0], $0xffff;
	[tilespmem:$0x1FF20] =	vst v3  }
0x25d: {  	v3 =	vor.u32 $0x2D, v22;
	[tilespmem:v32+s10+$0x0] =	vst.idx.msk $0xffff, v25  }
0x25e: {  	v32 =	vld.idx.msk [tilespmem:v41+s2+$0x0], $0xffff;
	[tilespmem:$0x1FF30] =	vst v3  }
0x25f: {  	v42 =	vor.u32 $0x37, v19;
	[tilespmem:v11+s10+$0x0] =	vst.idx.msk $0xffff, v34  }
0x260: {  	v33 =	vld.idx.msk [tilespmem:v21+s2+$0x0], $0xffff;
	[tilespmem:v44+s10+$0x0] =	vst.idx.msk $0xffff, v46  }
0x261: {  	v3 =	vor.u32 $0x33, v22;
	v40 =	vld.idx.msk [tilespmem:v40+s2+$0x0], $0xffff;
	[tilespmem:v45+s10+$0x0] =	vst.idx.msk $0xffff, v47  }
0x262: {  	v39 =	vld.idx.msk [tilespmem:v39+s2+$0x0], $0xffff;
	[tilespmem:$0x1FF40] =	vst v3;
	v3 =	vor.u32 $0x34, v22  }
0x263: {  	v41 =	vor.u32 $0x38, v19;
	[tilespmem:$0x1FF50] =	vst v3  }
0x264: {  	v3 =	vor.u32 $0x35, v22;
	[tilespmem:v42+s10+$0x0] =	vst.idx.msk $0xffff, v48  }
0x265: {  	v38 =	vld.idx.msk [tilespmem:v38+s2+$0x0], $0xffff;
	[tilespmem:$0x1FF60] =	vst v3;
	v3 =	vor.u32 $0x36, v22  }
0x266: {  	[tilespmem:$0x1FF70] =	vst v3;
	v3 =	vor.u32 $0x37, v22  }
0x267: {  	v56 =	vor.u32 $0x39, v19;
	[tilespmem:$0x1FF80] =	vst v3  }
0x268: {  	v3 =	vor.u32 $0x38, v22;
	[tilespmem:v41+s10+$0x0] =	vst.idx.msk $0xffff, v57  }
0x269: {  	v37 =	vld.idx.msk [tilespmem:v37+s2+$0x0], $0xffff;
	[tilespmem:$0x1FF90] =	vst v3;
	v3 =	vor.u32 $0x39, v22  }
0x26a: {  	v61 =	vor.u32 $0x29, v22;
	v63 =	vor.u32 $0x3A, v19;
	[tilespmem:$0x1FFA0] =	vst v3;
	v3 =	vor.u32 $0x3A, v22  }
0x26b: {  	v50 =	vor.u32 $0x20, v22;
	v51 =	vor.u32 $0x22, v22;
	v62 =	vor.u32 $0x2C, v22;
	[tilespmem:$0x1FFB0] =	vst v3  }
0x26c: {  	v52 =	vor.u32 $0x21, v22;
	v55 =	vor.u32 $0x23, v22;
	v3 =	vor.u32 $0x3B, v22;
	[tilespmem:v56+s10+$0x0] =	vst.idx.msk $0xffff, v60  }
0x26d: {  	v58 =	vor.u32 $0x26, v22;
	v45 =	vor.u32 $0x3B, v19;
	v41 =	vld.idx.msk [tilespmem:v35+s2+$0x0], $0xffff;
	[tilespmem:$0x1FFC0] =	vst v3;
	v3 =	vor.u32 $0x3C, v22  }
0x26e: {  	v53 =	vor.u32 $0x24, v22;
	v59 =	vor.u32 $0x25, v22;
	v54 =	vor.u32 $0x2A, v22;
	[tilespmem:$0x1FFD0] =	vst v3  }
0x26f: {  	v24 =	vor.u32 $0x2E, v22;
	v17 =	vor.u32 $0x31, v22;
	[tilespmem:v63+s10+$0x0] =	vst.idx.msk $0xffff, v1;
	v1 =	vor.u32 $0x3F, v22  }
0x270: {  	v25 =	vor.u32 $0x2F, v22;
	v21 =	vor.u32 $0x30, v22;
	v11 =	vor.u32 $0x32, v22;
	[tilespmem:$0x1FFE0] =	vst v1  }
0x271: {  	v44 =	vor.u32 $0x3E, v19;
	v56 =	vor.u32 $0x3D, v22;
	v35 =	vor.u32 $0x3C, v19;
	v42 =	vld.idx.msk [tilespmem:v36+s2+$0x0], $0xffff  }
0x272: {  	s14 =	simm.s32 $0x10070;
	s13 =	simm.s32 $0x4;
	v63 =	vor.u32 $0x3E, v22;
	[tilespmem:v45+s10+$0x0] =	vst.idx.msk $0xffff, v2;
	v36 =	vor.u32 $0x3D, v19;
	v19 =	vor.u32 $0x3F, v19;
	v22 =	vld.idx.msk [tilespmem:v49+s2+$0x0], $0xffff  }
.LBB2_2:
0x273: {  	v1 =	vld [tilespmem:$0x1FA70];
	_ =	sdelay $0x7  }
0x274: {  	v45 =	vld.idx.msk [tilespmem:v1+s2+$0x0], $0xffff  }
0x275: {  	v1 =	vld [tilespmem:$0x1FA80];
	_ =	sdelay $0x5  }
0x276: {  	v34 =	vld [tilespmem:s14+$0x0];
	[tilespmem:v35+s10+$0x0] =	vst.idx.msk $0xffff, v28  }
0x277: {  	[tilespmem:v36+s10+$0x0] =	vst.idx.msk $0xffff, v29  }
0x278: {  	[tilespmem:v44+s10+$0x0] =	vst.idx.msk $0xffff, v30;
	v44 =	vld.idx.msk [tilespmem:v1+s2+$0x0], $0xffff  }
0x279: {  	v1 =	vld [tilespmem:$0x1FA90];
	_ =	sdelay $0x7  }
0x27a: {  	[tilespmem:v19+s10+$0x0] =	vst.idx.msk $0xffff, v43;
	v43 =	vld.idx.msk [tilespmem:v1+s2+$0x0], $0xffff  }
0x27b: {  	v1 =	vld [tilespmem:$0x1F920];
	_ =	sdelay $0x7  }
0x27c: {  	v28 =	vld [tilespmem:s14+$0xFFFFFFF0];
	[tilespmem:v1+s10+$0x0] =	vst.idx.msk $0xffff, v26;
	v1 =	vmov v24  }
0x27d: {  	[tilespmem:$0x1F920] =	vst v1;
	v1 =	vld [tilespmem:$0x1FAA0];
	_ =	sdelay $0x7  }
0x27e: {  	v19 =	vshll.u32 v34, $0x6;
	v34 =	vld.idx.msk [tilespmem:v1+s2+$0x0], $0xffff  }
0x27f: {  	v1 =	vld [tilespmem:$0x1F930];
	_ =	sdelay $0x7  }
0x280: {  	[tilespmem:v1+s10+$0x0] =	vst.idx.msk $0xffff, v27;
	v1 =	vmov v25  }
0x281: {  	[tilespmem:$0x1F930] =	vst v1;
	v1 =	vld [tilespmem:$0x1FAC0];
	_ =	sdelay $0x7  }
0x282: {  	v27 =	vld.idx.msk [tilespmem:v1+s2+$0x0], $0xffff  }
0x283: {  	v1 =	vld [tilespmem:$0x1FD90];
	_ =	sdelay $0x7  }
0x284: {  	[tilespmem:v1+s10+$0x0] =	vst.idx.msk $0xffff, v0;
	v1 =	vld [tilespmem:$0x1FDA0];
	_ =	sdelay $0x7  }
0x285: {  	[tilespmem:v1+s10+$0x0] =	vst.idx.msk $0xffff, v31;
	v1 =	vld [tilespmem:$0x1F810];
	_ =	sdelay $0x2  }
0x286: {  	v2 =	vld [tilespmem:$0x1FC50];
	_ =	sdelay $0x4  }
0x287: {  	v47 =	vld.idx.msk [tilespmem:v1+s2+$0x0], $0xffff;
	v1 =	vmov v2  }
0x288: {  	[tilespmem:$0x1F810] =	vst v1;
	v1 =	vld [tilespmem:$0x1FDB0];
	_ =	sdelay $0x7  }
0x289: {  	[tilespmem:v1+s10+$0x0] =	vst.idx.msk $0xffff, v32;
	v1 =	vld [tilespmem:$0x1F820];
	_ =	sdelay $0x2  }
0x28a: {  	v2 =	vld [tilespmem:$0x1FC70];
	_ =	sdelay $0x4  }
0x28b: {  	v32 =	vld.idx.msk [tilespmem:v1+s2+$0x0], $0xffff;
	v1 =	vmov v2  }
0x28c: {  	[tilespmem:$0x1F820] =	vst v1;
	v1 =	vld [tilespmem:$0x1FDC0];
	_ =	sdelay $0x7  }
0x28d: {  	[tilespmem:v1+s10+$0x0] =	vst.idx.msk $0xffff, v33;
	v1 =	vld [tilespmem:$0x1F840];
	_ =	sdelay $0x3  }
0x28e: {  	v3 =	vld [tilespmem:$0x1FC80];
	_ =	sdelay $0x3  }
0x28f: {  	v33 =	vld.idx.msk [tilespmem:v1+s2+$0x0], $0xffff  }
0x290: {  	v1 =	vmov v3;
	v3 =	vld [tilespmem:$0x1FDD0];
	_ =	sdelay $0x1  }
0x291: {  	v0 =	vor.u32 $0x2, v19;
	_ =	sdelay $0x4  }
0x292: {  	[tilespmem:$0x1F530] =	vst v53;
	v53 =	vld.idx.msk [tilespmem:v0+s2+$0x0], $0xffff  }
0x293: {  	[tilespmem:v3+s10+$0x0] =	vst.idx.msk $0xffff, v40;
	v3 =	vld [tilespmem:$0x1FDE0]  }
0x294: {  	v0 =	vld [tilespmem:$0x1FDF0];
	_ =	sdelay $0x6  }
0x295: {  	[tilespmem:v3+s10+$0x0] =	vst.idx.msk $0xffff, v39  }
0x296: {  	[tilespmem:v0+s10+$0x0] =	vst.idx.msk $0xffff, v38;
	v0 =	vld [tilespmem:$0x1FE10]  }
0x297: {  	v57 =	vld [tilespmem:$0x1FE20]  }
0x298: {  	[tilespmem:$0x1F510] =	vst v55;
	v55 =	vld [tilespmem:$0x1FE30];
	_ =	sdelay $0x2  }
0x299: {  	v60 =	vor.u32 $0x6, v19;
	_ =	sdelay $0x2  }
0x29a: {  	[tilespmem:v0+s10+$0x0] =	vst.idx.msk $0xffff, v37  }
0x29b: {  	[tilespmem:v57+s10+$0x0] =	vst.idx.msk $0xffff, v41  }
0x29c: {  	[tilespmem:v55+s10+$0x0] =	vst.idx.msk $0xffff, v42;
	v42 =	vld.idx.msk [tilespmem:v60+s2+$0x0], $0xffff  }
0x29d: {  	v60 =	vld [tilespmem:$0x1FE40];
	_ =	sdelay $0x6  }
0x29e: {  	[tilespmem:$0x1F5A0] =	vst v61;
	v26 =	vshll.u32 v28, $0x6  }
0x29f: {  	[tilespmem:v60+s10+$0x0] =	vst.idx.msk $0xffff, v22;
	v22 =	vor.u32 $0x15, v26  }
0x2a0: {  	v39 =	vor.u32 $0x7, v19;
	[tilespmem:$0x1F680] =	vst v22;
	v22 =	vor.u32 $0x16, v26  }
0x2a1: {  	v61 =	vor.u32 $0x10, v26;
	[tilespmem:$0x1F690] =	vst v22;
	v22 =	vld [tilespmem:$0x1FE50]  }
0x2a2: {  	[tilespmem:$0x1F620] =	vst v61;
	v61 =	vld [tilespmem:$0x1FE60]  }
0x2a3: {  	[tilespmem:$0x1F5F0] =	vst v62  }
0x2a4: {  	[tilespmem:$0x1F5C0] =	vst v54;
	s12 =	sadd.s32 $0x20, s12;
	v54 =	vor.u32 $0x12, v26  }
0x2a5: {  	s15 =	sadd.s32 $0xFFFFFFF0, s12;
	v62 =	vor.u32 $0x11, v26;
	[tilespmem:$0x1F640] =	vst v54;
	v54 =	vld.idx.msk [tilespmem:v39+s2+$0x0], $0xffff  }
0x2a6: {  	[tilespmem:$0x1F630] =	vst v62;
	v62 =	vmov s15;
	v60 =	vld [tilespmem:$0x1FE80]  }
0x2a7: {  	v39 =	vshll.u32 v62, $0x6;
	v62 =	vld [tilespmem:$0x1FE90]  }
0x2a8: {  	v57 =	vld [tilespmem:$0x1FEB0]  }
0x2a9: {  	[tilespmem:v22+s10+$0x0] =	vst.idx.msk $0xffff, v45  }
0x2aa: {  	[tilespmem:v61+s10+$0x0] =	vst.idx.msk $0xffff, v44;
	v61 =	vld [tilespmem:$0x1FFF0];
	_ =	sdelay $0x3  }
0x2ab: {  	[tilespmem:v60+s10+$0x0] =	vst.idx.msk $0xffff, v43  }
0x2ac: {  	[tilespmem:v62+s10+$0x0] =	vst.idx.msk $0xffff, v34;
	v39 =	vor.u32 v61, v39  }
0x2ad: {  	[tilespmem:v57+s10+$0x0] =	vst.idx.msk $0xffff, v27;
	v27 =	vor.u32 $0x1, v39  }
0x2ae: {  	[tilespmem:$0x1F370] =	vst v27;
	v27 =	vor.u32 $0x2, v39  }
0x2af: {  	[tilespmem:$0x1F390] =	vst v27;
	v27 =	vld [tilespmem:$0x1F6E0]  }
0x2b0: {  	[tilespmem:$0x1F560] =	vst v58  }
0x2b1: {  	[tilespmem:$0x1F4E0] =	vst v52;
	v58 =	vor.u32 $0x13, v26  }
0x2b2: {  	v52 =	vor.u32 $0xB, v19;
	[tilespmem:$0x1F650] =	vst v58;
	v58 =	vld [tilespmem:$0x1F780]  }
0x2b3: {  	[tilespmem:$0x1F3B0] =	vst v56;
	v48 =	vor.u32 $0x3, v19  }
0x2b4: {  	[tilespmem:$0x1F4D0] =	vst v50;
	v49 =	vor.u32 $0x4, v19  }
0x2b5: {  	[tilespmem:$0x1F500] =	vst v51;
	v56 =	vor.u32 $0x18, v26  }
0x2b6: {  	v51 =	vor.u32 $0x5, v19;
	v50 =	vld.idx.msk [tilespmem:v19+s2+$0x0], $0xffff;
	[tilespmem:$0x1F6B0] =	vst v56  }
0x2b7: {  	v56 =	vld.idx.msk [tilespmem:v52+s2+$0x0], $0xffff;
	[tilespmem:v27+s10+$0x0] =	vst.idx.msk $0xffff, v58;
	v27 =	vmov v47  }
0x2b8: {  	v38 =	vld.idx.msk [tilespmem:v48+s2+$0x0], $0xffff;
	v48 =	vor.u32 $0x8, v19;
	[tilespmem:$0x1F780] =	vst v27;
	v27 =	vor.u32 $0x3, v39  }
0x2b9: {  	v24 =	vor.u32 $0x1, v19;
	v37 =	vld.idx.msk [tilespmem:v49+s2+$0x0], $0xffff;
	[tilespmem:$0x1F3C0] =	vst v27;
	v27 =	vor.u32 $0x4, v39  }
0x2ba: {  	v49 =	vor.u32 $0x9, v19;
	[tilespmem:$0x1F3E0] =	vst v27;
	v27 =	vld [tilespmem:$0x1F6F0]  }
0x2bb: {  	[tilespmem:$0x1F550] =	vst v59;
	v59 =	vor.u32 $0x14, v26;
	v41 =	vld.idx.msk [tilespmem:v51+s2+$0x0], $0xffff;
	v51 =	vor.u32 $0xA, v19  }
0x2bc: {  	[tilespmem:$0x1F660] =	vst v59;
	v59 =	vld [tilespmem:$0x1F7A0];
	v55 =	vor.u32 $0xC, v19  }
0x2bd: {  	v22 =	vor.u32 $0x17, v26;
	v45 =	vld.idx.msk [tilespmem:v48+s2+$0x0], $0xffff;
	v48 =	vor.u32 $0xD, v19  }
0x2be: {  	v40 =	vld.idx.msk [tilespmem:v24+s2+$0x0], $0xffff;
	[tilespmem:$0x1F6A0] =	vst v22;
	v22 =	vmov s12  }
0x2bf: {  	v44 =	vld.idx.msk [tilespmem:v49+s2+$0x0], $0xffff;
	v49 =	vor.u32 $0xE, v19;
	v22 =	vshll.u32 v22, $0x6  }
0x2c0: {  	v43 =	vld.idx.msk [tilespmem:v51+s2+$0x0], $0xffff;
	v51 =	vor.u32 $0xF, v19;
	v22 =	vor.u32 v61, v22  }
0x2c1: {  	[tilespmem:$0x1F840] =	vst v1;
	v57 =	vld.idx.msk [tilespmem:v55+s2+$0x0], $0xffff  }
0x2c2: {  	v61 =	vor.u32 $0x8, v39;
	v47 =	vld.idx.msk [tilespmem:v48+s2+$0x0], $0xffff;
	[tilespmem:v27+s10+$0x0] =	vst.idx.msk $0xffff, v59  }
0x2c3: {  	v52 =	vor.u32 $0x1, v22;
	v27 =	vmov v32;
	[tilespmem:$0x1F440] =	vst v61  }
0x2c4: {  	[tilespmem:$0x1F7A0] =	vst v27;
	v32 =	vld.idx.msk [tilespmem:v49+s2+$0x0], $0xffff  }
0x2c5: {  	v60 =	vmov v33;
	v27 =	vor.u32 $0x5, v39;
	v33 =	vld.idx.msk [tilespmem:v51+s2+$0x0], $0xffff;
	[tilespmem:v22+s10+$0x0] =	vst.idx.msk $0xffff, v50  }
0x2c6: {  	v55 =	vor.u32 $0x2, v22;
	v51 =	vor.u32 $0x9, v39;
	[tilespmem:$0x1F400] =	vst v27  }
0x2c7: {  	[tilespmem:$0x1F450] =	vst v51  }
0x2c8: {  	v48 =	vor.u32 $0x3, v22;
	v34 =	vld [tilespmem:$0x1F700];
	v27 =	vor.u32 $0x6, v39;
	[tilespmem:v52+s10+$0x0] =	vst.idx.msk $0xffff, v40  }
0x2c9: {  	v49 =	vor.u32 $0x4, v22;
	[tilespmem:$0x1F420] =	vst v27  }
0x2ca: {  	v50 =	vor.u32 $0x5, v22;
	v27 =	vld [tilespmem:$0x1F7C0];
	[tilespmem:$0x1F7C0] =	vst v60  }
0x2cb: {  	v62 =	vld [tilespmem:$0x1F940];
	v60 =	vor.u32 $0x7, v39;
	[tilespmem:v55+s10+$0x0] =	vst.idx.msk $0xffff, v53  }
0x2cc: {  	v35 =	vor.u32 $0x2, v26;
	[tilespmem:$0x1F430] =	vst v60  }
0x2cd: {  	v2 =	vor.u32 $0x6, v26;
	[tilespmem:v48+s10+$0x0] =	vst.idx.msk $0xffff, v38  }
0x2ce: {  	v46 =	vor.u32 $0x1, v26;
	[tilespmem:v49+s10+$0x0] =	vst.idx.msk $0xffff, v37  }
0x2cf: {  	v1 =	vor.u32 $0x8, v26;
	[tilespmem:v50+s10+$0x0] =	vst.idx.msk $0xffff, v41  }
0x2d0: {  	[tilespmem:v34+s10+$0x0] =	vst.idx.msk $0xffff, v27;
	v27 =	vmov v62;
	v62 =	vld [tilespmem:$0x1F950]  }
0x2d1: {  	v61 =	vmov v21;
	[tilespmem:$0x1F6E0] =	vst v27;
	v21 =	vld.idx.msk [tilespmem:v35+s2+$0x0], $0xffff;
	v35 =	vor.u32 $0xD, v39  }
0x2d2: {  	v37 =	vld.idx.msk [tilespmem:v2+s2+$0x0], $0xffff;
	v2 =	vor.u32 $0x1C, v26;
	[tilespmem:$0x1F490] =	vst v35  }
0x2d3: {  	v27 =	vld.idx.msk [tilespmem:v46+s2+$0x0], $0xffff;
	[tilespmem:$0x1FA80] =	vst v2;
	v2 =	vor.u32 $0x1D, v26  }
0x2d4: {  	v35 =	vld.idx.msk [tilespmem:v1+s2+$0x0], $0xffff;
	v1 =	vor.u32 $0x10, v39;
	[tilespmem:$0x1FA90] =	vst v2  }
0x2d5: {  	[tilespmem:$0x1FD90] =	vst v1;
	v1 =	vor.u32 $0x11, v39  }
0x2d6: {  	v36 =	vor.u32 $0x3, v26;
	[tilespmem:$0x1FDA0] =	vst v1;
	v1 =	vor.u32 $0x12, v39  }
0x2d7: {  	[tilespmem:$0x1FDB0] =	vst v1  }
0x2d8: {  	v1 =	vor.u32 $0x13, v39;
	[tilespmem:$0x1F380] =	vst v27  }
0x2d9: {  	v27 =	vmov v62;
	[tilespmem:$0x1FDC0] =	vst v1  }
0x2da: {  	v28 =	vor.u32 $0x4, v26;
	v1 =	vor.u32 $0x14, v39;
	[tilespmem:$0x1F6F0] =	vst v27  }
0x2db: {  	v27 =	vld.idx.msk [tilespmem:v36+s2+$0x0], $0xffff;
	[tilespmem:$0x1FDD0] =	vst v1;
	v1 =	vor.u32 $0x15, v39  }
0x2dc: {  	[tilespmem:$0x1FDE0] =	vst v1;
	v1 =	vor.u32 $0x16, v39  }
0x2dd: {  	[tilespmem:$0x1FDF0] =	vst v1;
	v1 =	vor.u32 $0x17, v39  }
0x2de: {  	v29 =	vor.u32 $0x9, v26;
	[tilespmem:$0x1FE10] =	vst v1;
	v1 =	vor.u32 $0x18, v39  }
0x2df: {  	v24 =	vor.u32 $0xB, v26;
	v52 =	vmov v17;
	v17 =	vld.idx.msk [tilespmem:v28+s2+$0x0], $0xffff;
	[tilespmem:$0x1FE20] =	vst v1  }
0x2e0: {  	v28 =	vld [tilespmem:$0x1F960];
	v1 =	vor.u32 $0x19, v39;
	[tilespmem:$0x1F3D0] =	vst v27  }
0x2e1: {  	v31 =	vor.u32 $0x5, v26;
	[tilespmem:$0x1FE30] =	vst v1;
	v1 =	vor.u32 $0x1A, v39  }
0x2e2: {  	v8 =	vor.u32 $0xC, v26;
	[tilespmem:$0x1FE40] =	vst v1;
	v1 =	vor.u32 $0x1B, v39  }
0x2e3: {  	v34 =	vld.idx.msk [tilespmem:v29+s2+$0x0], $0xffff;
	[tilespmem:$0x1FE50] =	vst v1;
	v1 =	vor.u32 $0x1C, v39  }
0x2e4: {  	v7 =	vor.u32 $0xD, v26;
	v60 =	vor.u32 $0x6, v22;
	v38 =	vld.idx.msk [tilespmem:v24+s2+$0x0], $0xffff;
	[tilespmem:$0x1FE60] =	vst v1;
	v1 =	vor.u32 $0x1D, v39  }
0x2e5: {  	v0 =	vor.u32 $0xF, v26;
	v27 =	vmov v28;
	[tilespmem:$0x1FE80] =	vst v1;
	v1 =	vld [tilespmem:$0x1F710]  }
0x2e6: {  	v30 =	vor.u32 $0x7, v26;
	v2 =	vor.u32 $0x1E, v26;
	[tilespmem:$0x1F700] =	vst v27;
	v27 =	vld.idx.msk [tilespmem:v31+s2+$0x0], $0xffff  }
0x2e7: {  	v25 =	vor.u32 $0xA, v26;
	v40 =	vld.idx.msk [tilespmem:v8+s2+$0x0], $0xffff;
	[tilespmem:$0x1FAA0] =	vst v2;
	v2 =	vor.u32 $0x1F, v26  }
0x2e8: {  	v3 =	vor.u32 $0xE, v26;
	[tilespmem:$0x1FAC0] =	vst v2;
	v2 =	vld [tilespmem:$0x1F970]  }
0x2e9: {  	[tilespmem:v60+s10+$0x0] =	vst.idx.msk $0xffff, v42;
	v41 =	vld.idx.msk [tilespmem:v7+s2+$0x0], $0xffff;
	v28 =	vor.u32 $0x1B, v26  }
0x2ea: {  	v0 =	vld.idx.msk [tilespmem:v0+s2+$0x0], $0xffff;
	[tilespmem:$0x1FA70] =	vst v28  }
0x2eb: {  	v36 =	vld.idx.msk [tilespmem:v30+s2+$0x0], $0xffff;
	[tilespmem:$0x1F410] =	vst v27;
	v27 =	vmov v11  }
0x2ec: {  	v28 =	vld.idx.msk [tilespmem:v25+s2+$0x0], $0xffff;
	[tilespmem:$0x1F960] =	vst v27  }
0x2ed: {  	v27 =	vld.idx.msk [tilespmem:v3+s2+$0x0], $0xffff;
	[tilespmem:v1+s10+$0x0] =	vst.idx.msk $0xffff, v4;
	v1 =	vmov v2  }
0x2ee: {  	[tilespmem:$0x1F710] =	vst v1;
	v1 =	vld [tilespmem:$0x1F720]  }
0x2ef: {  	[tilespmem:$0x1F3A0] =	vst v21  }
0x2f0: {  	[tilespmem:$0x1F3F0] =	vst v17  }
0x2f1: {  	v21 =	vor.u32 $0xB, v39;
	[tilespmem:$0x1F4C0] =	vst v0;
	v2 =	vld [tilespmem:$0x1FF40]  }
0x2f2: {  	v17 =	vor.u32 $0xF, v39;
	[tilespmem:$0x1F470] =	vst v21  }
0x2f3: {  	v21 =	vor.u32 $0xC, v39;
	[tilespmem:$0x1F4B0] =	vst v17  }
0x2f4: {  	v17 =	vor.u32 $0x19, v26;
	[tilespmem:$0x1F480] =	vst v21  }
0x2f5: {  	v21 =	vor.u32 $0x7, v22;
	[tilespmem:$0x1F6C0] =	vst v17  }
0x2f6: {  	v51 =	vor.u32 $0x8, v22;
	[tilespmem:v1+s10+$0x0] =	vst.idx.msk $0xffff, v5;
	v1 =	vmov v2  }
0x2f7: {  	v0 =	vor.u32 $0x1E, v39;
	v17 =	vor.u32 $0x9, v22;
	[tilespmem:$0x1F970] =	vst v1;
	v1 =	vld [tilespmem:$0x1F730]  }
0x2f8: {  	[tilespmem:$0x1FE90] =	vst v0;
	v0 =	vor.u32 $0x1F, v39;
	v31 =	vor.u32 $0xA, v22  }
0x2f9: {  	[tilespmem:$0x1FEB0] =	vst v0;
	v11 =	vor.u32 $0xB, v22  }
0x2fa: {  	[tilespmem:v21+s10+$0x0] =	vst.idx.msk $0xffff, v54;
	v2 =	vld [tilespmem:$0x1F990]  }
0x2fb: {  	[tilespmem:v51+s10+$0x0] =	vst.idx.msk $0xffff, v45  }
0x2fc: {  	v21 =	vor.u32 $0xC, v22;
	[tilespmem:v17+s10+$0x0] =	vst.idx.msk $0xffff, v44  }
0x2fd: {  	v30 =	vor.u32 $0xD, v22;
	[tilespmem:v31+s10+$0x0] =	vst.idx.msk $0xffff, v43  }
0x2fe: {  	v17 =	vor.u32 $0xE, v22;
	[tilespmem:v11+s10+$0x0] =	vst.idx.msk $0xffff, v56  }
0x2ff: {  	v25 =	vor.u32 $0xF, v22;
	[tilespmem:v1+s10+$0x0] =	vst.idx.msk $0xffff, v6;
	v1 =	vmov v2  }
0x300: {  	v0 =	vor.u32 $0x14, v19;
	[tilespmem:$0x1F720] =	vst v1;
	v1 =	vld [tilespmem:$0x1F740]  }
0x301: {  	[tilespmem:v21+s10+$0x0] =	vst.idx.msk $0xffff, v57  }
0x302: {  	[tilespmem:v30+s10+$0x0] =	vst.idx.msk $0xffff, v47  }
0x303: {  	[tilespmem:v17+s10+$0x0] =	vst.idx.msk $0xffff, v32;
	v2 =	vld [tilespmem:$0x1FF50]  }
0x304: {  	[tilespmem:v25+s10+$0x0] =	vst.idx.msk $0xffff, v33  }
0x305: {  	v58 =	vld.idx.msk [tilespmem:v0+s2+$0x0], $0xffff  }
0x306: {  	v0 =	vld [tilespmem:$0x1F750];
	_ =	sdelay $0x1  }
0x307: {  	[tilespmem:v1+s10+$0x0] =	vst.idx.msk $0xffff, v9;
	v1 =	vmov v2  }
0x308: {  	[tilespmem:$0x1F990] =	vst v1;
	v1 =	vld [tilespmem:$0x1F9B0];
	_ =	sdelay $0x4  }
0x309: {  	[tilespmem:v0+s10+$0x0] =	vst.idx.msk $0xffff, v10;
	v0 =	vmov v1  }
0x30a: {  	[tilespmem:$0x1F730] =	vst v0;
	v0 =	vld [tilespmem:$0x1F760];
	_ =	sdelay $0x2  }
0x30b: {  	v1 =	vld [tilespmem:$0x1FF60];
	_ =	sdelay $0x4  }
0x30c: {  	[tilespmem:v0+s10+$0x0] =	vst.idx.msk $0xffff, v12;
	v0 =	vmov v1;
	v1 =	vld [tilespmem:$0x1F770];
	_ =	sdelay $0x2  }
0x30d: {  	v2 =	vld [tilespmem:$0x1F9C0];
	_ =	sdelay $0x4  }
0x30e: {  	[tilespmem:v1+s10+$0x0] =	vst.idx.msk $0xffff, v23;
	v1 =	vmov v2  }
0x30f: {  	[tilespmem:$0x1F740] =	vst v1;
	v1 =	vld [tilespmem:$0x1F790];
	_ =	sdelay $0x2  }
0x310: {  	v2 =	vld [tilespmem:$0x1FF70];
	_ =	sdelay $0x4  }
0x311: {  	[tilespmem:v1+s10+$0x0] =	vst.idx.msk $0xffff, v14;
	v1 =	vmov v2;
	v2 =	vld [tilespmem:$0x1F7B0];
	_ =	sdelay $0x2  }
0x312: {  	v12 =	vld [tilespmem:$0x1F9D0];
	_ =	sdelay $0x4  }
0x313: {  	[tilespmem:v2+s10+$0x0] =	vst.idx.msk $0xffff, v15;
	v2 =	vmov v12;
	v12 =	vld [tilespmem:$0x1F7D0];
	_ =	sdelay $0x2  }
0x314: {  	v14 =	vld [tilespmem:$0x1FF80];
	_ =	sdelay $0x3  }
0x315: {  	v11 =	vor.u32 $0x10, v19  }
0x316: {  	v8 =	vor.u32 $0x11, v19;
	[tilespmem:v12+s10+$0x0] =	vst.idx.msk $0xffff, v16;
	v12 =	vmov v14;
	v14 =	vld [tilespmem:$0x1F7E0]  }
0x317: {  	v7 =	vor.u32 $0x12, v19  }
0x318: {  	v3 =	vor.u32 $0x13, v19  }
0x319: {  	v24 =	vor.u32 $0x15, v19;
	v15 =	vld [tilespmem:$0x1F9E0]  }
0x31a: {  	v25 =	vld.idx.msk [tilespmem:v11+s2+$0x0], $0xffff;
	v9 =	vor.u32 $0x1A, v19  }
0x31b: {  	v8 =	vld.idx.msk [tilespmem:v8+s2+$0x0], $0xffff  }
0x31c: {  	v59 =	vor.u32 $0xA, v39;
	v4 =	vor.u32 $0x16, v19;
	v42 =	vld.idx.msk [tilespmem:v7+s2+$0x0], $0xffff  }
0x31d: {  	[tilespmem:$0x1F460] =	vst v59;
	v7 =	vor.u32 $0x17, v19;
	v57 =	vld.idx.msk [tilespmem:v3+s2+$0x0], $0xffff  }
0x31e: {  	v59 =	vld.idx.msk [tilespmem:v24+s2+$0x0], $0xffff;
	[tilespmem:v14+s10+$0x0] =	vst.idx.msk $0xffff, v18;
	v14 =	vmov v15  }
0x31f: {  	v24 =	vld.idx.msk [tilespmem:v9+s2+$0x0], $0xffff;
	v9 =	vor.u32 $0x1F, v19;
	[tilespmem:$0x1F760] =	vst v14;
	v14 =	vor.u32 $0x26, v39  }
0x320: {  	[tilespmem:$0x1F570] =	vst v14;
	v14 =	vld [tilespmem:$0x1F7F0]  }
0x321: {  	[tilespmem:$0x1F950] =	vst v52;
	v3 =	vor.u32 $0x18, v19;
	v60 =	vld.idx.msk [tilespmem:v4+s2+$0x0], $0xffff  }
0x322: {  	v50 =	vld.idx.msk [tilespmem:v7+s2+$0x0], $0xffff;
	v6 =	vor.u32 $0x19, v19;
	[tilespmem:$0x1F9C0] =	vst v1;
	v1 =	vor.u32 $0x21, v39  }
0x323: {  	[tilespmem:$0x1F4F0] =	vst v1;
	v15 =	vld [tilespmem:$0x1FF90]  }
0x324: {  	v10 =	vor.u32 $0x1B, v19;
	v52 =	vld.idx.msk [tilespmem:v9+s2+$0x0], $0xffff;
	[tilespmem:$0x1F750] =	vst v2;
	v2 =	vor.u32 $0x23, v39  }
0x325: {  	v9 =	vld [tilespmem:$0x1FFC0];
	[tilespmem:$0x1F520] =	vst v2  }
0x326: {  	v7 =	vor.u32 $0x1C, v19;
	v1 =	vld.idx.msk [tilespmem:v3+s2+$0x0], $0xffff;
	[tilespmem:$0x1F9D0] =	vst v12;
	v12 =	vor.u32 $0x24, v39  }
0x327: {  	v3 =	vor.u32 $0x1D, v19;
	v2 =	vld.idx.msk [tilespmem:v6+s2+$0x0], $0xffff;
	[tilespmem:$0x1F540] =	vst v12  }
0x328: {  	v6 =	vor.u32 $0x1E, v19;
	v12 =	vor.u32 $0x10, v22;
	[tilespmem:v14+s10+$0x0] =	vst.idx.msk $0xffff, v20;
	v14 =	vmov v15;
	v15 =	vld [tilespmem:$0x1F800]  }
0x329: {  	v23 =	vld.idx.msk [tilespmem:v10+s2+$0x0], $0xffff;
	v10 =	vor.u32 $0x11, v22  }
0x32a: {  	v16 =	vld [tilespmem:$0x1FFA0]  }
0x32b: {  	v46 =	vor.u32 $0xE, v39;
	v7 =	vld.idx.msk [tilespmem:v7+s2+$0x0], $0xffff  }
0x32c: {  	[tilespmem:$0x1F4A0] =	vst v46;
	v3 =	vld.idx.msk [tilespmem:v3+s2+$0x0], $0xffff  }
0x32d: {  	v51 =	vld.idx.msk [tilespmem:v6+s2+$0x0], $0xffff;
	[tilespmem:v12+s10+$0x0] =	vst.idx.msk $0xffff, v25  }
0x32e: {  	v12 =	vmov v9;
	v9 =	vor.u32 $0x30, v26;
	[tilespmem:v10+s10+$0x0] =	vst.idx.msk $0xffff, v8;
	v8 =	vld [tilespmem:$0x1FA30]  }
0x32f: {  	[tilespmem:$0x1FC50] =	vst v9;
	v20 =	vmov v16;
	v16 =	vld [tilespmem:$0x1FA10]  }
0x330: {  	[tilespmem:v15+s10+$0x0] =	vst.idx.msk $0xffff, v13;
	v15 =	vld [tilespmem:$0x1F9F0]  }
0x331: {  	[tilespmem:$0x1F9E0] =	vst v14;
	v14 =	vor.u32 $0x27, v39  }
0x332: {  	[tilespmem:$0x1F580] =	vst v14;
	v14 =	vor.u32 $0x28, v39  }
0x333: {  	v6 =	vmov v8;
	[tilespmem:$0x1F590] =	vst v14;
	v14 =	vor.u32 $0x12, v22  }
0x334: {  	[tilespmem:$0x1F7D0] =	vst v6;
	v6 =	vor.u32 $0x31, v26  }
0x335: {  	[tilespmem:$0x1FC70] =	vst v6;
	v6 =	vor.u32 $0x32, v26;
	v13 =	vmov v15;
	v15 =	vmov v16;
	v16 =	vld [tilespmem:$0x1FFB0]  }
0x336: {  	[tilespmem:$0x1FC80] =	vst v6  }
0x337: {  	[tilespmem:$0x1F9F0] =	vst v20  }
0x338: {  	[tilespmem:v14+s10+$0x0] =	vst.idx.msk $0xffff, v42  }
0x339: {  	v6 =	vld [tilespmem:$0x1FAD0];
	[tilespmem:$0x1F770] =	vst v13  }
0x33a: {  	v13 =	vor.u32 $0x29, v39;
	[tilespmem:$0x1F790] =	vst v15;
	v18 =	vmov v16;
	v16 =	vld [tilespmem:$0x1FA20]  }
0x33b: {  	v9 =	vld [tilespmem:$0x1FAF0];
	v15 =	vor.u32 $0x2B, v39;
	[tilespmem:$0x1F5B0] =	vst v13  }
0x33c: {  	v13 =	vor.u32 $0x2A, v39;
	[tilespmem:$0x1F5E0] =	vst v15  }
0x33d: {  	v15 =	vor.u32 $0x2C, v39;
	[tilespmem:$0x1F5D0] =	vst v13;
	v13 =	vor.u32 $0x13, v22  }
0x33e: {  	[tilespmem:$0x1F600] =	vst v15;
	v15 =	vor.u32 $0x14, v22  }
0x33f: {  	[tilespmem:$0x1FA10] =	vst v18;
	v18 =	vor.u32 $0x2E, v39;
	v55 =	vmov v16;
	v16 =	vor.u32 $0x15, v22  }
0x340: {  	v20 =	vor.u32 $0x2D, v39;
	[tilespmem:$0x1F670] =	vst v18;
	v18 =	vor.u32 $0x16, v22  }
0x341: {  	[tilespmem:$0x1F610] =	vst v20;
	v20 =	vor.u32 $0x17, v22  }
0x342: {  	v46 =	vor.u32 $0x21, v26;
	v43 =	vor.u32 $0x20, v26;
	v8 =	vor.u32 $0x18, v22;
	v42 =	vld.idx.msk [tilespmem:v6+s2+$0x0], $0xffff;
	[tilespmem:v13+s10+$0x0] =	vst.idx.msk $0xffff, v57  }
0x343: {  	v6 =	vmov v43;
	v43 =	vld.idx.msk [tilespmem:v9+s2+$0x0], $0xffff;
	v9 =	vmov v46;
	v46 =	vor.u32 $0x19, v22;
	[tilespmem:v15+s10+$0x0] =	vst.idx.msk $0xffff, v58  }
0x344: {  	v54 =	vor.u32 $0x1A, v22;
	[tilespmem:v16+s10+$0x0] =	vst.idx.msk $0xffff, v59  }
0x345: {  	[tilespmem:v18+s10+$0x0] =	vst.idx.msk $0xffff, v60  }
0x346: {  	[tilespmem:v20+s10+$0x0] =	vst.idx.msk $0xffff, v50  }
0x347: {  	[tilespmem:v8+s10+$0x0] =	vst.idx.msk $0xffff, v1  }
0x348: {  	[tilespmem:v46+s10+$0x0] =	vst.idx.msk $0xffff, v2  }
0x349: {  	[tilespmem:v54+s10+$0x0] =	vst.idx.msk $0xffff, v24;
	v24 =	vld [tilespmem:$0x1FB90];
	_ =	sdelay $0x6  }
0x34a: {  	[tilespmem:$0x1F940] =	vst v61;
	v61 =	vor.u32 $0x28, v26  }
0x34b: {  	v46 =	vld.idx.msk [tilespmem:v24+s2+$0x0], $0xffff;
	v24 =	vmov v61  }
0x34c: {  	[tilespmem:$0x1FB90] =	vst v24;
	v24 =	vor.u32 $0x33, v39  }
0x34d: {  	[tilespmem:$0x1FF40] =	vst v24;
	v24 =	vor.u32 $0x34, v39  }
0x34e: {  	[tilespmem:$0x1FF50] =	vst v24;
	v24 =	vld [tilespmem:$0x1FBB0];
	_ =	sdelay $0x1  }
0x34f: {  	[tilespmem:$0x1F7B0] =	vst v55;
	v55 =	vor.u32 $0x1B, v22  }
0x350: {  	v56 =	vor.u32 $0x1C, v22;
	_ =	sdelay $0x3  }
0x351: {  	v47 =	vor.u32 $0x29, v26;
	v1 =	vor.u32 $0x1D, v22;
	[tilespmem:v55+s10+$0x0] =	vst.idx.msk $0xffff, v23  }
0x352: {  	[tilespmem:v56+s10+$0x0] =	vst.idx.msk $0xffff, v7;
	v61 =	vld.idx.msk [tilespmem:v24+s2+$0x0], $0xffff;
	v24 =	vmov v47  }
0x353: {  	[tilespmem:$0x1FBB0] =	vst v24;
	v24 =	vor.u32 $0x35, v39  }
0x354: {  	[tilespmem:$0x1FF60] =	vst v24;
	v24 =	vor.u32 $0x36, v39  }
0x355: {  	[tilespmem:$0x1FF70] =	vst v24;
	v24 =	vld [tilespmem:$0x1FBC0]  }
0x356: {  	[tilespmem:v1+s10+$0x0] =	vst.idx.msk $0xffff, v3;
	v3 =	vld [tilespmem:$0x1FBE0];
	_ =	sdelay $0x5  }
0x357: {  	v8 =	vld [tilespmem:$0x1FB60]  }
0x358: {  	v48 =	vor.u32 $0x2B, v26;
	v62 =	vor.u32 $0x2A, v26;
	v47 =	vld.idx.msk [tilespmem:v24+s2+$0x0], $0xffff  }
0x359: {  	v24 =	vmov v62;
	v62 =	vld.idx.msk [tilespmem:v3+s2+$0x0], $0xffff;
	v3 =	vmov v48  }
0x35a: {  	[tilespmem:$0x1FBE0] =	vst v3;
	v3 =	vor.u32 $0x39, v39  }
0x35b: {  	v14 =	vld [tilespmem:$0x1FB20];
	[tilespmem:$0x1FFA0] =	vst v3;
	v3 =	vor.u32 $0x3A, v39  }
0x35c: {  	v53 =	vor.u32 $0x1A, v26;
	[tilespmem:$0x1FFB0] =	vst v3;
	v3 =	vld [tilespmem:$0x1FBF0]  }
0x35d: {  	[tilespmem:$0x1F6D0] =	vst v53;
	v53 =	vld.idx.msk [tilespmem:v26+s2+$0x0], $0xffff  }
0x35e: {  	[tilespmem:$0x1FA20] =	vst v12;
	v12 =	vld [tilespmem:$0x1FB00]  }
0x35f: {  	v16 =	vld [tilespmem:$0x1FB30]  }
0x360: {  	v17 =	vor.u32 $0x26, v26;
	v56 =	vld [tilespmem:$0x1FFD0]  }
0x361: {  	[tilespmem:$0x1F9B0] =	vst v0;
	v60 =	vld.idx.msk [tilespmem:v8+s2+$0x0], $0xffff;
	v8 =	vmov v17  }
0x362: {  	v20 =	vld [tilespmem:$0x1FB50];
	[tilespmem:$0x1FB60] =	vst v8  }
0x363: {  	v5 =	vmovc v63;
	v63 =	vor.u32 $0x2D, v26;
	v0 =	vor.u32 $0x2C, v26;
	v8 =	vld [tilespmem:$0x1FB80];
	[tilespmem:$0x1FBC0] =	vst v24;
	v24 =	vor.u32 $0x37, v39  }
0x364: {  	v48 =	vld.idx.msk [tilespmem:v3+s2+$0x0], $0xffff;
	v3 =	vmov v0;
	v0 =	vor.u32 $0x3B, v39  }
0x365: {  	[tilespmem:$0x1FFC0] =	vst v0;
	v0 =	vld [tilespmem:$0x1FC10]  }
0x366: {  	[tilespmem:$0x1FF80] =	vst v24;
	v24 =	vmov v63;
	v63 =	vmov v56;
	v56 =	vld [tilespmem:$0x1F370]  }
0x367: {  	v58 =	vld.idx.msk [tilespmem:v14+s2+$0x0], $0xffff  }
0x368: {  	v57 =	vld.idx.msk [tilespmem:v12+s2+$0x0], $0xffff  }
0x369: {  	v44 =	vor.u32 $0x23, v26;
	[tilespmem:$0x1FA30] =	vst v63;
	v63 =	vld [tilespmem:$0x1F380]  }
0x36a: {  	v14 =	vmov v44;
	v44 =	vld.idx.msk [tilespmem:v16+s2+$0x0], $0xffff  }
0x36b: {  	v45 =	vor.u32 $0x22, v26;
	v59 =	vld.idx.msk [tilespmem:v20+s2+$0x0], $0xffff  }
0x36c: {  	v12 =	vmov v45;
	v45 =	vld.idx.msk [tilespmem:v8+s2+$0x0], $0xffff  }
0x36d: {  	v0 =	vld.idx.msk [tilespmem:v0+s2+$0x0], $0xffff;
	[tilespmem:v39+s10+$0x0] =	vst.idx.msk $0xffff, v53  }
0x36e: {  	[tilespmem:v56+s10+$0x0] =	vst.idx.msk $0xffff, v63;
	v63 =	vld [tilespmem:$0x1FA40];
	_ =	sdelay $0x4  }
0x36f: {  	[tilespmem:$0x1FBF0] =	vst v3;
	v3 =	vmov v63  }
0x370: {  	v54 =	vor.u32 $0x3C, v39;
	[tilespmem:$0x1F7E0] =	vst v3;
	v3 =	vld [tilespmem:$0x1F390]  }
0x371: {  	v56 =	vmov v54  }
0x372: {  	[tilespmem:$0x1FFD0] =	vst v56;
	v56 =	vld [tilespmem:$0x1F3A0]  }
0x373: {  	v63 =	vld [tilespmem:$0x1F3B0];
	_ =	sdelay $0x4  }
0x374: {  	[tilespmem:v3+s10+$0x0] =	vst.idx.msk $0xffff, v56;
	v56 =	vmov v63;
	v63 =	vld [tilespmem:$0x1FA50];
	_ =	sdelay $0x4  }
0x375: {  	[tilespmem:$0x1FC10] =	vst v24;
	v24 =	vmov v63  }
0x376: {  	v49 =	vor.u32 $0x33, v26;
	[tilespmem:$0x1F7F0] =	vst v24;
	v24 =	vld [tilespmem:$0x1F3C0]  }
0x377: {  	v29 =	vor.u32 $0x24, v26;
	v21 =	vor.u32 $0x25, v26;
	v30 =	vor.u32 $0x2F, v26;
	[tilespmem:$0x1FAD0] =	vst v6  }
0x378: {  	v11 =	vor.u32 $0x27, v26;
	v4 =	vor.u32 $0x2E, v26;
	v10 =	vor.u32 $0x36, v26;
	[tilespmem:$0x1FAF0] =	vst v9  }
0x379: {  	v6 =	vor.u32 $0x34, v26;
	v9 =	vor.u32 $0x35, v26;
	v13 =	vor.u32 $0x38, v26;
	[tilespmem:$0x1FB20] =	vst v14;
	v63 =	vld [tilespmem:$0x1F3D0]  }
0x37a: {  	v15 =	vor.u32 $0x3A, v26;
	v14 =	vor.u32 $0x39, v26;
	[tilespmem:$0x1FB00] =	vst v12;
	v12 =	vor.u32 $0x37, v26;
	v16 =	vmovc v29  }
0x37b: {  	v18 =	vor.u32 $0x3C, v26;
	v50 =	vor.u32 $0x3E, v26;
	v29 =	vor.u32 $0x3F, v26;
	[tilespmem:$0x1FB30] =	vst v16;
	v20 =	vmovc v21  }
0x37c: {  	v16 =	vor.u32 $0x3B, v26;
	[tilespmem:$0x1FB50] =	vst v20;
	v20 =	vor.u32 $0x3D, v26;
	v26 =	vor.u32 $0x38, v39;
	v53 =	vld [tilespmem:$0x1FA60]  }
0x37d: {  	[tilespmem:$0x1FF90] =	vst v26  }
0x37e: {  	v26 =	vor.u32 $0x3E, v39;
	[tilespmem:v24+s10+$0x0] =	vst.idx.msk $0xffff, v63;
	v63 =	vmov v5  }
0x37f: {  	v5 =	vld [tilespmem:$0x1F3E0];
	_ =	sdelay $0x1  }
0x380: {  	[tilespmem:$0x1FA50] =	vst v63;
	v63 =	vmov v26;
	v26 =	vmov v53  }
0x381: {  	[tilespmem:$0x1F800] =	vst v26;
	v26 =	vld [tilespmem:$0x1F3F0];
	_ =	sdelay $0x4  }
0x382: {  	[tilespmem:v5+s10+$0x0] =	vst.idx.msk $0xffff, v26;
	v5 =	vld [tilespmem:$0x1FFE0];
	_ =	sdelay $0x1  }
0x383: {  	v31 =	vor.u32 $0x25, v39;
	v32 =	vor.u32 $0x22, v39;
	v33 =	vor.u32 $0x20, v39  }
0x384: {  	v25 =	vor.u32 $0x2F, v39;
	v55 =	vor.u32 $0x3D, v39;
	v21 =	vor.u32 $0x30, v39  }
0x385: {  	v17 =	vor.u32 $0x31, v39;
	v8 =	vmovc v11;
	v11 =	vor.u32 $0x32, v39;
	v39 =	vor.u32 $0x3F, v39  }
0x386: {  	v53 =	vmov v5;
	v5 =	vmov v39  }
0x387: {  	[tilespmem:$0x1FFE0] =	vst v5;
	v5 =	vld [tilespmem:$0x1F400];
	_ =	sdelay $0x2  }
0x388: {  	[tilespmem:$0x1FA40] =	vst v56;
	v56 =	vmov v55;
	v55 =	vld [tilespmem:$0x1F410];
	_ =	sdelay $0x4  }
0x389: {  	[tilespmem:v5+s10+$0x0] =	vst.idx.msk $0xffff, v55;
	v5 =	vld [tilespmem:$0x1F420];
	_ =	sdelay $0x7  }
0x38a: {  	[tilespmem:v5+s10+$0x0] =	vst.idx.msk $0xffff, v37;
	v5 =	vld [tilespmem:$0x1F430];
	_ =	sdelay $0x7  }
0x38b: {  	[tilespmem:v5+s10+$0x0] =	vst.idx.msk $0xffff, v36;
	v5 =	vld [tilespmem:$0x1F440];
	_ =	sdelay $0x7  }
0x38c: {  	[tilespmem:v5+s10+$0x0] =	vst.idx.msk $0xffff, v35;
	v5 =	vld [tilespmem:$0x1F450];
	_ =	sdelay $0x7  }
0x38d: {  	[tilespmem:v5+s10+$0x0] =	vst.idx.msk $0xffff, v34;
	v5 =	vld [tilespmem:$0x1F460];
	_ =	sdelay $0x7  }
0x38e: {  	[tilespmem:v5+s10+$0x0] =	vst.idx.msk $0xffff, v28;
	v5 =	vld [tilespmem:$0x1F470];
	_ =	sdelay $0x1  }
0x38f: {  	v2 =	vor.u32 $0x1E, v22;
	_ =	sdelay $0x1  }
0x390: {  	[tilespmem:$0x1FB80] =	vst v8;
	v8 =	vor.u32 $0x1F, v22  }
0x391: {  	v23 =	vor.u32 $0x20, v19  }
0x392: {  	v7 =	vor.u32 $0x21, v19  }
0x393: {  	v1 =	vor.u32 $0x22, v19;
	[tilespmem:v2+s10+$0x0] =	vst.idx.msk $0xffff, v51  }
0x394: {  	v2 =	vor.u32 $0x23, v19;
	[tilespmem:v5+s10+$0x0] =	vst.idx.msk $0xffff, v38;
	v5 =	vld [tilespmem:$0x1F480]  }
0x395: {  	[tilespmem:v8+s10+$0x0] =	vst.idx.msk $0xffff, v52;
	v8 =	vor.u32 $0x24, v19  }
0x396: {  	v51 =	vor.u32 $0x25, v19;
	v23 =	vld.idx.msk [tilespmem:v23+s2+$0x0], $0xffff  }
0x397: {  	v7 =	vld.idx.msk [tilespmem:v7+s2+$0x0], $0xffff  }
0x398: {  	v52 =	vor.u32 $0x26, v19;
	v1 =	vld.idx.msk [tilespmem:v1+s2+$0x0], $0xffff  }
0x399: {  	v2 =	vld.idx.msk [tilespmem:v2+s2+$0x0], $0xffff;
	v3 =	vor.u32 $0x27, v19  }
0x39a: {  	v8 =	vld.idx.msk [tilespmem:v8+s2+$0x0], $0xffff;
	v24 =	vor.u32 $0x28, v19  }
0x39b: {  	v26 =	vor.u32 $0x29, v19;
	v39 =	vld.idx.msk [tilespmem:v51+s2+$0x0], $0xffff  }
0x39c: {  	v51 =	vor.u32 $0x2A, v19;
	[tilespmem:v5+s10+$0x0] =	vst.idx.msk $0xffff, v40;
	v5 =	vld [tilespmem:$0x1F490]  }
0x39d: {  	v37 =	vld.idx.msk [tilespmem:v52+s2+$0x0], $0xffff;
	v52 =	vor.u32 $0x2B, v19  }
0x39e: {  	v3 =	vld.idx.msk [tilespmem:v3+s2+$0x0], $0xffff;
	v36 =	vor.u32 $0x2C, v19  }
0x39f: {  	v24 =	vld.idx.msk [tilespmem:v24+s2+$0x0], $0xffff;
	v35 =	vor.u32 $0x2D, v19  }
0x3a0: {  	v34 =	vld.idx.msk [tilespmem:v26+s2+$0x0], $0xffff;
	v26 =	vor.u32 $0x2E, v19  }
0x3a1: {  	[tilespmem:$0x1FA60] =	vst v53;
	v53 =	vor.u32 $0x20, v22;
	v28 =	vld.idx.msk [tilespmem:v51+s2+$0x0], $0xffff;
	v51 =	vor.u32 $0x2F, v19  }
0x3a2: {  	v38 =	vld.idx.msk [tilespmem:v52+s2+$0x0], $0xffff;
	v52 =	vor.u32 $0x21, v22  }
0x3a3: {  	v36 =	vld.idx.msk [tilespmem:v36+s2+$0x0], $0xffff;
	v40 =	vor.u32 $0x22, v22  }
0x3a4: {  	v35 =	vld.idx.msk [tilespmem:v35+s2+$0x0], $0xffff;
	[tilespmem:v5+s10+$0x0] =	vst.idx.msk $0xffff, v41;
	v41 =	vor.u32 $0x23, v22  }
0x3a5: {  	v55 =	vor.u32 $0x24, v22;
	v54 =	vld.idx.msk [tilespmem:v26+s2+$0x0], $0xffff  }
0x3a6: {  	v51 =	vld.idx.msk [tilespmem:v51+s2+$0x0], $0xffff;
	[tilespmem:v53+s10+$0x0] =	vst.idx.msk $0xffff, v23;
	v23 =	vor.u32 $0x25, v22  }
0x3a7: {  	[tilespmem:v52+s10+$0x0] =	vst.idx.msk $0xffff, v7;
	v7 =	vor.u32 $0x26, v22  }
0x3a8: {  	[tilespmem:v40+s10+$0x0] =	vst.idx.msk $0xffff, v1;
	v1 =	vor.u32 $0x27, v22  }
0x3a9: {  	[tilespmem:v41+s10+$0x0] =	vst.idx.msk $0xffff, v2  }
0x3aa: {  	[tilespmem:v55+s10+$0x0] =	vst.idx.msk $0xffff, v8  }
0x3ab: {  	v5 =	vld [tilespmem:$0x1F4A0];
	[tilespmem:v23+s10+$0x0] =	vst.idx.msk $0xffff, v39  }
0x3ac: {  	[tilespmem:v7+s10+$0x0] =	vst.idx.msk $0xffff, v37  }
0x3ad: {  	[tilespmem:v1+s10+$0x0] =	vst.idx.msk $0xffff, v3;
	v3 =	vld [tilespmem:$0x1F890];
	_ =	sdelay $0x3  }
0x3ae: {  	v55 =	vmov v6  }
0x3af: {  	v53 =	vld [tilespmem:$0x1FCB0];
	[tilespmem:$0x1FCB0] =	vst v55  }
0x3b0: {  	v55 =	vld [tilespmem:$0x1FCE0];
	v23 =	vmov v10;
	[tilespmem:v5+s10+$0x0] =	vst.idx.msk $0xffff, v27  }
0x3b1: {  	[tilespmem:$0x1FCE0] =	vst v23;
	v23 =	vld [tilespmem:$0x1FD00]  }
0x3b2: {  	v10 =	vld.idx.msk [tilespmem:v3+s2+$0x0], $0xffff;
	v3 =	vmov v12  }
0x3b3: {  	[tilespmem:$0x1FD00] =	vst v3;
	v3 =	vld [tilespmem:$0x1F8A0];
	_ =	sdelay $0x7  }
0x3b4: {  	v2 =	vor.u32 $0x28, v22;
	v12 =	vld.idx.msk [tilespmem:v3+s2+$0x0], $0xffff  }
0x3b5: {  	v8 =	vor.u32 $0x29, v22;
	v3 =	vmov v13;
	v13 =	vld [tilespmem:$0x1FD20];
	_ =	sdelay $0x3  }
0x3b6: {  	[tilespmem:v2+s10+$0x0] =	vst.idx.msk $0xffff, v24  }
0x3b7: {  	[tilespmem:v8+s10+$0x0] =	vst.idx.msk $0xffff, v34;
	v8 =	vld [tilespmem:$0x1F8B0];
	v13 =	vmov v13  }
0x3b8: {  	v23 =	vmov v23;
	[tilespmem:$0x1F8B0] =	vst v13;
	v13 =	vld [tilespmem:$0x1F8C0]  }
0x3b9: {  	[tilespmem:$0x1F890] =	vst v23;
	v23 =	vld [tilespmem:$0x1FD10];
	_ =	sdelay $0x4  }
0x3ba: {  	v24 =	vld [tilespmem:$0x1FD30];
	v23 =	vmov v23  }
0x3bb: {  	[tilespmem:$0x1F8A0] =	vst v23;
	v23 =	vld.idx.msk [tilespmem:v8+s2+$0x0], $0xffff  }
0x3bc: {  	v8 =	vmov v14;
	v14 =	vld.idx.msk [tilespmem:v13+s2+$0x0], $0xffff;
	v13 =	vmov v15  }
0x3bd: {  	[tilespmem:$0x1FD30] =	vst v13;
	v13 =	vld [tilespmem:$0x1F8D0];
	_ =	sdelay $0x5  }
0x3be: {  	v24 =	vmov v24  }
0x3bf: {  	[tilespmem:$0x1F8C0] =	vst v24;
	v24 =	vld [tilespmem:$0x1FD40]  }
0x3c0: {  	v15 =	vld.idx.msk [tilespmem:v13+s2+$0x0], $0xffff;
	v13 =	vmov v16  }
0x3c1: {  	[tilespmem:$0x1FD40] =	vst v13;
	v13 =	vld [tilespmem:$0x1F8E0];
	_ =	sdelay $0x5  }
0x3c2: {  	v5 =	vld [tilespmem:$0x1FC40];
	v24 =	vmov v24  }
0x3c3: {  	[tilespmem:$0x1F8D0] =	vst v24;
	v24 =	vld [tilespmem:$0x1FD50]  }
0x3c4: {  	v16 =	vld.idx.msk [tilespmem:v13+s2+$0x0], $0xffff;
	v13 =	vmov v18  }
0x3c5: {  	[tilespmem:$0x1FD50] =	vst v13;
	v13 =	vld [tilespmem:$0x1F8F0]  }
0x3c6: {  	v52 =	vld [tilespmem:$0x1FCA0];
	_ =	sdelay $0x1  }
0x3c7: {  	v26 =	vld [tilespmem:$0x1FC20];
	v24 =	vmov v24  }
0x3c8: {  	[tilespmem:$0x1F8E0] =	vst v24;
	v24 =	vld [tilespmem:$0x1FD60]  }
0x3c9: {  	v6 =	vld [tilespmem:$0x1F870]  }
0x3ca: {  	v40 =	vmov v30;
	v30 =	vmov v52;
	v27 =	vmov v4;
	v4 =	vld [tilespmem:$0x1F850]  }
0x3cb: {  	[tilespmem:$0x1FC20] =	vst v27;
	v27 =	vld.idx.msk [tilespmem:v5+s2+$0x0], $0xffff  }
0x3cc: {  	[tilespmem:$0x1F850] =	vst v30;
	v18 =	vld.idx.msk [tilespmem:v13+s2+$0x0], $0xffff;
	v13 =	vmov v20  }
0x3cd: {  	v39 =	vor.u32 $0x2A, v22;
	v30 =	vmov v53;
	v24 =	vmov v24;
	[tilespmem:$0x1FD60] =	vst v13;
	v13 =	vld [tilespmem:$0x1F900]  }
0x3ce: {  	v5 =	vmov v49;
	[tilespmem:$0x1F8F0] =	vst v24;
	v24 =	vld [tilespmem:$0x1FD70]  }
0x3cf: {  	v53 =	vmov v9;
	v9 =	vld [tilespmem:$0x1F880];
	[tilespmem:$0x1FCA0] =	vst v5  }
0x3d0: {  	v5 =	vld [tilespmem:$0x1F860];
	[tilespmem:$0x1F860] =	vst v30;
	v30 =	vmov v55  }
0x3d1: {  	[tilespmem:$0x1FC40] =	vst v40;
	v40 =	vld [tilespmem:$0x1F500]  }
0x3d2: {  	v26 =	vld.idx.msk [tilespmem:v26+s2+$0x0], $0xffff;
	[tilespmem:v39+s10+$0x0] =	vst.idx.msk $0xffff, v28  }
0x3d3: {  	v28 =	vld [tilespmem:$0x1FD80];
	[tilespmem:$0x1F880] =	vst v30;
	v30 =	vmov v24;
	v24 =	vmov v29  }
0x3d4: {  	[tilespmem:$0x1FD80] =	vst v24;
	v24 =	vld [tilespmem:$0x1F4B0]  }
0x3d5: {  	v20 =	vld.idx.msk [tilespmem:v13+s2+$0x0], $0xffff;
	v13 =	vmov v50  }
0x3d6: {  	[tilespmem:$0x1FD70] =	vst v13;
	v13 =	vld [tilespmem:$0x1F910]  }
0x3d7: {  	v29 =	vld [tilespmem:$0x1F4D0]  }
0x3d8: {  	v6 =	vld.idx.msk [tilespmem:v6+s2+$0x0], $0xffff;
	v28 =	vmov v28  }
0x3d9: {  	[tilespmem:$0x1F910] =	vst v28;
	v28 =	vld [tilespmem:$0x1F4C0]  }
0x3da: {  	v4 =	vld.idx.msk [tilespmem:v4+s2+$0x0], $0xffff  }
0x3db: {  	v9 =	vld.idx.msk [tilespmem:v9+s2+$0x0], $0xffff  }
0x3dc: {  	v7 =	vor.u32 $0x2B, v22;
	v5 =	vld.idx.msk [tilespmem:v5+s2+$0x0], $0xffff;
	[tilespmem:$0x1FD10] =	vst v3  }
0x3dd: {  	v1 =	vor.u32 $0x2C, v22;
	[tilespmem:$0x1F900] =	vst v30;
	v30 =	vld [tilespmem:$0x1F4E0]  }
0x3de: {  	v2 =	vor.u32 $0x2D, v22;
	v13 =	vld.idx.msk [tilespmem:v13+s2+$0x0], $0xffff;
	[tilespmem:v24+s10+$0x0] =	vst.idx.msk $0xffff, v28  }
0x3df: {  	v3 =	vor.u32 $0x2E, v22;
	[tilespmem:v29+s10+$0x0] =	vst.idx.msk $0xffff, v42;
	v42 =	vld [tilespmem:$0x1F510];
	_ =	sdelay $0x1  }
0x3e0: {  	[tilespmem:v7+s10+$0x0] =	vst.idx.msk $0xffff, v38  }
0x3e1: {  	[tilespmem:v1+s10+$0x0] =	vst.idx.msk $0xffff, v36  }
0x3e2: {  	[tilespmem:v2+s10+$0x0] =	vst.idx.msk $0xffff, v35  }
0x3e3: {  	[tilespmem:v3+s10+$0x0] =	vst.idx.msk $0xffff, v54  }
0x3e4: {  	[tilespmem:v30+s10+$0x0] =	vst.idx.msk $0xffff, v43  }
0x3e5: {  	v54 =	vld [tilespmem:$0x1F530];
	[tilespmem:v40+s10+$0x0] =	vst.idx.msk $0xffff, v57  }
0x3e6: {  	[tilespmem:v42+s10+$0x0] =	vst.idx.msk $0xffff, v58;
	v58 =	vld [tilespmem:$0x1F550];
	_ =	sdelay $0x6  }
0x3e7: {  	[tilespmem:v54+s10+$0x0] =	vst.idx.msk $0xffff, v44  }
0x3e8: {  	[tilespmem:v58+s10+$0x0] =	vst.idx.msk $0xffff, v59;
	v59 =	vmov v31;
	v31 =	vld [tilespmem:$0x1F560];
	_ =	sdelay $0x7  }
0x3e9: {  	[tilespmem:v31+s10+$0x0] =	vst.idx.msk $0xffff, v60;
	v31 =	vld [tilespmem:$0x1F570];
	_ =	sdelay $0x4  }
0x3ea: {  	v58 =	vmov v31;
	v31 =	vld [tilespmem:$0x1FF00]  }
0x3eb: {  	v40 =	vld [tilespmem:$0x1FF10]  }
0x3ec: {  	[tilespmem:$0x1FD20] =	vst v8;
	v8 =	vor.u32 $0x2F, v22  }
0x3ed: {  	v28 =	vor.u32 $0x36, v19;
	_ =	sdelay $0x2  }
0x3ee: {  	v44 =	vld [tilespmem:$0x1F5A0]  }
0x3ef: {  	[tilespmem:v8+s10+$0x0] =	vst.idx.msk $0xffff, v51  }
0x3f0: {  	v34 =	vld.idx.msk [tilespmem:v28+s2+$0x0], $0xffff;
	[tilespmem:v31+s10+$0x0] =	vst.idx.msk $0xffff, v45  }
0x3f1: {  	v28 =	vor.u32 $0x3B, v19;
	[tilespmem:v40+s10+$0x0] =	vst.idx.msk $0xffff, v46;
	v46 =	vld [tilespmem:$0x1F5B0];
	_ =	sdelay $0x4  }
0x3f2: {  	[tilespmem:v44+s10+$0x0] =	vst.idx.msk $0xffff, v61;
	v61 =	vmov v46;
	v46 =	vld.idx.msk [tilespmem:v28+s2+$0x0], $0xffff  }
0x3f3: {  	v28 =	vld [tilespmem:$0x1F5C0];
	_ =	sdelay $0x1  }
0x3f4: {  	v29 =	vor.u32 $0x37, v19;
	_ =	sdelay $0x2  }
0x3f5: {  	v49 =	vld [tilespmem:$0x1FCD0]  }
0x3f6: {  	v30 =	vld [tilespmem:$0x1F4F0]  }
0x3f7: {  	v35 =	vld.idx.msk [tilespmem:v29+s2+$0x0], $0xffff  }
0x3f8: {  	v29 =	vor.u32 $0x3C, v19;
	[tilespmem:v28+s10+$0x0] =	vst.idx.msk $0xffff, v47;
	v28 =	vld [tilespmem:$0x1F5D0];
	_ =	sdelay $0x1  }
0x3f9: {  	v52 =	vmov v49  }
0x3fa: {  	v49 =	vor.u32 $0x3A, v19;
	_ =	sdelay $0x1  }
0x3fb: {  	[tilespmem:$0x1F870] =	vst v52;
	v52 =	vmov v30;
	v30 =	vor.u32 $0x38, v19;
	v54 =	vmov v28;
	v28 =	vld.idx.msk [tilespmem:v29+s2+$0x0], $0xffff  }
0x3fc: {  	v29 =	vld [tilespmem:$0x1FF20];
	_ =	sdelay $0x1  }
0x3fd: {  	v45 =	vld.idx.msk [tilespmem:v49+s2+$0x0], $0xffff  }
0x3fe: {  	v49 =	vld [tilespmem:$0x1F5E0]  }
0x3ff: {  	v36 =	vld.idx.msk [tilespmem:v30+s2+$0x0], $0xffff;
	v30 =	vor.u32 $0x3D, v19;
	_ =	sdelay $0x3  }
0x400: {  	[tilespmem:v29+s10+$0x0] =	vst.idx.msk $0xffff, v62;
	v29 =	vmov v49  }
0x401: {  	[tilespmem:$0x1FF20] =	vst v29;
	v29 =	vld.idx.msk [tilespmem:v30+s2+$0x0], $0xffff  }
0x402: {  	v30 =	vld [tilespmem:$0x1F5F0]  }
0x403: {  	v60 =	vld [tilespmem:$0x1F580];
	_ =	sdelay $0x4  }
0x404: {  	v41 =	vor.u32 $0x39, v19;
	v31 =	vmov v60  }
0x405: {  	[tilespmem:$0x1FF00] =	vst v31  }
0x406: {  	v31 =	vor.u32 $0x3E, v19;
	[tilespmem:v30+s10+$0x0] =	vst.idx.msk $0xffff, v48;
	v30 =	vld [tilespmem:$0x1F600];
	_ =	sdelay $0x1  }
0x407: {  	v43 =	vld [tilespmem:$0x1F520]  }
0x408: {  	v7 =	vor.u32 $0x30, v19;
	v42 =	vld.idx.msk [tilespmem:v41+s2+$0x0], $0xffff  }
0x409: {  	v1 =	vor.u32 $0x31, v19;
	v2 =	vor.u32 $0x32, v19;
	v3 =	vor.u32 $0x33, v19;
	v41 =	vld [tilespmem:$0x1F590]  }
0x40a: {  	v8 =	vor.u32 $0x34, v19;
	v24 =	vor.u32 $0x35, v19;
	v19 =	vor.u32 $0x3F, v19;
	v62 =	vmovc v30;
	v30 =	vld.idx.msk [tilespmem:v31+s2+$0x0], $0xffff  }
0x40b: {  	v31 =	vld [tilespmem:$0x1FF30];
	_ =	sdelay $0x2  }
0x40c: {  	v7 =	vld.idx.msk [tilespmem:v7+s2+$0x0], $0xffff;
	v55 =	vmov v43;
	v43 =	vmov v41  }
0x40d: {  	[tilespmem:$0x1FF10] =	vst v43;
	v43 =	vld.idx.msk [tilespmem:v19+s2+$0x0], $0xffff  }
0x40e: {  	v19 =	vld [tilespmem:$0x1F630]  }
0x40f: {  	v1 =	vld.idx.msk [tilespmem:v1+s2+$0x0], $0xffff  }
0x410: {  	v57 =	vld [tilespmem:$0x1F540]  }
0x411: {  	[tilespmem:v31+s10+$0x0] =	vst.idx.msk $0xffff, v0;
	v31 =	vld [tilespmem:$0x1F610]  }
0x412: {  	v51 =	vmov v32;
	v32 =	vor.u32 $0x30, v22;
	v2 =	vld.idx.msk [tilespmem:v2+s2+$0x0], $0xffff  }
0x413: {  	v3 =	vld.idx.msk [tilespmem:v3+s2+$0x0], $0xffff;
	v50 =	vmov v33;
	v33 =	vor.u32 $0x31, v22  }
0x414: {  	v8 =	vld.idx.msk [tilespmem:v8+s2+$0x0], $0xffff;
	v47 =	vor.u32 $0x32, v22  }
0x415: {  	[tilespmem:$0x1FCD0] =	vst v53;
	v24 =	vld.idx.msk [tilespmem:v24+s2+$0x0], $0xffff;
	v53 =	vmov v57;
	v57 =	vor.u32 $0x33, v22  }
0x416: {  	v60 =	vor.u32 $0x34, v22;
	v0 =	vmov v31;
	v31 =	vld.idx.msk [tilespmem:v19+s2+$0x0], $0xffff  }
0x417: {  	[tilespmem:v32+s10+$0x0] =	vst.idx.msk $0xffff, v7;
	v7 =	vor.u32 $0x35, v22;
	v19 =	vld [tilespmem:$0x1F640]  }
0x418: {  	[tilespmem:v33+s10+$0x0] =	vst.idx.msk $0xffff, v1;
	v1 =	vor.u32 $0x36, v22  }
0x419: {  	[tilespmem:v47+s10+$0x0] =	vst.idx.msk $0xffff, v2;
	v2 =	vor.u32 $0x37, v22  }
0x41a: {  	[tilespmem:v57+s10+$0x0] =	vst.idx.msk $0xffff, v3  }
0x41b: {  	[tilespmem:v60+s10+$0x0] =	vst.idx.msk $0xffff, v8  }
0x41c: {  	[tilespmem:v7+s10+$0x0] =	vst.idx.msk $0xffff, v24  }
0x41d: {  	[tilespmem:v1+s10+$0x0] =	vst.idx.msk $0xffff, v34  }
0x41e: {  	[tilespmem:v2+s10+$0x0] =	vst.idx.msk $0xffff, v35;
	v2 =	vld [tilespmem:$0x1F6A0]  }
0x41f: {  	v32 =	vld.idx.msk [tilespmem:v19+s2+$0x0], $0xffff  }
0x420: {  	v19 =	vld [tilespmem:$0x1F650];
	_ =	sdelay $0x5  }
0x421: {  	v37 =	vld.idx.msk [tilespmem:v2+s2+$0x0], $0xffff  }
0x422: {  	v2 =	vld [tilespmem:$0x1F6B0]  }
0x423: {  	v33 =	vld.idx.msk [tilespmem:v19+s2+$0x0], $0xffff  }
0x424: {  	v19 =	vld [tilespmem:$0x1F660];
	_ =	sdelay $0x5  }
0x425: {  	v41 =	vld.idx.msk [tilespmem:v2+s2+$0x0], $0xffff  }
0x426: {  	v2 =	vld [tilespmem:$0x1F6C0]  }
0x427: {  	v40 =	vld.idx.msk [tilespmem:v19+s2+$0x0], $0xffff  }
0x428: {  	v3 =	vor.u32 $0x38, v22;
	v19 =	vld [tilespmem:$0x1F680];
	_ =	sdelay $0x1  }
0x429: {  	v8 =	vor.u32 $0x39, v22;
	_ =	sdelay $0x2  }
0x42a: {  	[tilespmem:v3+s10+$0x0] =	vst.idx.msk $0xffff, v36  }
0x42b: {  	[tilespmem:$0x1FF30] =	vst v0;
	v0 =	vld [tilespmem:$0x1F620]  }
0x42c: {  	[tilespmem:v8+s10+$0x0] =	vst.idx.msk $0xffff, v42;
	v42 =	vld.idx.msk [tilespmem:v2+s2+$0x0], $0xffff  }
0x42d: {  	v39 =	vld.idx.msk [tilespmem:v19+s2+$0x0], $0xffff  }
0x42e: {  	v19 =	vld [tilespmem:$0x1F690]  }
0x42f: {  	v2 =	vld [tilespmem:$0x1F6D0];
	_ =	sdelay $0x1  }
0x430: {  	s13 =	sadd.s32 $0x2, s13;
	v7 =	vor.u32 $0x3A, v22  }
0x431: {  	p0 =	slt.u32 s13, $0x1E;
	v1 =	vor.u32 $0x3B, v22  }
.Ltmp0:
0x432: {  	_ = 	snop;
	(pc) =	sbr.rel @p0 .LBB2_2-.Ltmp0, $4  }
0x433: {  	v24 =	vld [tilespmem:$0x1F670]  }
0x434: {  	v0 =	vld.idx.msk [tilespmem:v0+s2+$0x0], $0xffff  }
0x435: {  	v44 =	vor.u32 $0x3E, v22;
	[tilespmem:v7+s10+$0x0] =	vst.idx.msk $0xffff, v45;
	v38 =	vld.idx.msk [tilespmem:v19+s2+$0x0], $0xffff  }
0x436: {  	s14 =	sadd.s32 $0x20, s14;
	v35 =	vor.u32 $0x3C, v22;
	v36 =	vor.u32 $0x3D, v22;
	[tilespmem:v1+s10+$0x0] =	vst.idx.msk $0xffff, v46;
	v19 =	vor.u32 $0x3F, v22;
	v22 =	vld.idx.msk [tilespmem:v2+s2+$0x0], $0xffff  }
0x437: {  	_ =	sdelay $0x3  }
0x438: {  	[tilespmem:v35+s10+$0x0] =	vst.idx.msk $0xffff, v28  }
0x439: {  	[tilespmem:v36+s10+$0x0] =	vst.idx.msk $0xffff, v29  }
0x43a: {  	v1 =	vld [tilespmem:$0x1FA70];
	[tilespmem:v44+s10+$0x0] =	vst.idx.msk $0xffff, v30  }
0x43b: {  	v2 =	vld [tilespmem:$0x1FA80];
	[tilespmem:v19+s10+$0x0] =	vst.idx.msk $0xffff, v43  }
0x43c: {  	v7 =	vld [tilespmem:$0x1F920];
	_ =	sdelay $0x7  }
0x43d: {  	v3 =	vld [tilespmem:$0x1FA90];
	[tilespmem:v7+s10+$0x0] =	vst.idx.msk $0xffff, v26  }
0x43e: {  	v8 =	vld [tilespmem:$0x1F930];
	_ =	sdelay $0x7  }
0x43f: {  	v7 =	vld [tilespmem:$0x1FAA0];
	[tilespmem:v8+s10+$0x0] =	vst.idx.msk $0xffff, v27  }
0x440: {  	v8 =	vld [tilespmem:$0x1FAC0]  }
0x441: {  	v19 =	vld [tilespmem:$0x1FD90];
	_ =	sdelay $0x3  }
0x442: {  	v1 =	vld.idx.msk [tilespmem:v1+s2+$0x0], $0xffff  }
0x443: {  	v2 =	vld.idx.msk [tilespmem:v2+s2+$0x0], $0xffff  }
0x444: {  	v3 =	vld.idx.msk [tilespmem:v3+s2+$0x0], $0xffff  }
0x445: {  	v7 =	vld.idx.msk [tilespmem:v7+s2+$0x0], $0xffff  }
0x446: {  	v8 =	vld.idx.msk [tilespmem:v8+s2+$0x0], $0xffff;
	[tilespmem:v19+s10+$0x0] =	vst.idx.msk $0xffff, v0  }
0x447: {  	v0 =	vld [tilespmem:$0x1FDA0];
	_ =	sdelay $0x7  }
0x448: {  	[tilespmem:v0+s10+$0x0] =	vst.idx.msk $0xffff, v31  }
0x449: {  	v0 =	vld [tilespmem:$0x1FDB0];
	_ =	sdelay $0x7  }
0x44a: {  	[tilespmem:v0+s10+$0x0] =	vst.idx.msk $0xffff, v32  }
0x44b: {  	v0 =	vld [tilespmem:$0x1FDC0];
	_ =	sdelay $0x7  }
0x44c: {  	[tilespmem:v0+s10+$0x0] =	vst.idx.msk $0xffff, v33  }
0x44d: {  	v0 =	vld [tilespmem:$0x1FDD0];
	_ =	sdelay $0x7  }
0x44e: {  	[tilespmem:v0+s10+$0x0] =	vst.idx.msk $0xffff, v40  }
0x44f: {  	v0 =	vld [tilespmem:$0x1FDE0];
	_ =	sdelay $0x7  }
0x450: {  	[tilespmem:v0+s10+$0x0] =	vst.idx.msk $0xffff, v39  }
0x451: {  	v0 =	vld [tilespmem:$0x1FDF0];
	_ =	sdelay $0x7  }
0x452: {  	[tilespmem:v0+s10+$0x0] =	vst.idx.msk $0xffff, v38  }
0x453: {  	v0 =	vld [tilespmem:$0x1FE10];
	_ =	sdelay $0x7  }
0x454: {  	[tilespmem:v0+s10+$0x0] =	vst.idx.msk $0xffff, v37  }
0x455: {  	v0 =	vld [tilespmem:$0x1FE20];
	_ =	sdelay $0x7  }
0x456: {  	[tilespmem:v0+s10+$0x0] =	vst.idx.msk $0xffff, v41  }
0x457: {  	v0 =	vld [tilespmem:$0x1FE30];
	_ =	sdelay $0x7  }
0x458: {  	[tilespmem:v0+s10+$0x0] =	vst.idx.msk $0xffff, v42  }
0x459: {  	v0 =	vld [tilespmem:$0x1FE40];
	_ =	sdelay $0x7  }
0x45a: {  	[tilespmem:v0+s10+$0x0] =	vst.idx.msk $0xffff, v22  }
0x45b: {  	v0 =	vld [tilespmem:$0x1FE50];
	_ =	sdelay $0x7  }
0x45c: {  	[tilespmem:v0+s10+$0x0] =	vst.idx.msk $0xffff, v1  }
0x45d: {  	v0 =	vld [tilespmem:$0x1FE60];
	_ =	sdelay $0x7  }
0x45e: {  	[tilespmem:v0+s10+$0x0] =	vst.idx.msk $0xffff, v2  }
0x45f: {  	v0 =	vld [tilespmem:$0x1FE80];
	_ =	sdelay $0x7  }
0x460: {  	[tilespmem:v0+s10+$0x0] =	vst.idx.msk $0xffff, v3  }
0x461: {  	v0 =	vld [tilespmem:$0x1FE90];
	_ =	sdelay $0x7  }
0x462: {  	[tilespmem:v0+s10+$0x0] =	vst.idx.msk $0xffff, v7  }
0x463: {  	v0 =	vld [tilespmem:$0x1FEB0];
	_ =	sdelay $0x7  }
0x464: {  	[tilespmem:v0+s10+$0x0] =	vst.idx.msk $0xffff, v8  }
0x465: {  	v0 =	vld [tilespmem:$0x1F6E0];
	_ =	sdelay $0x2  }
0x466: {  	v1 =	vld [tilespmem:$0x1F780];
	_ =	sdelay $0x4  }
0x467: {  	[tilespmem:v0+s10+$0x0] =	vst.idx.msk $0xffff, v1  }
0x468: {  	v1 =	vld [tilespmem:$0x1F6F0];
	_ =	sdelay $0x2  }
0x469: {  	v2 =	vld [tilespmem:$0x1F7A0];
	_ =	sdelay $0x4  }
0x46a: {  	v0 =	vld [tilespmem:$0x1FAD0];
	[tilespmem:v1+s10+$0x0] =	vst.idx.msk $0xffff, v2  }
0x46b: {  	v3 =	vld [tilespmem:$0x1F700];
	_ =	sdelay $0x2  }
0x46c: {  	v2 =	vld [tilespmem:$0x1F7C0];
	_ =	sdelay $0x4  }
0x46d: {  	v1 =	vld [tilespmem:$0x1FAF0];
	[tilespmem:v3+s10+$0x0] =	vst.idx.msk $0xffff, v2  }
0x46e: {  	v3 =	vld [tilespmem:$0x1F710];
	_ =	sdelay $0x7  }
0x46f: {  	v2 =	vld [tilespmem:$0x1FB00];
	[tilespmem:v3+s10+$0x0] =	vst.idx.msk $0xffff, v4  }
0x470: {  	v4 =	vld [tilespmem:$0x1F720];
	_ =	sdelay $0x7  }
0x471: {  	v3 =	vld [tilespmem:$0x1FB20];
	[tilespmem:v4+s10+$0x0] =	vst.idx.msk $0xffff, v5  }
0x472: {  	v5 =	vld [tilespmem:$0x1F730];
	_ =	sdelay $0x7  }
0x473: {  	v4 =	vld [tilespmem:$0x1FB30];
	[tilespmem:v5+s10+$0x0] =	vst.idx.msk $0xffff, v6  }
0x474: {  	v6 =	vld [tilespmem:$0x1F740];
	_ =	sdelay $0x7  }
0x475: {  	v5 =	vld [tilespmem:$0x1FB50];
	[tilespmem:v6+s10+$0x0] =	vst.idx.msk $0xffff, v9  }
0x476: {  	v7 =	vld [tilespmem:$0x1F750];
	_ =	sdelay $0x7  }
0x477: {  	v6 =	vld [tilespmem:$0x1FB60];
	[tilespmem:v7+s10+$0x0] =	vst.idx.msk $0xffff, v10  }
0x478: {  	v8 =	vld [tilespmem:$0x1F760];
	_ =	sdelay $0x7  }
0x479: {  	v7 =	vld [tilespmem:$0x1FB80];
	[tilespmem:v8+s10+$0x0] =	vst.idx.msk $0xffff, v12  }
0x47a: {  	v9 =	vld [tilespmem:$0x1F770];
	_ =	sdelay $0x7  }
0x47b: {  	v8 =	vld [tilespmem:$0x1FB90];
	[tilespmem:v9+s10+$0x0] =	vst.idx.msk $0xffff, v23  }
0x47c: {  	v10 =	vld [tilespmem:$0x1F790];
	_ =	sdelay $0x7  }
0x47d: {  	v9 =	vld [tilespmem:$0x1FBB0];
	[tilespmem:v10+s10+$0x0] =	vst.idx.msk $0xffff, v14  }
0x47e: {  	v12 =	vld [tilespmem:$0x1F7B0];
	_ =	sdelay $0x7  }
0x47f: {  	v10 =	vld [tilespmem:$0x1FBC0];
	[tilespmem:v12+s10+$0x0] =	vst.idx.msk $0xffff, v15  }
0x480: {  	v14 =	vld [tilespmem:$0x1F7D0];
	_ =	sdelay $0x7  }
0x481: {  	v12 =	vld [tilespmem:$0x1FBE0];
	[tilespmem:v14+s10+$0x0] =	vst.idx.msk $0xffff, v16  }
0x482: {  	v15 =	vld [tilespmem:$0x1F7E0];
	_ =	sdelay $0x7  }
0x483: {  	v14 =	vld [tilespmem:$0x1FBF0];
	[tilespmem:v15+s10+$0x0] =	vst.idx.msk $0xffff, v18  }
0x484: {  	v16 =	vld [tilespmem:$0x1F7F0];
	_ =	sdelay $0x6  }
0x485: {  	v0 =	vld.idx.msk [tilespmem:v0+s2+$0x0], $0xffff  }
0x486: {  	v15 =	vld [tilespmem:$0x1FC10];
	[tilespmem:v16+s10+$0x0] =	vst.idx.msk $0xffff, v20  }
0x487: {  	v18 =	vld [tilespmem:$0x1F800]  }
0x488: {  	v1 =	vld.idx.msk [tilespmem:v1+s2+$0x0], $0xffff  }
0x489: {  	v2 =	vld.idx.msk [tilespmem:v2+s2+$0x0], $0xffff  }
0x48a: {  	v3 =	vld.idx.msk [tilespmem:v3+s2+$0x0], $0xffff  }
0x48b: {  	v4 =	vld.idx.msk [tilespmem:v4+s2+$0x0], $0xffff  }
0x48c: {  	v5 =	vld.idx.msk [tilespmem:v5+s2+$0x0], $0xffff  }
0x48d: {  	v6 =	vld.idx.msk [tilespmem:v6+s2+$0x0], $0xffff  }
0x48e: {  	v7 =	vld.idx.msk [tilespmem:v7+s2+$0x0], $0xffff  }
0x48f: {  	v16 =	vld [tilespmem:$0x1FC20];
	[tilespmem:v18+s10+$0x0] =	vst.idx.msk $0xffff, v13  }
0x490: {  	v13 =	vld [tilespmem:$0x1FC40]  }
0x491: {  	v8 =	vld.idx.msk [tilespmem:v8+s2+$0x0], $0xffff  }
0x492: {  	v9 =	vld.idx.msk [tilespmem:v9+s2+$0x0], $0xffff  }
0x493: {  	v10 =	vld.idx.msk [tilespmem:v10+s2+$0x0], $0xffff  }
0x494: {  	v12 =	vld.idx.msk [tilespmem:v12+s2+$0x0], $0xffff  }
0x495: {  	v14 =	vld.idx.msk [tilespmem:v14+s2+$0x0], $0xffff  }
0x496: {  	v15 =	vld.idx.msk [tilespmem:v15+s2+$0x0], $0xffff  }
0x497: {  	v16 =	vld.idx.msk [tilespmem:v16+s2+$0x0], $0xffff  }
0x498: {  	v13 =	vld.idx.msk [tilespmem:v13+s2+$0x0], $0xffff;
	[tilespmem:v50+s10+$0x0] =	vst.idx.msk $0xffff, v0  }
0x499: {  	v0 =	vld [tilespmem:$0x1F810];
	[tilespmem:v52+s10+$0x0] =	vst.idx.msk $0xffff, v1  }
0x49a: {  	v1 =	vld [tilespmem:$0x1F820];
	[tilespmem:v51+s10+$0x0] =	vst.idx.msk $0xffff, v2  }
0x49b: {  	v2 =	vld [tilespmem:$0x1F840];
	[tilespmem:v55+s10+$0x0] =	vst.idx.msk $0xffff, v3  }
0x49c: {  	v3 =	vld [tilespmem:$0x1F850];
	[tilespmem:v53+s10+$0x0] =	vst.idx.msk $0xffff, v4  }
0x49d: {  	v4 =	vld [tilespmem:$0x1F860];
	[tilespmem:v59+s10+$0x0] =	vst.idx.msk $0xffff, v5  }
0x49e: {  	v5 =	vld [tilespmem:$0x1F870];
	[tilespmem:v58+s10+$0x0] =	vst.idx.msk $0xffff, v6  }
0x49f: {  	v18 =	vld [tilespmem:$0x1FF00];
	_ =	sdelay $0x7  }
0x4a0: {  	v6 =	vld [tilespmem:$0x1F880];
	[tilespmem:v18+s10+$0x0] =	vst.idx.msk $0xffff, v7  }
0x4a1: {  	v18 =	vld [tilespmem:$0x1FF10];
	_ =	sdelay $0x7  }
0x4a2: {  	v7 =	vld [tilespmem:$0x1F890];
	[tilespmem:v18+s10+$0x0] =	vst.idx.msk $0xffff, v8  }
0x4a3: {  	v8 =	vld [tilespmem:$0x1F8A0];
	[tilespmem:v61+s10+$0x0] =	vst.idx.msk $0xffff, v9  }
0x4a4: {  	v9 =	vld [tilespmem:$0x1F8B0];
	[tilespmem:v54+s10+$0x0] =	vst.idx.msk $0xffff, v10  }
0x4a5: {  	v18 =	vld [tilespmem:$0x1FF20];
	_ =	sdelay $0x6  }
0x4a6: {  	v0 =	vld.idx.msk [tilespmem:v0+s2+$0x0], $0xffff  }
0x4a7: {  	v10 =	vld [tilespmem:$0x1F8C0];
	[tilespmem:v18+s10+$0x0] =	vst.idx.msk $0xffff, v12  }
0x4a8: {  	v12 =	vld [tilespmem:$0x1F8D0];
	[tilespmem:v62+s10+$0x0] =	vst.idx.msk $0xffff, v14  }
0x4a9: {  	v18 =	vld [tilespmem:$0x1FF30]  }
0x4aa: {  	v1 =	vld.idx.msk [tilespmem:v1+s2+$0x0], $0xffff  }
0x4ab: {  	v2 =	vld.idx.msk [tilespmem:v2+s2+$0x0], $0xffff  }
0x4ac: {  	v3 =	vld.idx.msk [tilespmem:v3+s2+$0x0], $0xffff  }
0x4ad: {  	v4 =	vld.idx.msk [tilespmem:v4+s2+$0x0], $0xffff  }
0x4ae: {  	v5 =	vld.idx.msk [tilespmem:v5+s2+$0x0], $0xffff  }
0x4af: {  	v6 =	vld.idx.msk [tilespmem:v6+s2+$0x0], $0xffff  }
0x4b0: {  	v7 =	vld.idx.msk [tilespmem:v7+s2+$0x0], $0xffff  }
0x4b1: {  	v14 =	vld [tilespmem:$0x1F8E0];
	[tilespmem:v18+s10+$0x0] =	vst.idx.msk $0xffff, v15  }
0x4b2: {  	v15 =	vld [tilespmem:$0x1F8F0];
	[tilespmem:v24+s10+$0x0] =	vst.idx.msk $0xffff, v16  }
0x4b3: {  	v16 =	vld [tilespmem:$0x1F900];
	[tilespmem:v25+s10+$0x0] =	vst.idx.msk $0xffff, v13  }
0x4b4: {  	v13 =	vld [tilespmem:$0x1F910]  }
0x4b5: {  	v18 =	vld [tilespmem:$0x1F940]  }
0x4b6: {  	v8 =	vld.idx.msk [tilespmem:v8+s2+$0x0], $0xffff  }
0x4b7: {  	v9 =	vld.idx.msk [tilespmem:v9+s2+$0x0], $0xffff  }
0x4b8: {  	v10 =	vld.idx.msk [tilespmem:v10+s2+$0x0], $0xffff  }
0x4b9: {  	v12 =	vld.idx.msk [tilespmem:v12+s2+$0x0], $0xffff  }
0x4ba: {  	v14 =	vld.idx.msk [tilespmem:v14+s2+$0x0], $0xffff  }
0x4bb: {  	v15 =	vld.idx.msk [tilespmem:v15+s2+$0x0], $0xffff  }
0x4bc: {  	v16 =	vld.idx.msk [tilespmem:v16+s2+$0x0], $0xffff  }
0x4bd: {  	v13 =	vld.idx.msk [tilespmem:v13+s2+$0x0], $0xffff;
	[tilespmem:v18+s10+$0x0] =	vst.idx.msk $0xffff, v0  }
0x4be: {  	v18 =	vld [tilespmem:$0x1F950];
	_ =	sdelay $0x7  }
0x4bf: {  	v0 =	vld [tilespmem:$0x1FC50];
	[tilespmem:v18+s10+$0x0] =	vst.idx.msk $0xffff, v1  }
0x4c0: {  	v18 =	vld [tilespmem:$0x1F960];
	_ =	sdelay $0x7  }
0x4c1: {  	v1 =	vld [tilespmem:$0x1FC70];
	[tilespmem:v18+s10+$0x0] =	vst.idx.msk $0xffff, v2  }
0x4c2: {  	v18 =	vld [tilespmem:$0x1F970];
	_ =	sdelay $0x7  }
0x4c3: {  	v2 =	vld [tilespmem:$0x1FC80];
	[tilespmem:v18+s10+$0x0] =	vst.idx.msk $0xffff, v3  }
0x4c4: {  	v18 =	vld [tilespmem:$0x1F990];
	_ =	sdelay $0x7  }
0x4c5: {  	v3 =	vld [tilespmem:$0x1FCA0];
	[tilespmem:v18+s10+$0x0] =	vst.idx.msk $0xffff, v4  }
0x4c6: {  	v18 =	vld [tilespmem:$0x1F9B0];
	_ =	sdelay $0x7  }
0x4c7: {  	v4 =	vld [tilespmem:$0x1FCB0];
	[tilespmem:v18+s10+$0x0] =	vst.idx.msk $0xffff, v5  }
0x4c8: {  	v18 =	vld [tilespmem:$0x1F9C0];
	_ =	sdelay $0x7  }
0x4c9: {  	v5 =	vld [tilespmem:$0x1FCD0];
	[tilespmem:v18+s10+$0x0] =	vst.idx.msk $0xffff, v6  }
0x4ca: {  	v18 =	vld [tilespmem:$0x1F9D0];
	_ =	sdelay $0x7  }
0x4cb: {  	v6 =	vld [tilespmem:$0x1FCE0];
	[tilespmem:v18+s10+$0x0] =	vst.idx.msk $0xffff, v7  }
0x4cc: {  	v18 =	vld [tilespmem:$0x1F9E0];
	_ =	sdelay $0x7  }
0x4cd: {  	v7 =	vld [tilespmem:$0x1FD00];
	[tilespmem:v18+s10+$0x0] =	vst.idx.msk $0xffff, v8  }
0x4ce: {  	v18 =	vld [tilespmem:$0x1F9F0];
	_ =	sdelay $0x7  }
0x4cf: {  	v8 =	vld [tilespmem:$0x1FD10];
	[tilespmem:v18+s10+$0x0] =	vst.idx.msk $0xffff, v9  }
0x4d0: {  	v18 =	vld [tilespmem:$0x1FA10];
	_ =	sdelay $0x7  }
0x4d1: {  	v9 =	vld [tilespmem:$0x1FD20];
	[tilespmem:v18+s10+$0x0] =	vst.idx.msk $0xffff, v10  }
0x4d2: {  	v18 =	vld [tilespmem:$0x1FA20];
	_ =	sdelay $0x7  }
0x4d3: {  	v10 =	vld [tilespmem:$0x1FD30];
	[tilespmem:v18+s10+$0x0] =	vst.idx.msk $0xffff, v12  }
0x4d4: {  	v18 =	vld [tilespmem:$0x1FA30];
	_ =	sdelay $0x7  }
0x4d5: {  	v12 =	vld [tilespmem:$0x1FD40];
	[tilespmem:v18+s10+$0x0] =	vst.idx.msk $0xffff, v14  }
0x4d6: {  	v18 =	vld [tilespmem:$0x1FA40];
	_ =	sdelay $0x7  }
0x4d7: {  	v14 =	vld [tilespmem:$0x1FD50];
	[tilespmem:v18+s10+$0x0] =	vst.idx.msk $0xffff, v15  }
0x4d8: {  	v18 =	vld [tilespmem:$0x1FA50];
	_ =	sdelay $0x6  }
0x4d9: {  	v0 =	vld.idx.msk [tilespmem:v0+s2+$0x0], $0xffff  }
0x4da: {  	v15 =	vld [tilespmem:$0x1FD60];
	[tilespmem:v18+s10+$0x0] =	vst.idx.msk $0xffff, v16  }
0x4db: {  	v18 =	vld [tilespmem:$0x1FA60]  }
0x4dc: {  	v1 =	vld.idx.msk [tilespmem:v1+s2+$0x0], $0xffff  }
0x4dd: {  	v2 =	vld.idx.msk [tilespmem:v2+s2+$0x0], $0xffff  }
0x4de: {  	v3 =	vld.idx.msk [tilespmem:v3+s2+$0x0], $0xffff  }
0x4df: {  	v4 =	vld.idx.msk [tilespmem:v4+s2+$0x0], $0xffff  }
0x4e0: {  	v5 =	vld.idx.msk [tilespmem:v5+s2+$0x0], $0xffff  }
0x4e1: {  	v6 =	vld.idx.msk [tilespmem:v6+s2+$0x0], $0xffff  }
0x4e2: {  	v7 =	vld.idx.msk [tilespmem:v7+s2+$0x0], $0xffff  }
0x4e3: {  	v16 =	vld [tilespmem:$0x1FD70];
	[tilespmem:v18+s10+$0x0] =	vst.idx.msk $0xffff, v13  }
0x4e4: {  	v13 =	vld [tilespmem:$0x1FD80]  }
0x4e5: {  	v8 =	vld.idx.msk [tilespmem:v8+s2+$0x0], $0xffff  }
0x4e6: {  	v9 =	vld.idx.msk [tilespmem:v9+s2+$0x0], $0xffff  }
0x4e7: {  	v10 =	vld.idx.msk [tilespmem:v10+s2+$0x0], $0xffff  }
0x4e8: {  	v12 =	vld.idx.msk [tilespmem:v12+s2+$0x0], $0xffff  }
0x4e9: {  	v14 =	vld.idx.msk [tilespmem:v14+s2+$0x0], $0xffff  }
0x4ea: {  	v15 =	vld.idx.msk [tilespmem:v15+s2+$0x0], $0xffff  }
0x4eb: {  	v16 =	vld.idx.msk [tilespmem:v16+s2+$0x0], $0xffff  }
0x4ec: {  	v13 =	vld.idx.msk [tilespmem:v13+s2+$0x0], $0xffff;
	[tilespmem:v21+s10+$0x0] =	vst.idx.msk $0xffff, v0  }
0x4ed: {  	[tilespmem:v17+s10+$0x0] =	vst.idx.msk $0xffff, v1  }
0x4ee: {  	[tilespmem:v11+s10+$0x0] =	vst.idx.msk $0xffff, v2  }
0x4ef: {  	v0 =	vld [tilespmem:$0x1FF40];
	_ =	sdelay $0x7  }
0x4f0: {  	[tilespmem:v0+s10+$0x0] =	vst.idx.msk $0xffff, v3  }
0x4f1: {  	v0 =	vld [tilespmem:$0x1FF50];
	_ =	sdelay $0x7  }
0x4f2: {  	[tilespmem:v0+s10+$0x0] =	vst.idx.msk $0xffff, v4  }
0x4f3: {  	v0 =	vld [tilespmem:$0x1FF60];
	_ =	sdelay $0x7  }
0x4f4: {  	[tilespmem:v0+s10+$0x0] =	vst.idx.msk $0xffff, v5  }
0x4f5: {  	v0 =	vld [tilespmem:$0x1FF70];
	_ =	sdelay $0x7  }
0x4f6: {  	[tilespmem:v0+s10+$0x0] =	vst.idx.msk $0xffff, v6  }
0x4f7: {  	v0 =	vld [tilespmem:$0x1FF80];
	_ =	sdelay $0x7  }
0x4f8: {  	[tilespmem:v0+s10+$0x0] =	vst.idx.msk $0xffff, v7  }
0x4f9: {  	v0 =	vld [tilespmem:$0x1FF90];
	_ =	sdelay $0x7  }
0x4fa: {  	[tilespmem:v0+s10+$0x0] =	vst.idx.msk $0xffff, v8  }
0x4fb: {  	v0 =	vld [tilespmem:$0x1FFA0];
	_ =	sdelay $0x7  }
0x4fc: {  	[tilespmem:v0+s10+$0x0] =	vst.idx.msk $0xffff, v9  }
0x4fd: {  	v0 =	vld [tilespmem:$0x1FFB0];
	_ =	sdelay $0x7  }
0x4fe: {  	[tilespmem:v0+s10+$0x0] =	vst.idx.msk $0xffff, v10  }
0x4ff: {  	v0 =	vld [tilespmem:$0x1FFC0];
	_ =	sdelay $0x7  }
0x500: {  	[tilespmem:v0+s10+$0x0] =	vst.idx.msk $0xffff, v12  }
0x501: {  	v0 =	vld [tilespmem:$0x1FFD0];
	_ =	sdelay $0x7  }
0x502: {  	[tilespmem:v0+s10+$0x0] =	vst.idx.msk $0xffff, v14  }
0x503: {  	[tilespmem:v56+s10+$0x0] =	vst.idx.msk $0xffff, v15  }
0x504: {  	[tilespmem:v63+s10+$0x0] =	vst.idx.msk $0xffff, v16  }
0x505: {  	v0 =	vld [tilespmem:$0x1FFE0];
	_ =	sdelay $0x5  }
0x506: {  	s11 =	sadd.s32 $0x1, s11  }
0x507: {  	p0 =	sne.s32 s11, s7  }
.Ltmp1:
0x508: {  	[tilespmem:v0+s10+$0x0] =	vst.idx.msk $0xffff, v13;
	(pc) =	sbr.rel @p0 .LBB2_1-.Ltmp1, $4  }
0x509: {  	[hbm4b:s6+s2] =	stream.linear.scatter [tilespmem:s10], [sflag:$0x2], $0x8000, $0x38;
	[tilespmem:$0x18200] =	vst v63  }
0x50a: {  	_ =	swait.ge [sflag:s9], $0x8000  }
0x50b: {  	[sflag:s9] =	ssyncset.done $0x0  }
0x50c: {  	v18 =	vld [tilespmem:$0x1FFF0];
	[sflag:s9] =	ssyncadd.s32 $0xFFFF8000  }
0x50d: {  	_ =	sfence.sel $0x180000  }
0x50e: {  	[bflag:$0x0] =	sbarrier.arrive $0xFFFF  }
0x50f: {  	p0 =	sne.s32 s0, $0x0;
	_ =	strace $0x90000047  }
0x510: {  	s0 =	sadd.s32 @!p0 $0x100000, s1;
	[bflag:$0x2] =	sbarrier.arrive $0xFFFF  }
0x511: {  	[sflag:s0] =	ssyncadd.tile.s32 @!p0 $0x1;
	_ =	shalt  }
.Lfunc_end2:
_tile_overlayer_lowered:
.L_overlay_start_2:
0x512: {  	(tag) =	ssettag $0x2  }
0x513: {  	s0 =	rddreg [dreg:$0x0];
	s2 =	stileid.u32  }
0x514: {  	s1 =	rddreg [dreg:$0x1];
	p0 =	sne.s32 s2, $0x0  }
0x515: {  	s3 =	rddreg [dreg:$0x2];
	[bflag:$0x3] =	sbarrier.arrive $0xFFFF;
	s2 =	simm.s32 @!p0 $0x1C02  }
0x516: {  	[timem:s3], [sflag:s2] =	dma.local @!p0 [hbm:s0], s1  }
0x517: {  	s0 =	simm.s32 @!p0 $0x2  }
0x518: {  	_ =	swait.ge @!p0 [sflag:s0], s1  }
0x519: {  	s1 =	ssub.s32 @!p0 $0x0, s1;
	[sflag:s0] =	ssyncset.done @!p0 $0x0  }
0x51a: {  	[sflag:s0] =	ssyncadd.s32 @!p0 s1  }
0x51b: {  	[bflag:$0x3] =	sbarrier.arrive $0xFFFF  }
0x51c: {  	_ =	shalt  }

</sc_bundles>
